<compile_context>
chip_gen: v7x
topology: tpu7x:2x2x1
jax: 0.10.2.dev20260603
libtpu: 0.0.44.dev20260713+nightly
codegen_flags: <defaults>
</compile_context>

<pallas_src>
import functools

import jax
import jax.numpy as jnp
from jax import lax
from jax.experimental import pallas as pl
from jax.experimental.pallas import tpu as pltpu
from jax.experimental.pallas import tpu_sc as plsc

N = 10000
E = 320000
D = 128
H = 128
EPS = 1e-5

NC = 2
NS = 16
NW = NC * NS
CHUNK = 128
MAXC = 80
NCHUNK = NW * MAXC
EPAD = NCHUNK * CHUNK - E
NP = 10240
ROWS_PER_TILE = NP // NS
ZROWS = 16
IDXH = MAXC // 2



def _sc_mesh():
  return plsc.VectorSubcoreMesh(core_axis_name="c", subcore_axis_name="s")


def _make_sc_agg():
  scratch = [
      pltpu.VMEM((IDXH, CHUNK), jnp.int32),
      pltpu.VMEM((IDXH, CHUNK), jnp.int32),
      pltpu.VMEM((CHUNK, D), jnp.float32),
      pltpu.VMEM((CHUNK, D), jnp.float32),
      pltpu.VMEM((ZROWS, D), jnp.float32),
      pltpu.SemaphoreType.DMA,
      pltpu.SemaphoreType.DMA,
      pltpu.VMEM_SHARED((NP, D), jnp.float32),
  ]

  def body(h_hbm, e_hbm, z_hbm, agg_hbm, srcv, dstv, rows0, rows1, zv,
           sg0, sg1, acc):
    cid = lax.axis_index("c")
    sid = lax.axis_index("s")
    wid = cid * NS + sid
    row0 = sid * ROWS_PER_TILE

    pltpu.sync_copy(z_hbm, zv)

    @pl.loop(0, ROWS_PER_TILE // ZROWS)
    def _(j):
      pltpu.sync_copy(zv, acc.at[pl.ds(row0 + j * ZROWS, ZROWS)])

    plsc.subcore_barrier()

    bufs = ((rows0, sg0), (rows1, sg1))

    for half in range(2):
      ch0 = wid * MAXC + half * IDXH
      pltpu.sync_copy(e_hbm.at[0, pl.ds(ch0, IDXH)], srcv)
      pltpu.sync_copy(e_hbm.at[1, pl.ds(ch0, IDXH)], dstv)

      for b, (buf, sem) in enumerate(bufs):
        pltpu.async_copy(h_hbm.at[srcv.at[b]], buf, sem)

      @pl.loop(0, IDXH // 2)
      def _(g):
        for b, (buf, sem) in enumerate(bufs):
          c = 2 * g + b
          pltpu.make_async_copy(h_hbm.at[pl.ds(0, CHUNK)], buf, sem).wait()
          pltpu.sync_copy(buf, acc.at[dstv.at[c]], add=True)

          @pl.when(c + 2 < IDXH)
          def _():
            pltpu.async_copy(h_hbm.at[srcv.at[c + 2]], buf, sem)

    plsc.subcore_barrier()

    pltpu.sync_copy(acc.at[pl.ds(row0, ROWS_PER_TILE)],
                    agg_hbm.at[cid, pl.ds(row0, ROWS_PER_TILE)])

  return pl.kernel(body, mesh=_sc_mesh(),
                   out_type=jax.ShapeDtypeStruct((NC, NP, D), jnp.float32),
                   scratch_types=scratch)


def _make_sc_counts():
  scratch = [
      pltpu.VMEM((MAXC, CHUNK), jnp.int32),
      pltpu.VMEM((CHUNK, D), jnp.float32),
      pltpu.VMEM((ZROWS, D), jnp.float32),
      pltpu.VMEM_SHARED((NP, D), jnp.float32),
  ]

  def body(e_hbm, zc_hbm, ones_hbm, cnt_hbm, dstv, onesv, zcv, cacc):
    cid = lax.axis_index("c")
    sid = lax.axis_index("s")
    wid = cid * NS + sid
    row0 = sid * ROWS_PER_TILE

    pltpu.sync_copy(zc_hbm, zcv)
    pltpu.sync_copy(ones_hbm, onesv)

    @pl.loop(0, ROWS_PER_TILE // ZROWS)
    def _(j):
      pltpu.sync_copy(zcv, cacc.at[pl.ds(row0 + j * ZROWS, ZROWS)])

    ch0 = wid * MAXC
    pltpu.sync_copy(e_hbm.at[1, pl.ds(ch0, MAXC)], dstv)

    plsc.subcore_barrier()

    @pl.loop(0, MAXC)
    def _(c):
      pltpu.sync_copy(onesv, cacc.at[dstv.at[c]], add=True)

    plsc.subcore_barrier()

    pltpu.sync_copy(cacc.at[pl.ds(row0, ROWS_PER_TILE)],
                    cnt_hbm.at[cid, pl.ds(row0, ROWS_PER_TILE)])

  return pl.kernel(body, mesh=_sc_mesh(),
                   out_type=jax.ShapeDtypeStruct((NC, NP, D), jnp.float32),
                   scratch_types=scratch)


def _sc_agg(h, e3, zrow):
  return _make_sc_agg()(h, e3, zrow)


def _sc_counts(e3, zcnt, ones):
  return _make_sc_counts()(e3, zcnt, ones)



RB = 1000
GRID = N // RB


def _linear_body(agg_ref, cnt_ref, h_ref, wl_ref, bl_ref, wr_ref,
                 y_ref, st_ref, acc_ref):
  i = pl.program_id(0)
  agg = agg_ref[0] + agg_ref[1]
  cnt = cnt_ref[0, :, :1] + cnt_ref[1, :, :1]
  mean = agg / jnp.maximum(cnt, 1.0)
  y = (jnp.dot(mean, wl_ref[...], preferred_element_type=jnp.float32)
       + jnp.dot(h_ref[...], wr_ref[...], preferred_element_type=jnp.float32)
       + bl_ref[...])
  y_ref[...] = y

  @pl.when(i == 0)
  def _():
    acc_ref[...] = jnp.zeros_like(acc_ref)

  acc_ref[0:1, :] += jnp.sum(y, axis=0, keepdims=True)
  acc_ref[1:2, :] += jnp.sum(y * y, axis=0, keepdims=True)
  st_ref[...] = acc_ref[...]


def _linear(aggp, cntp, h, Wl, bl, Wr):
  return pl.pallas_call(
      _linear_body,
      grid=(GRID,),
      in_specs=[
          pl.BlockSpec((NC, RB, D), lambda i: (0, i, 0)),
          pl.BlockSpec((NC, RB, D), lambda i: (0, i, 0)),
          pl.BlockSpec((RB, D), lambda i: (i, 0)),
          pl.BlockSpec((D, H), lambda i: (0, 0)),
          pl.BlockSpec((1, H), lambda i: (0, 0)),
          pl.BlockSpec((D, H), lambda i: (0, 0)),
      ],
      out_specs=[
          pl.BlockSpec((RB, H), lambda i: (i, 0)),
          pl.BlockSpec((8, 128), lambda i: (0, 0)),
      ],
      out_shape=[
          jax.ShapeDtypeStruct((N, H), jnp.float32),
          jax.ShapeDtypeStruct((8, 128), jnp.float32),
      ],
      scratch_shapes=[pltpu.VMEM((8, 128), jnp.float32)],
  )(aggp, cntp, h, Wl, bl, Wr)




def _norm_body(y_ref, st_ref, w_ref, b_ref, h_ref):
  mu = st_ref[0:1, :] * (1.0 / N)
  var = st_ref[1:2, :] * (1.0 / N) - mu * mu
  inv = lax.rsqrt(var + EPS)
  h = (y_ref[...] - mu) * (inv * w_ref[...]) + b_ref[...]
  h_ref[...] = jnp.maximum(h, 0.0)


def _norm_relu(y, st, w, b):
  return pl.pallas_call(
      _norm_body,
      grid=(GRID,),
      in_specs=[
          pl.BlockSpec((RB, H), lambda i: (i, 0)),
          pl.BlockSpec((8, 128), lambda i: (0, 0)),
          pl.BlockSpec((1, H), lambda i: (0, 0)),
          pl.BlockSpec((1, H), lambda i: (0, 0)),
      ],
      out_specs=pl.BlockSpec((RB, H), lambda i: (i, 0)),
      out_shape=jax.ShapeDtypeStruct((N, H), jnp.float32),
  )(y, st, w, b)


def _head_body(y_ref, st_ref, w_ref, b_ref, wc1_ref, bc1_ref, wc2_ref,
               bc2_ref, o_ref):
  mu = st_ref[0:1, :] * (1.0 / N)
  var = st_ref[1:2, :] * (1.0 / N) - mu * mu
  inv = lax.rsqrt(var + EPS)
  h = (y_ref[...] - mu) * (inv * w_ref[...]) + b_ref[...]
  t = jnp.dot(h, wc1_ref[...], preferred_element_type=jnp.float32)
  t = jnp.maximum(t + bc1_ref[...], 0.0)
  o = jnp.sum(t * wc2_ref[...], axis=1, keepdims=True) + bc2_ref[...]
  o_ref[...] = o


def _head(y, st, w, b, Wc1, bc1, wc2r, bc2r):
  return pl.pallas_call(
      _head_body,
      grid=(GRID,),
      in_specs=[
          pl.BlockSpec((RB, H), lambda i: (i, 0)),
          pl.BlockSpec((8, 128), lambda i: (0, 0)),
          pl.BlockSpec((1, H), lambda i: (0, 0)),
          pl.BlockSpec((1, H), lambda i: (0, 0)),
          pl.BlockSpec((H, H // 2), lambda i: (0, 0)),
          pl.BlockSpec((1, H // 2), lambda i: (0, 0)),
          pl.BlockSpec((1, H // 2), lambda i: (0, 0)),
          pl.BlockSpec((1, 1), lambda i: (0, 0)),
      ],
      out_specs=pl.BlockSpec((RB, 1), lambda i: (i, 0)),
      out_shape=jax.ShapeDtypeStruct((N, 1), jnp.float32),
  )(y, st, w, b, Wc1, bc1, wc2r, bc2r)




def kernel(x, edge_index, Wl1, bl1, Wr1, bnw1, bnb1, Wl2, bl2, Wr2, bnw2,
           bnb2, Wl3, bl3, Wr3, bnw3, bnb3, Wc1, bc1, Wc2, bc2):
  pad_src = jnp.zeros((EPAD,), jnp.int32)
  pad_dst = N + (jnp.arange(EPAD, dtype=jnp.int32) % (NP - N))
  e3 = jnp.concatenate(
      [edge_index, jnp.stack([pad_src, pad_dst])], axis=1
  ).reshape(2, NCHUNK, CHUNK)
  zrow = jnp.zeros((ZROWS, D), jnp.float32)
  ones = jnp.ones((CHUNK, D), jnp.float32)

  cntp = _sc_counts(e3, zrow, ones)
  agg1 = _sc_agg(x, e3, zrow)
  y1, st1 = _linear(agg1, cntp, x, Wl1, bl1.reshape(1, H), Wr1)
  h1 = _norm_relu(y1, st1, bnw1.reshape(1, H), bnb1.reshape(1, H))

  agg2 = _sc_agg(h1, e3, zrow)
  y2, st2 = _linear(agg2, cntp, h1, Wl2, bl2.reshape(1, H), Wr2)
  h2 = _norm_relu(y2, st2, bnw2.reshape(1, H), bnb2.reshape(1, H))

  agg3 = _sc_agg(h2, e3, zrow)
  y3, st3 = _linear(agg3, cntp, h2, Wl3, bl3.reshape(1, H), Wr3)
  out = _head(y3, st3, bnw3.reshape(1, H), bnb3.reshape(1, H),
              Wc1, bc1.reshape(1, H // 2), Wc2.reshape(1, H // 2),
              bc2.reshape(1, 1))
  return out[:, 0]

# --- scband reference (transcript-rebuilt; emitter-appended) ---
"""Pipeline reference for scband-sozclassifier-5677946765443 (READ-ONLY COPY).

The authoritative reference and input builder live on the scoring server;
editing this copy changes nothing except your own understanding.
"""

import jax, jax.numpy as jnp
import numpy as np

N = 10000
E = 320000
D = 128
H = 128
EPS = 1e-5


def setup_inputs(seed: int = 0) -> dict:
    key = jax.random.key(seed)
    ks = jax.random.split(key, 40)
    inp = {}
    inp["x"] = jax.random.normal(ks[0], (N, D), dtype=jnp.float32)
    inp["edge_index"] = jax.random.randint(ks[1], (2, E), 0, N, dtype=jnp.int32)
    ki = 2
    dims = [(D, H), (H, H), (H, H)]
    for i, (din, dout) in enumerate(dims, start=1):
        s = 1.0 / np.sqrt(din)
        inp[f"Wl{i}"] = jax.random.uniform(ks[ki], (din, dout), minval=-s, maxval=s, dtype=jnp.float32); ki += 1
        inp[f"bl{i}"] = jnp.zeros((dout,), dtype=jnp.float32)
        inp[f"Wr{i}"] = jax.random.uniform(ks[ki], (din, dout), minval=-s, maxval=s, dtype=jnp.float32); ki += 1
        inp[f"bnw{i}"] = jnp.ones((dout,), dtype=jnp.float32)
        inp[f"bnb{i}"] = jnp.zeros((dout,), dtype=jnp.float32)
    s = 1.0 / np.sqrt(H)
    inp["Wc1"] = jax.random.uniform(ks[ki], (H, H // 2), minval=-s, maxval=s, dtype=jnp.float32); ki += 1
    inp["bc1"] = jnp.zeros((H // 2,), dtype=jnp.float32)
    s2 = 1.0 / np.sqrt(H // 2)
    inp["Wc2"] = jax.random.uniform(ks[ki], (H // 2, 1), minval=-s2, maxval=s2, dtype=jnp.float32); ki += 1
    inp["bc2"] = jnp.zeros((1,), dtype=jnp.float32)
    return inp


def _sage(x, edge_index, Wl, bl, Wr):
    src = edge_index[0]
    dst = edge_index[1]
    msg = jnp.take(x, src, axis=0)
    agg = jax.ops.segment_sum(msg, dst, num_segments=N)
    cnt = jax.ops.segment_sum(jnp.ones((msg.shape[0],), dtype=x.dtype), dst, num_segments=N)
    mean = agg / jnp.clip(cnt, 1.0, None)[:, None]
    return mean @ Wl + bl + x @ Wr


def _bn(x, w, b):
    mu = jnp.mean(x, axis=0)
    var = jnp.mean((x - mu) ** 2, axis=0)
    return (x - mu) / jnp.sqrt(var + EPS) * w + b


def reference(x, edge_index, Wl1, bl1, Wr1, bnw1, bnb1, Wl2, bl2, Wr2, bnw2, bnb2, Wl3, bl3, Wr3, bnw3, bnb3, Wc1, bc1, Wc2, bc2):
    # dropout is identity (eval mode)
    h = x
    layers = [(Wl1, bl1, Wr1, bnw1, bnb1), (Wl2, bl2, Wr2, bnw2, bnb2), (Wl3, bl3, Wr3, bnw3, bnb3)]
    for i, (Wl, bl, Wr, bnw, bnb) in enumerate(layers):
        h = _sage(h, edge_index, Wl, bl, Wr)
        h = _bn(h, bnw, bnb)
        if i < len(layers) - 1:
            h = jax.nn.relu(h)
    h = jax.nn.relu(h @ Wc1 + bc1)
    out = (h @ Wc2 + bc2).squeeze(-1)
    return out

if __name__ == "__main__":
    import jax
    _d = setup_inputs()
    print(jax.jit(kernel)(*tuple(_d.values())))

</pallas_src>

<mosaic_0001>
#map = affine_map<(d0, d1) -> (0, 0, 0)>
#map1 = affine_map<(d0, d1) -> (0, 0)>
module attributes {stable_mosaic.version = 14 : i64} {
  func.func @body(%arg0: i32, %arg1: i32, %arg2: memref<2x2560x128xi32, #tpu.memory_space<hbm>>, %arg3: memref<16x128xf32, #tpu.memory_space<hbm>>, %arg4: memref<128x128xf32, #tpu.memory_space<hbm>>, %arg5: memref<2x10240x128xf32, #tpu.memory_space<hbm>>, %arg6: memref<80x128xi32, #tpu.memory_space<vmem>>, %arg7: memref<128x128xf32, #tpu.memory_space<vmem>>, %arg8: memref<16x128xf32, #tpu.memory_space<vmem>>, %arg9: memref<10240x128xf32, #tpu.memory_space<vmem_shared>>) attributes {dimension_semantics = [#tpu.dimension_semantics<core_parallel>, #tpu.dimension_semantics<subcore_parallel>], iteration_bounds = array<i64: 2, 16>, scalar_prefetch = 0 : i64, scratch_operands = 4 : i64, tpu.core_type = #tpu.core_type<sc_vector_subcore>, window_params = [{transform_indices = #map}, {transform_indices = #map1}, {transform_indices = #map1}, {transform_indices = #map}]} {
    %mul3A = arith.constant 16 : i32
    %mul3A_0 = arith.muli %arg0, %mul3A : i32
    %add3A = arith.addi %mul3A_0, %arg1 : i32
    %mul3A_1 = arith.constant 640 : i32
    %mul3A_2 = arith.muli %arg1, %mul3A_1 : i32
    "tpu.region"() ({
      %run_scoped3A_15 = tpu.sem_alloc : memref<!tpu.dma_semaphore, #tpu.memory_space<semaphore_mem>>
      tpu.enqueue_dma source(%arg3 : memref<16x128xf32, #tpu.memory_space<hbm>>) target(%arg8 : memref<16x128xf32, #tpu.memory_space<vmem>>) target_semaphore(%run_scoped3A_15 : memref<!tpu.dma_semaphore, #tpu.memory_space<semaphore_mem>>)
      tpu.wait_dma2 semaphore(%run_scoped3A_15 : memref<!tpu.dma_semaphore, #tpu.memory_space<semaphore_mem>>) src(%arg3 : memref<16x128xf32, #tpu.memory_space<hbm>>) dst(%arg8 : memref<16x128xf32, #tpu.memory_space<vmem>>)
      tpu.yield
    }) : () -> ()
    "tpu.region"() ({
      %run_scoped3A_15 = tpu.sem_alloc : memref<!tpu.dma_semaphore, #tpu.memory_space<semaphore_mem>>
      tpu.enqueue_dma source(%arg4 : memref<128x128xf32, #tpu.memory_space<hbm>>) target(%arg7 : memref<128x128xf32, #tpu.memory_space<vmem>>) target_semaphore(%run_scoped3A_15 : memref<!tpu.dma_semaphore, #tpu.memory_space<semaphore_mem>>)
      tpu.wait_dma2 semaphore(%run_scoped3A_15 : memref<!tpu.dma_semaphore, #tpu.memory_space<semaphore_mem>>) src(%arg4 : memref<128x128xf32, #tpu.memory_space<hbm>>) dst(%arg7 : memref<128x128xf32, #tpu.memory_space<vmem>>)
      tpu.yield
    }) : () -> ()
    %scan3A = arith.constant 0 : i32
    %scan3A_3 = arith.constant 40 : i32
    %scan3A_4 = arith.addi %scan3A, %scan3A_3 : i32
    %scan3A_5 = arith.constant 1 : i32
    scf.for %scan3A_15 = %scan3A to %scan3A_4 step %scan3A_5  : i32 {
      %mul3A_16 = arith.constant 1 : i32
      %mul3A_17 = arith.muli %scan3A_15, %mul3A_16 : i32
      %add3A_18 = arith.constant 0 : i32
      %add3A_19 = arith.addi %add3A_18, %mul3A_17 : i32
      %mul3A_20 = arith.constant 16 : i32
      %mul3A_21 = arith.muli %add3A_19, %mul3A_20 : i32
      %add3A_22 = arith.addi %mul3A_2, %mul3A_21 : i32
      "tpu.region"() ({
        %run_scoped3A_23 = tpu.sem_alloc : memref<!tpu.dma_semaphore, #tpu.memory_space<semaphore_mem>>
        %dma_start3A = arith.constant 0 : i32
        %dma_start3A_24 = tpu.memref_slice %arg9[%add3A_22, %dma_start3A] : memref<10240x128xf32, #tpu.memory_space<vmem_shared>> -> memref<16x128xf32, #tpu.memory_space<vmem_shared>>
        %dma_start3A_25 = arith.constant 0 : i32
        %dma_start3A_26 = tpu.memref_slice %arg9[%add3A_22, %dma_start3A_25] : memref<10240x128xf32, #tpu.memory_space<vmem_shared>> -> memref<16x128xf32, #tpu.memory_space<vmem_shared>>
        tpu.enqueue_dma source(%arg8 : memref<16x128xf32, #tpu.memory_space<vmem>>) target(%dma_start3A_26 : memref<16x128xf32, #tpu.memory_space<vmem_shared>>) target_semaphore(%run_scoped3A_23 : memref<!tpu.dma_semaphore, #tpu.memory_space<semaphore_mem>>)
        %dma_wait3A = arith.constant 0 : i32
        %dma_wait3A_27 = tpu.memref_slice %arg9[%add3A_22, %dma_wait3A] : memref<10240x128xf32, #tpu.memory_space<vmem_shared>> -> memref<16x128xf32, #tpu.memory_space<vmem_shared>>
        %dma_wait3A_28 = arith.constant 0 : i32
        %dma_wait3A_29 = tpu.memref_slice %arg9[%add3A_22, %dma_wait3A_28] : memref<10240x128xf32, #tpu.memory_space<vmem_shared>> -> memref<16x128xf32, #tpu.memory_space<vmem_shared>>
        tpu.wait_dma2 semaphore(%run_scoped3A_23 : memref<!tpu.dma_semaphore, #tpu.memory_space<semaphore_mem>>) src(%arg8 : memref<16x128xf32, #tpu.memory_space<vmem>>) dst(%dma_wait3A_29 : memref<16x128xf32, #tpu.memory_space<vmem_shared>>)
        tpu.yield
      }) : () -> ()
    }
    %scan3A_6 = arith.constant 40 : i32
    %mul3A_7 = arith.constant 80 : i32
    %mul3A_8 = arith.muli %add3A, %mul3A_7 : i32
    %run_scoped3A = arith.constant 1 : i32
    "tpu.region"() ({
      %run_scoped3A_15 = tpu.sem_alloc : memref<!tpu.dma_semaphore, #tpu.memory_space<semaphore_mem>>
      %dma_start3A = arith.constant 0 : i32
      %dma_start3A_16 = tpu.memref_slice %arg2[%run_scoped3A, %mul3A_8, %dma_start3A] : memref<2x2560x128xi32, #tpu.memory_space<hbm>> -> memref<1x80x128xi32, #tpu.memory_space<hbm>>
      %dma_start3A_17 = tpu.memref_squeeze %dma_start3A_16 : memref<1x80x128xi32, #tpu.memory_space<hbm>> -> memref<80x128xi32, #tpu.memory_space<hbm>>
      %dma_start3A_18 = arith.constant 0 : i32
      %dma_start3A_19 = tpu.memref_slice %arg2[%run_scoped3A, %mul3A_8, %dma_start3A_18] : memref<2x2560x128xi32, #tpu.memory_space<hbm>> -> memref<1x80x128xi32, #tpu.memory_space<hbm>>
      %dma_start3A_20 = tpu.memref_squeeze %dma_start3A_19 : memref<1x80x128xi32, #tpu.memory_space<hbm>> -> memref<80x128xi32, #tpu.memory_space<hbm>>
      tpu.enqueue_dma source(%dma_start3A_20 : memref<80x128xi32, #tpu.memory_space<hbm>>) target(%arg6 : memref<80x128xi32, #tpu.memory_space<vmem>>) target_semaphore(%run_scoped3A_15 : memref<!tpu.dma_semaphore, #tpu.memory_space<semaphore_mem>>)
      %dma_wait3A = arith.constant 0 : i32
      %dma_wait3A_21 = tpu.memref_slice %arg2[%run_scoped3A, %mul3A_8, %dma_wait3A] : memref<2x2560x128xi32, #tpu.memory_space<hbm>> -> memref<1x80x128xi32, #tpu.memory_space<hbm>>
      %dma_wait3A_22 = tpu.memref_squeeze %dma_wait3A_21 : memref<1x80x128xi32, #tpu.memory_space<hbm>> -> memref<80x128xi32, #tpu.memory_space<hbm>>
      %dma_wait3A_23 = arith.constant 0 : i32
      %dma_wait3A_24 = tpu.memref_slice %arg2[%run_scoped3A, %mul3A_8, %dma_wait3A_23] : memref<2x2560x128xi32, #tpu.memory_space<hbm>> -> memref<1x80x128xi32, #tpu.memory_space<hbm>>
      %dma_wait3A_25 = tpu.memref_squeeze %dma_wait3A_24 : memref<1x80x128xi32, #tpu.memory_space<hbm>> -> memref<80x128xi32, #tpu.memory_space<hbm>>
      tpu.wait_dma2 semaphore(%run_scoped3A_15 : memref<!tpu.dma_semaphore, #tpu.memory_space<semaphore_mem>>) src(%dma_wait3A_25 : memref<80x128xi32, #tpu.memory_space<hbm>>) dst(%arg6 : memref<80x128xi32, #tpu.memory_space<vmem>>)
      tpu.yield
    }) : () -> ()
    %barrier3A = arith.constant 0 : index
    tpu.barrier barrier_id(%barrier3A)
    %scan3A_9 = arith.constant 0 : i32
    %scan3A_10 = arith.constant 80 : i32
    %scan3A_11 = arith.addi %scan3A_9, %scan3A_10 : i32
    %scan3A_12 = arith.constant 1 : i32
    scf.for %scan3A_15 = %scan3A_9 to %scan3A_11 step %scan3A_12  : i32 {
      %mul3A_16 = arith.constant 1 : i32
      %mul3A_17 = arith.muli %scan3A_15, %mul3A_16 : i32
      %add3A_18 = arith.constant 0 : i32
      %add3A_19 = arith.addi %add3A_18, %mul3A_17 : i32
      "tpu.region"() ({
        %run_scoped3A_20 = tpu.sem_alloc : memref<!tpu.dma_semaphore, #tpu.memory_space<semaphore_mem>>
        %dma_start3A = arith.constant 0 : i32
        %dma_start3A_21 = tpu.memref_slice %arg6[%add3A_19, %dma_start3A] : memref<80x128xi32, #tpu.memory_space<vmem>> -> memref<1x128xi32, #tpu.memory_space<vmem>>
        %dma_start3A_22 = tpu.memref_squeeze %dma_start3A_21 : memref<1x128xi32, #tpu.memory_space<vmem>> -> memref<128xi32, #tpu.memory_space<vmem>>
        %dma_start3A_23 = arith.constant 0 : i32
        %dma_start3A_24 = arith.constant 0 : i32
        %dma_start3A_25 = tpu.memref_slice %arg9[%dma_start3A_23, %dma_start3A_24] : memref<10240x128xf32, #tpu.memory_space<vmem_shared>> -> memref<10240x128xf32, #tpu.memory_space<vmem_shared>>
        tpu.enqueue_indirect_dma source(%arg7 : memref<128x128xf32, #tpu.memory_space<vmem>>) target(%dma_start3A_25 : memref<10240x128xf32, #tpu.memory_space<vmem_shared>>) offsets(%dma_start3A_22 : memref<128xi32, #tpu.memory_space<vmem>>) semaphore(%run_scoped3A_20 : memref<!tpu.dma_semaphore, #tpu.memory_space<semaphore_mem>>) {add = true}
        %dma_wait3A = arith.constant 0 : i32
        %dma_wait3A_26 = tpu.memref_slice %arg6[%add3A_19, %dma_wait3A] : memref<80x128xi32, #tpu.memory_space<vmem>> -> memref<1x128xi32, #tpu.memory_space<vmem>>
        %dma_wait3A_27 = tpu.memref_squeeze %dma_wait3A_26 : memref<1x128xi32, #tpu.memory_space<vmem>> -> memref<128xi32, #tpu.memory_space<vmem>>
        %dma_wait3A_28 = arith.constant 0 : i32
        %dma_wait3A_29 = arith.constant 0 : i32
        %dma_wait3A_30 = tpu.memref_slice %arg9[%dma_wait3A_28, %dma_wait3A_29] : memref<10240x128xf32, #tpu.memory_space<vmem_shared>> -> memref<10240x128xf32, #tpu.memory_space<vmem_shared>>
        tpu.wait_indirect_dma semaphore(%run_scoped3A_20 : memref<!tpu.dma_semaphore, #tpu.memory_space<semaphore_mem>>) src(%arg7 : memref<128x128xf32, #tpu.memory_space<vmem>>) dst(%dma_wait3A_30 : memref<10240x128xf32, #tpu.memory_space<vmem_shared>>)
        tpu.yield
      }) : () -> ()
    }
    %scan3A_13 = arith.constant 80 : i32
    %barrier3A_14 = arith.constant 0 : index
    tpu.barrier barrier_id(%barrier3A_14)
    "tpu.region"() ({
      %run_scoped3A_15 = tpu.sem_alloc : memref<!tpu.dma_semaphore, #tpu.memory_space<semaphore_mem>>
      %dma_start3A = arith.constant 0 : i32
      %dma_start3A_16 = tpu.memref_slice %arg5[%arg0, %mul3A_2, %dma_start3A] : memref<2x10240x128xf32, #tpu.memory_space<hbm>> -> memref<1x640x128xf32, #tpu.memory_space<hbm>>
      %dma_start3A_17 = tpu.memref_squeeze %dma_start3A_16 : memref<1x640x128xf32, #tpu.memory_space<hbm>> -> memref<640x128xf32, #tpu.memory_space<hbm>>
      %dma_start3A_18 = arith.constant 0 : i32
      %dma_start3A_19 = tpu.memref_slice %arg9[%mul3A_2, %dma_start3A_18] : memref<10240x128xf32, #tpu.memory_space<vmem_shared>> -> memref<640x128xf32, #tpu.memory_space<vmem_shared>>
      tpu.enqueue_dma source(%dma_start3A_19 : memref<640x128xf32, #tpu.memory_space<vmem_shared>>) target(%dma_start3A_17 : memref<640x128xf32, #tpu.memory_space<hbm>>) target_semaphore(%run_scoped3A_15 : memref<!tpu.dma_semaphore, #tpu.memory_space<semaphore_mem>>)
      %dma_wait3A = arith.constant 0 : i32
      %dma_wait3A_20 = tpu.memref_slice %arg5[%arg0, %mul3A_2, %dma_wait3A] : memref<2x10240x128xf32, #tpu.memory_space<hbm>> -> memref<1x640x128xf32, #tpu.memory_space<hbm>>
      %dma_wait3A_21 = tpu.memref_squeeze %dma_wait3A_20 : memref<1x640x128xf32, #tpu.memory_space<hbm>> -> memref<640x128xf32, #tpu.memory_space<hbm>>
      %dma_wait3A_22 = arith.constant 0 : i32
      %dma_wait3A_23 = tpu.memref_slice %arg9[%mul3A_2, %dma_wait3A_22] : memref<10240x128xf32, #tpu.memory_space<vmem_shared>> -> memref<640x128xf32, #tpu.memory_space<vmem_shared>>
      tpu.wait_dma2 semaphore(%run_scoped3A_15 : memref<!tpu.dma_semaphore, #tpu.memory_space<semaphore_mem>>) src(%dma_wait3A_23 : memref<640x128xf32, #tpu.memory_space<vmem_shared>>) dst(%dma_wait3A_21 : memref<640x128xf32, #tpu.memory_space<hbm>>)
      tpu.yield
    }) : () -> ()
    return
  }
}

#map = affine_map<(d0, d1) -> (0, 0)>
#map1 = affine_map<(d0, d1) -> (0, 0, 0)>
module attributes {stable_mosaic.version = 14 : i64} {
  func.func @body(%arg0: i32, %arg1: i32, %arg2: memref<10000x128xf32, #tpu.memory_space<hbm>>, %arg3: memref<2x2560x128xi32, #tpu.memory_space<hbm>>, %arg4: memref<16x128xf32, #tpu.memory_space<hbm>>, %arg5: memref<2x10240x128xf32, #tpu.memory_space<hbm>>, %arg6: memref<40x128xi32, #tpu.memory_space<vmem>>, %arg7: memref<40x128xi32, #tpu.memory_space<vmem>>, %arg8: memref<128x128xf32, #tpu.memory_space<vmem>>, %arg9: memref<128x128xf32, #tpu.memory_space<vmem>>, %arg10: memref<16x128xf32, #tpu.memory_space<vmem>>, %arg11: memref<!tpu.dma_semaphore, #tpu.memory_space<semaphore_mem>>, %arg12: memref<!tpu.dma_semaphore, #tpu.memory_space<semaphore_mem>>, %arg13: memref<10240x128xf32, #tpu.memory_space<vmem_shared>>) attributes {dimension_semantics = [#tpu.dimension_semantics<core_parallel>, #tpu.dimension_semantics<subcore_parallel>], iteration_bounds = array<i64: 2, 16>, scalar_prefetch = 0 : i64, scratch_operands = 8 : i64, tpu.core_type = #tpu.core_type<sc_vector_subcore>, window_params = [{transform_indices = #map}, {transform_indices = #map1}, {transform_indices = #map}, {transform_indices = #map1}]} {
    %mul3A = arith.constant 16 : i32
    %mul3A_0 = arith.muli %arg0, %mul3A : i32
    %add3A = arith.addi %mul3A_0, %arg1 : i32
    %mul3A_1 = arith.constant 640 : i32
    %mul3A_2 = arith.muli %arg1, %mul3A_1 : i32
    "tpu.region"() ({
      %run_scoped3A_56 = tpu.sem_alloc : memref<!tpu.dma_semaphore, #tpu.memory_space<semaphore_mem>>
      tpu.enqueue_dma source(%arg4 : memref<16x128xf32, #tpu.memory_space<hbm>>) target(%arg10 : memref<16x128xf32, #tpu.memory_space<vmem>>) target_semaphore(%run_scoped3A_56 : memref<!tpu.dma_semaphore, #tpu.memory_space<semaphore_mem>>)
      tpu.wait_dma2 semaphore(%run_scoped3A_56 : memref<!tpu.dma_semaphore, #tpu.memory_space<semaphore_mem>>) src(%arg4 : memref<16x128xf32, #tpu.memory_space<hbm>>) dst(%arg10 : memref<16x128xf32, #tpu.memory_space<vmem>>)
      tpu.yield
    }) : () -> ()
    %scan3A = arith.constant 0 : i32
    %scan3A_3 = arith.constant 40 : i32
    %scan3A_4 = arith.addi %scan3A, %scan3A_3 : i32
    %scan3A_5 = arith.constant 1 : i32
    scf.for %scan3A_56 = %scan3A to %scan3A_4 step %scan3A_5  : i32 {
      %mul3A_57 = arith.constant 1 : i32
      %mul3A_58 = arith.muli %scan3A_56, %mul3A_57 : i32
      %add3A_59 = arith.constant 0 : i32
      %add3A_60 = arith.addi %add3A_59, %mul3A_58 : i32
      %mul3A_61 = arith.constant 16 : i32
      %mul3A_62 = arith.muli %add3A_60, %mul3A_61 : i32
      %add3A_63 = arith.addi %mul3A_2, %mul3A_62 : i32
      "tpu.region"() ({
        %run_scoped3A_64 = tpu.sem_alloc : memref<!tpu.dma_semaphore, #tpu.memory_space<semaphore_mem>>
        %dma_start3A_65 = arith.constant 0 : i32
        %dma_start3A_66 = tpu.memref_slice %arg13[%add3A_63, %dma_start3A_65] : memref<10240x128xf32, #tpu.memory_space<vmem_shared>> -> memref<16x128xf32, #tpu.memory_space<vmem_shared>>
        %dma_start3A_67 = arith.constant 0 : i32
        %dma_start3A_68 = tpu.memref_slice %arg13[%add3A_63, %dma_start3A_67] : memref<10240x128xf32, #tpu.memory_space<vmem_shared>> -> memref<16x128xf32, #tpu.memory_space<vmem_shared>>
        tpu.enqueue_dma source(%arg10 : memref<16x128xf32, #tpu.memory_space<vmem>>) target(%dma_start3A_68 : memref<16x128xf32, #tpu.memory_space<vmem_shared>>) target_semaphore(%run_scoped3A_64 : memref<!tpu.dma_semaphore, #tpu.memory_space<semaphore_mem>>)
        %dma_wait3A = arith.constant 0 : i32
        %dma_wait3A_69 = tpu.memref_slice %arg13[%add3A_63, %dma_wait3A] : memref<10240x128xf32, #tpu.memory_space<vmem_shared>> -> memref<16x128xf32, #tpu.memory_space<vmem_shared>>
        %dma_wait3A_70 = arith.constant 0 : i32
        %dma_wait3A_71 = tpu.memref_slice %arg13[%add3A_63, %dma_wait3A_70] : memref<10240x128xf32, #tpu.memory_space<vmem_shared>> -> memref<16x128xf32, #tpu.memory_space<vmem_shared>>
        tpu.wait_dma2 semaphore(%run_scoped3A_64 : memref<!tpu.dma_semaphore, #tpu.memory_space<semaphore_mem>>) src(%arg10 : memref<16x128xf32, #tpu.memory_space<vmem>>) dst(%dma_wait3A_71 : memref<16x128xf32, #tpu.memory_space<vmem_shared>>)
        tpu.yield
      }) : () -> ()
    }
    %scan3A_6 = arith.constant 40 : i32
    %barrier3A = arith.constant 0 : index
    tpu.barrier barrier_id(%barrier3A)
    %mul3A_7 = arith.constant 80 : i32
    %mul3A_8 = arith.muli %add3A, %mul3A_7 : i32
    %add3A_9 = arith.constant 0 : i32
    %add3A_10 = arith.addi %mul3A_8, %add3A_9 : i32
    %run_scoped3A = arith.constant 0 : i32
    "tpu.region"() ({
      %run_scoped3A_56 = tpu.sem_alloc : memref<!tpu.dma_semaphore, #tpu.memory_space<semaphore_mem>>
      %dma_start3A_57 = arith.constant 0 : i32
      %dma_start3A_58 = tpu.memref_slice %arg3[%run_scoped3A, %add3A_10, %dma_start3A_57] : memref<2x2560x128xi32, #tpu.memory_space<hbm>> -> memref<1x40x128xi32, #tpu.memory_space<hbm>>
      %dma_start3A_59 = tpu.memref_squeeze %dma_start3A_58 : memref<1x40x128xi32, #tpu.memory_space<hbm>> -> memref<40x128xi32, #tpu.memory_space<hbm>>
      %dma_start3A_60 = arith.constant 0 : i32
      %dma_start3A_61 = tpu.memref_slice %arg3[%run_scoped3A, %add3A_10, %dma_start3A_60] : memref<2x2560x128xi32, #tpu.memory_space<hbm>> -> memref<1x40x128xi32, #tpu.memory_space<hbm>>
      %dma_start3A_62 = tpu.memref_squeeze %dma_start3A_61 : memref<1x40x128xi32, #tpu.memory_space<hbm>> -> memref<40x128xi32, #tpu.memory_space<hbm>>
      tpu.enqueue_dma source(%dma_start3A_62 : memref<40x128xi32, #tpu.memory_space<hbm>>) target(%arg6 : memref<40x128xi32, #tpu.memory_space<vmem>>) target_semaphore(%run_scoped3A_56 : memref<!tpu.dma_semaphore, #tpu.memory_space<semaphore_mem>>)
      %dma_wait3A = arith.constant 0 : i32
      %dma_wait3A_63 = tpu.memref_slice %arg3[%run_scoped3A, %add3A_10, %dma_wait3A] : memref<2x2560x128xi32, #tpu.memory_space<hbm>> -> memref<1x40x128xi32, #tpu.memory_space<hbm>>
      %dma_wait3A_64 = tpu.memref_squeeze %dma_wait3A_63 : memref<1x40x128xi32, #tpu.memory_space<hbm>> -> memref<40x128xi32, #tpu.memory_space<hbm>>
      %dma_wait3A_65 = arith.constant 0 : i32
      %dma_wait3A_66 = tpu.memref_slice %arg3[%run_scoped3A, %add3A_10, %dma_wait3A_65] : memref<2x2560x128xi32, #tpu.memory_space<hbm>> -> memref<1x40x128xi32, #tpu.memory_space<hbm>>
      %dma_wait3A_67 = tpu.memref_squeeze %dma_wait3A_66 : memref<1x40x128xi32, #tpu.memory_space<hbm>> -> memref<40x128xi32, #tpu.memory_space<hbm>>
      tpu.wait_dma2 semaphore(%run_scoped3A_56 : memref<!tpu.dma_semaphore, #tpu.memory_space<semaphore_mem>>) src(%dma_wait3A_67 : memref<40x128xi32, #tpu.memory_space<hbm>>) dst(%arg6 : memref<40x128xi32, #tpu.memory_space<vmem>>)
      tpu.yield
    }) : () -> ()
    %run_scoped3A_11 = arith.constant 1 : i32
    "tpu.region"() ({
      %run_scoped3A_56 = tpu.sem_alloc : memref<!tpu.dma_semaphore, #tpu.memory_space<semaphore_mem>>
      %dma_start3A_57 = arith.constant 0 : i32
      %dma_start3A_58 = tpu.memref_slice %arg3[%run_scoped3A_11, %add3A_10, %dma_start3A_57] : memref<2x2560x128xi32, #tpu.memory_space<hbm>> -> memref<1x40x128xi32, #tpu.memory_space<hbm>>
      %dma_start3A_59 = tpu.memref_squeeze %dma_start3A_58 : memref<1x40x128xi32, #tpu.memory_space<hbm>> -> memref<40x128xi32, #tpu.memory_space<hbm>>
      %dma_start3A_60 = arith.constant 0 : i32
      %dma_start3A_61 = tpu.memref_slice %arg3[%run_scoped3A_11, %add3A_10, %dma_start3A_60] : memref<2x2560x128xi32, #tpu.memory_space<hbm>> -> memref<1x40x128xi32, #tpu.memory_space<hbm>>
      %dma_start3A_62 = tpu.memref_squeeze %dma_start3A_61 : memref<1x40x128xi32, #tpu.memory_space<hbm>> -> memref<40x128xi32, #tpu.memory_space<hbm>>
      tpu.enqueue_dma source(%dma_start3A_62 : memref<40x128xi32, #tpu.memory_space<hbm>>) target(%arg7 : memref<40x128xi32, #tpu.memory_space<vmem>>) target_semaphore(%run_scoped3A_56 : memref<!tpu.dma_semaphore, #tpu.memory_space<semaphore_mem>>)
      %dma_wait3A = arith.constant 0 : i32
      %dma_wait3A_63 = tpu.memref_slice %arg3[%run_scoped3A_11, %add3A_10, %dma_wait3A] : memref<2x2560x128xi32, #tpu.memory_space<hbm>> -> memref<1x40x128xi32, #tpu.memory_space<hbm>>
      %dma_wait3A_64 = tpu.memref_squeeze %dma_wait3A_63 : memref<1x40x128xi32, #tpu.memory_space<hbm>> -> memref<40x128xi32, #tpu.memory_space<hbm>>
      %dma_wait3A_65 = arith.constant 0 : i32
      %dma_wait3A_66 = tpu.memref_slice %arg3[%run_scoped3A_11, %add3A_10, %dma_wait3A_65] : memref<2x2560x128xi32, #tpu.memory_space<hbm>> -> memref<1x40x128xi32, #tpu.memory_space<hbm>>
      %dma_wait3A_67 = tpu.memref_squeeze %dma_wait3A_66 : memref<1x40x128xi32, #tpu.memory_space<hbm>> -> memref<40x128xi32, #tpu.memory_space<hbm>>
      tpu.wait_dma2 semaphore(%run_scoped3A_56 : memref<!tpu.dma_semaphore, #tpu.memory_space<semaphore_mem>>) src(%dma_wait3A_67 : memref<40x128xi32, #tpu.memory_space<hbm>>) dst(%arg7 : memref<40x128xi32, #tpu.memory_space<vmem>>)
      tpu.yield
    }) : () -> ()
    %dma_start3A = arith.constant 0 : i32
    %dma_start3A_12 = arith.constant 0 : i32
    %dma_start3A_13 = tpu.memref_slice %arg6[%dma_start3A, %dma_start3A_12] : memref<40x128xi32, #tpu.memory_space<vmem>> -> memref<1x128xi32, #tpu.memory_space<vmem>>
    %dma_start3A_14 = tpu.memref_squeeze %dma_start3A_13 : memref<1x128xi32, #tpu.memory_space<vmem>> -> memref<128xi32, #tpu.memory_space<vmem>>
    %dma_start3A_15 = arith.constant 0 : i32
    %dma_start3A_16 = arith.constant 0 : i32
    %dma_start3A_17 = tpu.memref_slice %arg2[%dma_start3A_15, %dma_start3A_16] : memref<10000x128xf32, #tpu.memory_space<hbm>> -> memref<10000x128xf32, #tpu.memory_space<hbm>>
    tpu.enqueue_indirect_dma source(%dma_start3A_17 : memref<10000x128xf32, #tpu.memory_space<hbm>>) target(%arg8 : memref<128x128xf32, #tpu.memory_space<vmem>>) offsets(%dma_start3A_14 : memref<128xi32, #tpu.memory_space<vmem>>) semaphore(%arg11 : memref<!tpu.dma_semaphore, #tpu.memory_space<semaphore_mem>>)
    %dma_start3A_18 = arith.constant 1 : i32
    %dma_start3A_19 = arith.constant 0 : i32
    %dma_start3A_20 = tpu.memref_slice %arg6[%dma_start3A_18, %dma_start3A_19] : memref<40x128xi32, #tpu.memory_space<vmem>> -> memref<1x128xi32, #tpu.memory_space<vmem>>
    %dma_start3A_21 = tpu.memref_squeeze %dma_start3A_20 : memref<1x128xi32, #tpu.memory_space<vmem>> -> memref<128xi32, #tpu.memory_space<vmem>>
    %dma_start3A_22 = arith.constant 0 : i32
    %dma_start3A_23 = arith.constant 0 : i32
    %dma_start3A_24 = tpu.memref_slice %arg2[%dma_start3A_22, %dma_start3A_23] : memref<10000x128xf32, #tpu.memory_space<hbm>> -> memref<10000x128xf32, #tpu.memory_space<hbm>>
    tpu.enqueue_indirect_dma source(%dma_start3A_24 : memref<10000x128xf32, #tpu.memory_space<hbm>>) target(%arg9 : memref<128x128xf32, #tpu.memory_space<vmem>>) offsets(%dma_start3A_21 : memref<128xi32, #tpu.memory_space<vmem>>) semaphore(%arg12 : memref<!tpu.dma_semaphore, #tpu.memory_space<semaphore_mem>>)
    %scan3A_25 = arith.constant 0 : i32
    %scan3A_26 = arith.constant 20 : i32
    %scan3A_27 = arith.addi %scan3A_25, %scan3A_26 : i32
    %scan3A_28 = arith.constant 1 : i32
    scf.for %scan3A_56 = %scan3A_25 to %scan3A_27 step %scan3A_28  : i32 {
      %mul3A_57 = arith.constant 1 : i32
      %mul3A_58 = arith.muli %scan3A_56, %mul3A_57 : i32
      %add3A_59 = arith.constant 0 : i32
      %add3A_60 = arith.addi %add3A_59, %mul3A_58 : i32
      %mul3A_61 = arith.constant 2 : i32
      %mul3A_62 = arith.muli %mul3A_61, %add3A_60 : i32
      %add3A_63 = arith.constant 0 : i32
      %add3A_64 = arith.addi %mul3A_62, %add3A_63 : i32
      %dma_wait3A = arith.constant 0 : i32
      %dma_wait3A_65 = arith.constant 0 : i32
      %dma_wait3A_66 = tpu.memref_slice %arg2[%dma_wait3A, %dma_wait3A_65] : memref<10000x128xf32, #tpu.memory_space<hbm>> -> memref<128x128xf32, #tpu.memory_space<hbm>>
      %dma_wait3A_67 = arith.constant 0 : i32
      %dma_wait3A_68 = arith.constant 0 : i32
      %dma_wait3A_69 = tpu.memref_slice %arg2[%dma_wait3A_67, %dma_wait3A_68] : memref<10000x128xf32, #tpu.memory_space<hbm>> -> memref<128x128xf32, #tpu.memory_space<hbm>>
      tpu.wait_dma2 semaphore(%arg11 : memref<!tpu.dma_semaphore, #tpu.memory_space<semaphore_mem>>) src(%dma_wait3A_69 : memref<128x128xf32, #tpu.memory_space<hbm>>) dst(%arg8 : memref<128x128xf32, #tpu.memory_space<vmem>>)
      "tpu.region"() ({
        %run_scoped3A_91 = tpu.sem_alloc : memref<!tpu.dma_semaphore, #tpu.memory_space<semaphore_mem>>
        %dma_start3A_92 = arith.constant 0 : i32
        %dma_start3A_93 = tpu.memref_slice %arg7[%add3A_64, %dma_start3A_92] : memref<40x128xi32, #tpu.memory_space<vmem>> -> memref<1x128xi32, #tpu.memory_space<vmem>>
        %dma_start3A_94 = tpu.memref_squeeze %dma_start3A_93 : memref<1x128xi32, #tpu.memory_space<vmem>> -> memref<128xi32, #tpu.memory_space<vmem>>
        %dma_start3A_95 = arith.constant 0 : i32
        %dma_start3A_96 = arith.constant 0 : i32
        %dma_start3A_97 = tpu.memref_slice %arg13[%dma_start3A_95, %dma_start3A_96] : memref<10240x128xf32, #tpu.memory_space<vmem_shared>> -> memref<10240x128xf32, #tpu.memory_space<vmem_shared>>
        tpu.enqueue_indirect_dma source(%arg8 : memref<128x128xf32, #tpu.memory_space<vmem>>) target(%dma_start3A_97 : memref<10240x128xf32, #tpu.memory_space<vmem_shared>>) offsets(%dma_start3A_94 : memref<128xi32, #tpu.memory_space<vmem>>) semaphore(%run_scoped3A_91 : memref<!tpu.dma_semaphore, #tpu.memory_space<semaphore_mem>>) {add = true}
        %dma_wait3A_98 = arith.constant 0 : i32
        %dma_wait3A_99 = tpu.memref_slice %arg7[%add3A_64, %dma_wait3A_98] : memref<40x128xi32, #tpu.memory_space<vmem>> -> memref<1x128xi32, #tpu.memory_space<vmem>>
        %dma_wait3A_100 = tpu.memref_squeeze %dma_wait3A_99 : memref<1x128xi32, #tpu.memory_space<vmem>> -> memref<128xi32, #tpu.memory_space<vmem>>
        %dma_wait3A_101 = arith.constant 0 : i32
        %dma_wait3A_102 = arith.constant 0 : i32
        %dma_wait3A_103 = tpu.memref_slice %arg13[%dma_wait3A_101, %dma_wait3A_102] : memref<10240x128xf32, #tpu.memory_space<vmem_shared>> -> memref<10240x128xf32, #tpu.memory_space<vmem_shared>>
        tpu.wait_indirect_dma semaphore(%run_scoped3A_91 : memref<!tpu.dma_semaphore, #tpu.memory_space<semaphore_mem>>) src(%arg8 : memref<128x128xf32, #tpu.memory_space<vmem>>) dst(%dma_wait3A_103 : memref<10240x128xf32, #tpu.memory_space<vmem_shared>>)
        tpu.yield
      }) : () -> ()
      %add3A_70 = arith.constant 2 : i32
      %add3A_71 = arith.addi %add3A_64, %add3A_70 : i32
      %lt3A = arith.constant 40 : i32
      %lt3A_72 = arith.cmpi slt, %add3A_71, %lt3A : i32
      %convert_element_type3A = arith.extui %lt3A_72 : i1 to i32
      %cond3A = arith.constant 0 : i32
      %cond3A_73 = arith.cmpi ne, %convert_element_type3A, %cond3A : i32
      scf.if %cond3A_73 {
        %add3A_91 = arith.constant 2 : i32
        %add3A_92 = arith.addi %add3A_64, %add3A_91 : i32
        %dma_start3A_93 = arith.constant 0 : i32
        %dma_start3A_94 = tpu.memref_slice %arg6[%add3A_92, %dma_start3A_93] : memref<40x128xi32, #tpu.memory_space<vmem>> -> memref<1x128xi32, #tpu.memory_space<vmem>>
        %dma_start3A_95 = tpu.memref_squeeze %dma_start3A_94 : memref<1x128xi32, #tpu.memory_space<vmem>> -> memref<128xi32, #tpu.memory_space<vmem>>
        %dma_start3A_96 = arith.constant 0 : i32
        %dma_start3A_97 = arith.constant 0 : i32
        %dma_start3A_98 = tpu.memref_slice %arg2[%dma_start3A_96, %dma_start3A_97] : memref<10000x128xf32, #tpu.memory_space<hbm>> -> memref<10000x128xf32, #tpu.memory_space<hbm>>
        tpu.enqueue_indirect_dma source(%dma_start3A_98 : memref<10000x128xf32, #tpu.memory_space<hbm>>) target(%arg8 : memref<128x128xf32, #tpu.memory_space<vmem>>) offsets(%dma_start3A_95 : memref<128xi32, #tpu.memory_space<vmem>>) semaphore(%arg11 : memref<!tpu.dma_semaphore, #tpu.memory_space<semaphore_mem>>)
      } else {
      }
      %mul3A_74 = arith.constant 2 : i32
      %mul3A_75 = arith.muli %mul3A_74, %add3A_60 : i32
      %add3A_76 = arith.constant 1 : i32
      %add3A_77 = arith.addi %mul3A_75, %add3A_76 : i32
      %dma_wait3A_78 = arith.constant 0 : i32
      %dma_wait3A_79 = arith.constant 0 : i32
      %dma_wait3A_80 = tpu.memref_slice %arg2[%dma_wait3A_78, %dma_wait3A_79] : memref<10000x128xf32, #tpu.memory_space<hbm>> -> memref<128x128xf32, #tpu.memory_space<hbm>>
      %dma_wait3A_81 = arith.constant 0 : i32
      %dma_wait3A_82 = arith.constant 0 : i32
      %dma_wait3A_83 = tpu.memref_slice %arg2[%dma_wait3A_81, %dma_wait3A_82] : memref<10000x128xf32, #tpu.memory_space<hbm>> -> memref<128x128xf32, #tpu.memory_space<hbm>>
      tpu.wait_dma2 semaphore(%arg12 : memref<!tpu.dma_semaphore, #tpu.memory_space<semaphore_mem>>) src(%dma_wait3A_83 : memref<128x128xf32, #tpu.memory_space<hbm>>) dst(%arg9 : memref<128x128xf32, #tpu.memory_space<vmem>>)
      "tpu.region"() ({
        %run_scoped3A_91 = tpu.sem_alloc : memref<!tpu.dma_semaphore, #tpu.memory_space<semaphore_mem>>
        %dma_start3A_92 = arith.constant 0 : i32
        %dma_start3A_93 = tpu.memref_slice %arg7[%add3A_77, %dma_start3A_92] : memref<40x128xi32, #tpu.memory_space<vmem>> -> memref<1x128xi32, #tpu.memory_space<vmem>>
        %dma_start3A_94 = tpu.memref_squeeze %dma_start3A_93 : memref<1x128xi32, #tpu.memory_space<vmem>> -> memref<128xi32, #tpu.memory_space<vmem>>
        %dma_start3A_95 = arith.constant 0 : i32
        %dma_start3A_96 = arith.constant 0 : i32
        %dma_start3A_97 = tpu.memref_slice %arg13[%dma_start3A_95, %dma_start3A_96] : memref<10240x128xf32, #tpu.memory_space<vmem_shared>> -> memref<10240x128xf32, #tpu.memory_space<vmem_shared>>
        tpu.enqueue_indirect_dma source(%arg9 : memref<128x128xf32, #tpu.memory_space<vmem>>) target(%dma_start3A_97 : memref<10240x128xf32, #tpu.memory_space<vmem_shared>>) offsets(%dma_start3A_94 : memref<128xi32, #tpu.memory_space<vmem>>) semaphore(%run_scoped3A_91 : memref<!tpu.dma_semaphore, #tpu.memory_space<semaphore_mem>>) {add = true}
        %dma_wait3A_98 = arith.constant 0 : i32
        %dma_wait3A_99 = tpu.memref_slice %arg7[%add3A_77, %dma_wait3A_98] : memref<40x128xi32, #tpu.memory_space<vmem>> -> memref<1x128xi32, #tpu.memory_space<vmem>>
        %dma_wait3A_100 = tpu.memref_squeeze %dma_wait3A_99 : memref<1x128xi32, #tpu.memory_space<vmem>> -> memref<128xi32, #tpu.memory_space<vmem>>
        %dma_wait3A_101 = arith.constant 0 : i32
        %dma_wait3A_102 = arith.constant 0 : i32
        %dma_wait3A_103 = tpu.memref_slice %arg13[%dma_wait3A_101, %dma_wait3A_102] : memref<10240x128xf32, #tpu.memory_space<vmem_shared>> -> memref<10240x128xf32, #tpu.memory_space<vmem_shared>>
        tpu.wait_indirect_dma semaphore(%run_scoped3A_91 : memref<!tpu.dma_semaphore, #tpu.memory_space<semaphore_mem>>) src(%arg9 : memref<128x128xf32, #tpu.memory_space<vmem>>) dst(%dma_wait3A_103 : memref<10240x128xf32, #tpu.memory_space<vmem_shared>>)
        tpu.yield
      }) : () -> ()
      %add3A_84 = arith.constant 2 : i32
      %add3A_85 = arith.addi %add3A_77, %add3A_84 : i32
      %lt3A_86 = arith.constant 40 : i32
      %lt3A_87 = arith.cmpi slt, %add3A_85, %lt3A_86 : i32
      %convert_element_type3A_88 = arith.extui %lt3A_87 : i1 to i32
      %cond3A_89 = arith.constant 0 : i32
      %cond3A_90 = arith.cmpi ne, %convert_element_type3A_88, %cond3A_89 : i32
      scf.if %cond3A_90 {
        %add3A_91 = arith.constant 2 : i32
        %add3A_92 = arith.addi %add3A_77, %add3A_91 : i32
        %dma_start3A_93 = arith.constant 0 : i32
        %dma_start3A_94 = tpu.memref_slice %arg6[%add3A_92, %dma_start3A_93] : memref<40x128xi32, #tpu.memory_space<vmem>> -> memref<1x128xi32, #tpu.memory_space<vmem>>
        %dma_start3A_95 = tpu.memref_squeeze %dma_start3A_94 : memref<1x128xi32, #tpu.memory_space<vmem>> -> memref<128xi32, #tpu.memory_space<vmem>>
        %dma_start3A_96 = arith.constant 0 : i32
        %dma_start3A_97 = arith.constant 0 : i32
        %dma_start3A_98 = tpu.memref_slice %arg2[%dma_start3A_96, %dma_start3A_97] : memref<10000x128xf32, #tpu.memory_space<hbm>> -> memref<10000x128xf32, #tpu.memory_space<hbm>>
        tpu.enqueue_indirect_dma source(%dma_start3A_98 : memref<10000x128xf32, #tpu.memory_space<hbm>>) target(%arg9 : memref<128x128xf32, #tpu.memory_space<vmem>>) offsets(%dma_start3A_95 : memref<128xi32, #tpu.memory_space<vmem>>) semaphore(%arg12 : memref<!tpu.dma_semaphore, #tpu.memory_space<semaphore_mem>>)
      } else {
      }
    }
    %scan3A_29 = arith.constant 20 : i32
    %mul3A_30 = arith.constant 80 : i32
    %mul3A_31 = arith.muli %add3A, %mul3A_30 : i32
    %add3A_32 = arith.constant 40 : i32
    %add3A_33 = arith.addi %mul3A_31, %add3A_32 : i32
    %run_scoped3A_34 = arith.constant 0 : i32
    "tpu.region"() ({
      %run_scoped3A_56 = tpu.sem_alloc : memref<!tpu.dma_semaphore, #tpu.memory_space<semaphore_mem>>
      %dma_start3A_57 = arith.constant 0 : i32
      %dma_start3A_58 = tpu.memref_slice %arg3[%run_scoped3A_34, %add3A_33, %dma_start3A_57] : memref<2x2560x128xi32, #tpu.memory_space<hbm>> -> memref<1x40x128xi32, #tpu.memory_space<hbm>>
      %dma_start3A_59 = tpu.memref_squeeze %dma_start3A_58 : memref<1x40x128xi32, #tpu.memory_space<hbm>> -> memref<40x128xi32, #tpu.memory_space<hbm>>
      %dma_start3A_60 = arith.constant 0 : i32
      %dma_start3A_61 = tpu.memref_slice %arg3[%run_scoped3A_34, %add3A_33, %dma_start3A_60] : memref<2x2560x128xi32, #tpu.memory_space<hbm>> -> memref<1x40x128xi32, #tpu.memory_space<hbm>>
      %dma_start3A_62 = tpu.memref_squeeze %dma_start3A_61 : memref<1x40x128xi32, #tpu.memory_space<hbm>> -> memref<40x128xi32, #tpu.memory_space<hbm>>
      tpu.enqueue_dma source(%dma_start3A_62 : memref<40x128xi32, #tpu.memory_space<hbm>>) target(%arg6 : memref<40x128xi32, #tpu.memory_space<vmem>>) target_semaphore(%run_scoped3A_56 : memref<!tpu.dma_semaphore, #tpu.memory_space<semaphore_mem>>)
      %dma_wait3A = arith.constant 0 : i32
      %dma_wait3A_63 = tpu.memref_slice %arg3[%run_scoped3A_34, %add3A_33, %dma_wait3A] : memref<2x2560x128xi32, #tpu.memory_space<hbm>> -> memref<1x40x128xi32, #tpu.memory_space<hbm>>
      %dma_wait3A_64 = tpu.memref_squeeze %dma_wait3A_63 : memref<1x40x128xi32, #tpu.memory_space<hbm>> -> memref<40x128xi32, #tpu.memory_space<hbm>>
      %dma_wait3A_65 = arith.constant 0 : i32
      %dma_wait3A_66 = tpu.memref_slice %arg3[%run_scoped3A_34, %add3A_33, %dma_wait3A_65] : memref<2x2560x128xi32, #tpu.memory_space<hbm>> -> memref<1x40x128xi32, #tpu.memory_space<hbm>>
      %dma_wait3A_67 = tpu.memref_squeeze %dma_wait3A_66 : memref<1x40x128xi32, #tpu.memory_space<hbm>> -> memref<40x128xi32, #tpu.memory_space<hbm>>
      tpu.wait_dma2 semaphore(%run_scoped3A_56 : memref<!tpu.dma_semaphore, #tpu.memory_space<semaphore_mem>>) src(%dma_wait3A_67 : memref<40x128xi32, #tpu.memory_space<hbm>>) dst(%arg6 : memref<40x128xi32, #tpu.memory_space<vmem>>)
      tpu.yield
    }) : () -> ()
    %run_scoped3A_35 = arith.constant 1 : i32
    "tpu.region"() ({
      %run_scoped3A_56 = tpu.sem_alloc : memref<!tpu.dma_semaphore, #tpu.memory_space<semaphore_mem>>
      %dma_start3A_57 = arith.constant 0 : i32
      %dma_start3A_58 = tpu.memref_slice %arg3[%run_scoped3A_35, %add3A_33, %dma_start3A_57] : memref<2x2560x128xi32, #tpu.memory_space<hbm>> -> memref<1x40x128xi32, #tpu.memory_space<hbm>>
      %dma_start3A_59 = tpu.memref_squeeze %dma_start3A_58 : memref<1x40x128xi32, #tpu.memory_space<hbm>> -> memref<40x128xi32, #tpu.memory_space<hbm>>
      %dma_start3A_60 = arith.constant 0 : i32
      %dma_start3A_61 = tpu.memref_slice %arg3[%run_scoped3A_35, %add3A_33, %dma_start3A_60] : memref<2x2560x128xi32, #tpu.memory_space<hbm>> -> memref<1x40x128xi32, #tpu.memory_space<hbm>>
      %dma_start3A_62 = tpu.memref_squeeze %dma_start3A_61 : memref<1x40x128xi32, #tpu.memory_space<hbm>> -> memref<40x128xi32, #tpu.memory_space<hbm>>
      tpu.enqueue_dma source(%dma_start3A_62 : memref<40x128xi32, #tpu.memory_space<hbm>>) target(%arg7 : memref<40x128xi32, #tpu.memory_space<vmem>>) target_semaphore(%run_scoped3A_56 : memref<!tpu.dma_semaphore, #tpu.memory_space<semaphore_mem>>)
      %dma_wait3A = arith.constant 0 : i32
      %dma_wait3A_63 = tpu.memref_slice %arg3[%run_scoped3A_35, %add3A_33, %dma_wait3A] : memref<2x2560x128xi32, #tpu.memory_space<hbm>> -> memref<1x40x128xi32, #tpu.memory_space<hbm>>
      %dma_wait3A_64 = tpu.memref_squeeze %dma_wait3A_63 : memref<1x40x128xi32, #tpu.memory_space<hbm>> -> memref<40x128xi32, #tpu.memory_space<hbm>>
      %dma_wait3A_65 = arith.constant 0 : i32
      %dma_wait3A_66 = tpu.memref_slice %arg3[%run_scoped3A_35, %add3A_33, %dma_wait3A_65] : memref<2x2560x128xi32, #tpu.memory_space<hbm>> -> memref<1x40x128xi32, #tpu.memory_space<hbm>>
      %dma_wait3A_67 = tpu.memref_squeeze %dma_wait3A_66 : memref<1x40x128xi32, #tpu.memory_space<hbm>> -> memref<40x128xi32, #tpu.memory_space<hbm>>
      tpu.wait_dma2 semaphore(%run_scoped3A_56 : memref<!tpu.dma_semaphore, #tpu.memory_space<semaphore_mem>>) src(%dma_wait3A_67 : memref<40x128xi32, #tpu.memory_space<hbm>>) dst(%arg7 : memref<40x128xi32, #tpu.memory_space<vmem>>)
      tpu.yield
    }) : () -> ()
    %dma_start3A_36 = arith.constant 0 : i32
    %dma_start3A_37 = arith.constant 0 : i32
    %dma_start3A_38 = tpu.memref_slice %arg6[%dma_start3A_36, %dma_start3A_37] : memref<40x128xi32, #tpu.memory_space<vmem>> -> memref<1x128xi32, #tpu.memory_space<vmem>>
    %dma_start3A_39 = tpu.memref_squeeze %dma_start3A_38 : memref<1x128xi32, #tpu.memory_space<vmem>> -> memref<128xi32, #tpu.memory_space<vmem>>
    %dma_start3A_40 = arith.constant 0 : i32
    %dma_start3A_41 = arith.constant 0 : i32
    %dma_start3A_42 = tpu.memref_slice %arg2[%dma_start3A_40, %dma_start3A_41] : memref<10000x128xf32, #tpu.memory_space<hbm>> -> memref<10000x128xf32, #tpu.memory_space<hbm>>
    tpu.enqueue_indirect_dma source(%dma_start3A_42 : memref<10000x128xf32, #tpu.memory_space<hbm>>) target(%arg8 : memref<128x128xf32, #tpu.memory_space<vmem>>) offsets(%dma_start3A_39 : memref<128xi32, #tpu.memory_space<vmem>>) semaphore(%arg11 : memref<!tpu.dma_semaphore, #tpu.memory_space<semaphore_mem>>)
    %dma_start3A_43 = arith.constant 1 : i32
    %dma_start3A_44 = arith.constant 0 : i32
    %dma_start3A_45 = tpu.memref_slice %arg6[%dma_start3A_43, %dma_start3A_44] : memref<40x128xi32, #tpu.memory_space<vmem>> -> memref<1x128xi32, #tpu.memory_space<vmem>>
    %dma_start3A_46 = tpu.memref_squeeze %dma_start3A_45 : memref<1x128xi32, #tpu.memory_space<vmem>> -> memref<128xi32, #tpu.memory_space<vmem>>
    %dma_start3A_47 = arith.constant 0 : i32
    %dma_start3A_48 = arith.constant 0 : i32
    %dma_start3A_49 = tpu.memref_slice %arg2[%dma_start3A_47, %dma_start3A_48] : memref<10000x128xf32, #tpu.memory_space<hbm>> -> memref<10000x128xf32, #tpu.memory_space<hbm>>
    tpu.enqueue_indirect_dma source(%dma_start3A_49 : memref<10000x128xf32, #tpu.memory_space<hbm>>) target(%arg9 : memref<128x128xf32, #tpu.memory_space<vmem>>) offsets(%dma_start3A_46 : memref<128xi32, #tpu.memory_space<vmem>>) semaphore(%arg12 : memref<!tpu.dma_semaphore, #tpu.memory_space<semaphore_mem>>)
    %scan3A_50 = arith.constant 0 : i32
    %scan3A_51 = arith.constant 20 : i32
    %scan3A_52 = arith.addi %scan3A_50, %scan3A_51 : i32
    %scan3A_53 = arith.constant 1 : i32
    scf.for %scan3A_56 = %scan3A_50 to %scan3A_52 step %scan3A_53  : i32 {
      %mul3A_57 = arith.constant 1 : i32
      %mul3A_58 = arith.muli %scan3A_56, %mul3A_57 : i32
      %add3A_59 = arith.constant 0 : i32
      %add3A_60 = arith.addi %add3A_59, %mul3A_58 : i32
      %mul3A_61 = arith.constant 2 : i32
      %mul3A_62 = arith.muli %mul3A_61, %add3A_60 : i32
      %add3A_63 = arith.constant 0 : i32
      %add3A_64 = arith.addi %mul3A_62, %add3A_63 : i32
      %dma_wait3A = arith.constant 0 : i32
      %dma_wait3A_65 = arith.constant 0 : i32
      %dma_wait3A_66 = tpu.memref_slice %arg2[%dma_wait3A, %dma_wait3A_65] : memref<10000x128xf32, #tpu.memory_space<hbm>> -> memref<128x128xf32, #tpu.memory_space<hbm>>
      %dma_wait3A_67 = arith.constant 0 : i32
      %dma_wait3A_68 = arith.constant 0 : i32
      %dma_wait3A_69 = tpu.memref_slice %arg2[%dma_wait3A_67, %dma_wait3A_68] : memref<10000x128xf32, #tpu.memory_space<hbm>> -> memref<128x128xf32, #tpu.memory_space<hbm>>
      tpu.wait_dma2 semaphore(%arg11 : memref<!tpu.dma_semaphore, #tpu.memory_space<semaphore_mem>>) src(%dma_wait3A_69 : memref<128x128xf32, #tpu.memory_space<hbm>>) dst(%arg8 : memref<128x128xf32, #tpu.memory_space<vmem>>)
      "tpu.region"() ({
        %run_scoped3A_91 = tpu.sem_alloc : memref<!tpu.dma_semaphore, #tpu.memory_space<semaphore_mem>>
        %dma_start3A_92 = arith.constant 0 : i32
        %dma_start3A_93 = tpu.memref_slice %arg7[%add3A_64, %dma_start3A_92] : memref<40x128xi32, #tpu.memory_space<vmem>> -> memref<1x128xi32, #tpu.memory_space<vmem>>
        %dma_start3A_94 = tpu.memref_squeeze %dma_start3A_93 : memref<1x128xi32, #tpu.memory_space<vmem>> -> memref<128xi32, #tpu.memory_space<vmem>>
        %dma_start3A_95 = arith.constant 0 : i32
        %dma_start3A_96 = arith.constant 0 : i32
        %dma_start3A_97 = tpu.memref_slice %arg13[%dma_start3A_95, %dma_start3A_96] : memref<10240x128xf32, #tpu.memory_space<vmem_shared>> -> memref<10240x128xf32, #tpu.memory_space<vmem_shared>>
        tpu.enqueue_indirect_dma source(%arg8 : memref<128x128xf32, #tpu.memory_space<vmem>>) target(%dma_start3A_97 : memref<10240x128xf32, #tpu.memory_space<vmem_shared>>) offsets(%dma_start3A_94 : memref<128xi32, #tpu.memory_space<vmem>>) semaphore(%run_scoped3A_91 : memref<!tpu.dma_semaphore, #tpu.memory_space<semaphore_mem>>) {add = true}
        %dma_wait3A_98 = arith.constant 0 : i32
        %dma_wait3A_99 = tpu.memref_slice %arg7[%add3A_64, %dma_wait3A_98] : memref<40x128xi32, #tpu.memory_space<vmem>> -> memref<1x128xi32, #tpu.memory_space<vmem>>
        %dma_wait3A_100 = tpu.memref_squeeze %dma_wait3A_99 : memref<1x128xi32, #tpu.memory_space<vmem>> -> memref<128xi32, #tpu.memory_space<vmem>>
        %dma_wait3A_101 = arith.constant 0 : i32
        %dma_wait3A_102 = arith.constant 0 : i32
        %dma_wait3A_103 = tpu.memref_slice %arg13[%dma_wait3A_101, %dma_wait3A_102] : memref<10240x128xf32, #tpu.memory_space<vmem_shared>> -> memref<10240x128xf32, #tpu.memory_space<vmem_shared>>
        tpu.wait_indirect_dma semaphore(%run_scoped3A_91 : memref<!tpu.dma_semaphore, #tpu.memory_space<semaphore_mem>>) src(%arg8 : memref<128x128xf32, #tpu.memory_space<vmem>>) dst(%dma_wait3A_103 : memref<10240x128xf32, #tpu.memory_space<vmem_shared>>)
        tpu.yield
      }) : () -> ()
      %add3A_70 = arith.constant 2 : i32
      %add3A_71 = arith.addi %add3A_64, %add3A_70 : i32
      %lt3A = arith.constant 40 : i32
      %lt3A_72 = arith.cmpi slt, %add3A_71, %lt3A : i32
      %convert_element_type3A = arith.extui %lt3A_72 : i1 to i32
      %cond3A = arith.constant 0 : i32
      %cond3A_73 = arith.cmpi ne, %convert_element_type3A, %cond3A : i32
      scf.if %cond3A_73 {
        %add3A_91 = arith.constant 2 : i32
        %add3A_92 = arith.addi %add3A_64, %add3A_91 : i32
        %dma_start3A_93 = arith.constant 0 : i32
        %dma_start3A_94 = tpu.memref_slice %arg6[%add3A_92, %dma_start3A_93] : memref<40x128xi32, #tpu.memory_space<vmem>> -> memref<1x128xi32, #tpu.memory_space<vmem>>
        %dma_start3A_95 = tpu.memref_squeeze %dma_start3A_94 : memref<1x128xi32, #tpu.memory_space<vmem>> -> memref<128xi32, #tpu.memory_space<vmem>>
        %dma_start3A_96 = arith.constant 0 : i32
        %dma_start3A_97 = arith.constant 0 : i32
        %dma_start3A_98 = tpu.memref_slice %arg2[%dma_start3A_96, %dma_start3A_97] : memref<10000x128xf32, #tpu.memory_space<hbm>> -> memref<10000x128xf32, #tpu.memory_space<hbm>>
        tpu.enqueue_indirect_dma source(%dma_start3A_98 : memref<10000x128xf32, #tpu.memory_space<hbm>>) target(%arg8 : memref<128x128xf32, #tpu.memory_space<vmem>>) offsets(%dma_start3A_95 : memref<128xi32, #tpu.memory_space<vmem>>) semaphore(%arg11 : memref<!tpu.dma_semaphore, #tpu.memory_space<semaphore_mem>>)
      } else {
      }
      %mul3A_74 = arith.constant 2 : i32
      %mul3A_75 = arith.muli %mul3A_74, %add3A_60 : i32
      %add3A_76 = arith.constant 1 : i32
      %add3A_77 = arith.addi %mul3A_75, %add3A_76 : i32
      %dma_wait3A_78 = arith.constant 0 : i32
      %dma_wait3A_79 = arith.constant 0 : i32
      %dma_wait3A_80 = tpu.memref_slice %arg2[%dma_wait3A_78, %dma_wait3A_79] : memref<10000x128xf32, #tpu.memory_space<hbm>> -> memref<128x128xf32, #tpu.memory_space<hbm>>
      %dma_wait3A_81 = arith.constant 0 : i32
      %dma_wait3A_82 = arith.constant 0 : i32
      %dma_wait3A_83 = tpu.memref_slice %arg2[%dma_wait3A_81, %dma_wait3A_82] : memref<10000x128xf32, #tpu.memory_space<hbm>> -> memref<128x128xf32, #tpu.memory_space<hbm>>
      tpu.wait_dma2 semaphore(%arg12 : memref<!tpu.dma_semaphore, #tpu.memory_space<semaphore_mem>>) src(%dma_wait3A_83 : memref<128x128xf32, #tpu.memory_space<hbm>>) dst(%arg9 : memref<128x128xf32, #tpu.memory_space<vmem>>)
      "tpu.region"() ({
        %run_scoped3A_91 = tpu.sem_alloc : memref<!tpu.dma_semaphore, #tpu.memory_space<semaphore_mem>>
        %dma_start3A_92 = arith.constant 0 : i32
        %dma_start3A_93 = tpu.memref_slice %arg7[%add3A_77, %dma_start3A_92] : memref<40x128xi32, #tpu.memory_space<vmem>> -> memref<1x128xi32, #tpu.memory_space<vmem>>
        %dma_start3A_94 = tpu.memref_squeeze %dma_start3A_93 : memref<1x128xi32, #tpu.memory_space<vmem>> -> memref<128xi32, #tpu.memory_space<vmem>>
        %dma_start3A_95 = arith.constant 0 : i32
        %dma_start3A_96 = arith.constant 0 : i32
        %dma_start3A_97 = tpu.memref_slice %arg13[%dma_start3A_95, %dma_start3A_96] : memref<10240x128xf32, #tpu.memory_space<vmem_shared>> -> memref<10240x128xf32, #tpu.memory_space<vmem_shared>>
        tpu.enqueue_indirect_dma source(%arg9 : memref<128x128xf32, #tpu.memory_space<vmem>>) target(%dma_start3A_97 : memref<10240x128xf32, #tpu.memory_space<vmem_shared>>) offsets(%dma_start3A_94 : memref<128xi32, #tpu.memory_space<vmem>>) semaphore(%run_scoped3A_91 : memref<!tpu.dma_semaphore, #tpu.memory_space<semaphore_mem>>) {add = true}
        %dma_wait3A_98 = arith.constant 0 : i32
        %dma_wait3A_99 = tpu.memref_slice %arg7[%add3A_77, %dma_wait3A_98] : memref<40x128xi32, #tpu.memory_space<vmem>> -> memref<1x128xi32, #tpu.memory_space<vmem>>
        %dma_wait3A_100 = tpu.memref_squeeze %dma_wait3A_99 : memref<1x128xi32, #tpu.memory_space<vmem>> -> memref<128xi32, #tpu.memory_space<vmem>>
        %dma_wait3A_101 = arith.constant 0 : i32
        %dma_wait3A_102 = arith.constant 0 : i32
        %dma_wait3A_103 = tpu.memref_slice %arg13[%dma_wait3A_101, %dma_wait3A_102] : memref<10240x128xf32, #tpu.memory_space<vmem_shared>> -> memref<10240x128xf32, #tpu.memory_space<vmem_shared>>
        tpu.wait_indirect_dma semaphore(%run_scoped3A_91 : memref<!tpu.dma_semaphore, #tpu.memory_space<semaphore_mem>>) src(%arg9 : memref<128x128xf32, #tpu.memory_space<vmem>>) dst(%dma_wait3A_103 : memref<10240x128xf32, #tpu.memory_space<vmem_shared>>)
        tpu.yield
      }) : () -> ()
      %add3A_84 = arith.constant 2 : i32
      %add3A_85 = arith.addi %add3A_77, %add3A_84 : i32
      %lt3A_86 = arith.constant 40 : i32
      %lt3A_87 = arith.cmpi slt, %add3A_85, %lt3A_86 : i32
      %convert_element_type3A_88 = arith.extui %lt3A_87 : i1 to i32
      %cond3A_89 = arith.constant 0 : i32
      %cond3A_90 = arith.cmpi ne, %convert_element_type3A_88, %cond3A_89 : i32
      scf.if %cond3A_90 {
        %add3A_91 = arith.constant 2 : i32
        %add3A_92 = arith.addi %add3A_77, %add3A_91 : i32
        %dma_start3A_93 = arith.constant 0 : i32
        %dma_start3A_94 = tpu.memref_slice %arg6[%add3A_92, %dma_start3A_93] : memref<40x128xi32, #tpu.memory_space<vmem>> -> memref<1x128xi32, #tpu.memory_space<vmem>>
        %dma_start3A_95 = tpu.memref_squeeze %dma_start3A_94 : memref<1x128xi32, #tpu.memory_space<vmem>> -> memref<128xi32, #tpu.memory_space<vmem>>
        %dma_start3A_96 = arith.constant 0 : i32
        %dma_start3A_97 = arith.constant 0 : i32
        %dma_start3A_98 = tpu.memref_slice %arg2[%dma_start3A_96, %dma_start3A_97] : memref<10000x128xf32, #tpu.memory_space<hbm>> -> memref<10000x128xf32, #tpu.memory_space<hbm>>
        tpu.enqueue_indirect_dma source(%dma_start3A_98 : memref<10000x128xf32, #tpu.memory_space<hbm>>) target(%arg9 : memref<128x128xf32, #tpu.memory_space<vmem>>) offsets(%dma_start3A_95 : memref<128xi32, #tpu.memory_space<vmem>>) semaphore(%arg12 : memref<!tpu.dma_semaphore, #tpu.memory_space<semaphore_mem>>)
      } else {
      }
    }
    %scan3A_54 = arith.constant 20 : i32
    %barrier3A_55 = arith.constant 0 : index
    tpu.barrier barrier_id(%barrier3A_55)
    "tpu.region"() ({
      %run_scoped3A_56 = tpu.sem_alloc : memref<!tpu.dma_semaphore, #tpu.memory_space<semaphore_mem>>
      %dma_start3A_57 = arith.constant 0 : i32
      %dma_start3A_58 = tpu.memref_slice %arg5[%arg0, %mul3A_2, %dma_start3A_57] : memref<2x10240x128xf32, #tpu.memory_space<hbm>> -> memref<1x640x128xf32, #tpu.memory_space<hbm>>
      %dma_start3A_59 = tpu.memref_squeeze %dma_start3A_58 : memref<1x640x128xf32, #tpu.memory_space<hbm>> -> memref<640x128xf32, #tpu.memory_space<hbm>>
      %dma_start3A_60 = arith.constant 0 : i32
      %dma_start3A_61 = tpu.memref_slice %arg13[%mul3A_2, %dma_start3A_60] : memref<10240x128xf32, #tpu.memory_space<vmem_shared>> -> memref<640x128xf32, #tpu.memory_space<vmem_shared>>
      tpu.enqueue_dma source(%dma_start3A_61 : memref<640x128xf32, #tpu.memory_space<vmem_shared>>) target(%dma_start3A_59 : memref<640x128xf32, #tpu.memory_space<hbm>>) target_semaphore(%run_scoped3A_56 : memref<!tpu.dma_semaphore, #tpu.memory_space<semaphore_mem>>)
      %dma_wait3A = arith.constant 0 : i32
      %dma_wait3A_62 = tpu.memref_slice %arg5[%arg0, %mul3A_2, %dma_wait3A] : memref<2x10240x128xf32, #tpu.memory_space<hbm>> -> memref<1x640x128xf32, #tpu.memory_space<hbm>>
      %dma_wait3A_63 = tpu.memref_squeeze %dma_wait3A_62 : memref<1x640x128xf32, #tpu.memory_space<hbm>> -> memref<640x128xf32, #tpu.memory_space<hbm>>
      %dma_wait3A_64 = arith.constant 0 : i32
      %dma_wait3A_65 = tpu.memref_slice %arg13[%mul3A_2, %dma_wait3A_64] : memref<10240x128xf32, #tpu.memory_space<vmem_shared>> -> memref<640x128xf32, #tpu.memory_space<vmem_shared>>
      tpu.wait_dma2 semaphore(%run_scoped3A_56 : memref<!tpu.dma_semaphore, #tpu.memory_space<semaphore_mem>>) src(%dma_wait3A_65 : memref<640x128xf32, #tpu.memory_space<vmem_shared>>) dst(%dma_wait3A_63 : memref<640x128xf32, #tpu.memory_space<hbm>>)
      tpu.yield
    }) : () -> ()
    return
  }
}

#map = affine_map<(d0, d1) -> (0, 0)>
#map1 = affine_map<(d0, d1) -> (0, 0, 0)>
module attributes {stable_mosaic.version = 14 : i64} {
  func.func @body(%arg0: i32, %arg1: i32, %arg2: memref<10000x128xf32, #tpu.memory_space<hbm>>, %arg3: memref<2x2560x128xi32, #tpu.memory_space<hbm>>, %arg4: memref<16x128xf32, #tpu.memory_space<hbm>>, %arg5: memref<2x10240x128xf32, #tpu.memory_space<hbm>>, %arg6: memref<40x128xi32, #tpu.memory_space<vmem>>, %arg7: memref<40x128xi32, #tpu.memory_space<vmem>>, %arg8: memref<128x128xf32, #tpu.memory_space<vmem>>, %arg9: memref<128x128xf32, #tpu.memory_space<vmem>>, %arg10: memref<16x128xf32, #tpu.memory_space<vmem>>, %arg11: memref<!tpu.dma_semaphore, #tpu.memory_space<semaphore_mem>>, %arg12: memref<!tpu.dma_semaphore, #tpu.memory_space<semaphore_mem>>, %arg13: memref<10240x128xf32, #tpu.memory_space<vmem_shared>>) attributes {dimension_semantics = [#tpu.dimension_semantics<core_parallel>, #tpu.dimension_semantics<subcore_parallel>], iteration_bounds = array<i64: 2, 16>, scalar_prefetch = 0 : i64, scratch_operands = 8 : i64, tpu.core_type = #tpu.core_type<sc_vector_subcore>, window_params = [{transform_indices = #map}, {transform_indices = #map1}, {transform_indices = #map}, {transform_indices = #map1}]} {
    %mul3A = arith.constant 16 : i32
    %mul3A_0 = arith.muli %arg0, %mul3A : i32
    %add3A = arith.addi %mul3A_0, %arg1 : i32
    %mul3A_1 = arith.constant 640 : i32
    %mul3A_2 = arith.muli %arg1, %mul3A_1 : i32
    "tpu.region"() ({
      %run_scoped3A_56 = tpu.sem_alloc : memref<!tpu.dma_semaphore, #tpu.memory_space<semaphore_mem>>
      tpu.enqueue_dma source(%arg4 : memref<16x128xf32, #tpu.memory_space<hbm>>) target(%arg10 : memref<16x128xf32, #tpu.memory_space<vmem>>) target_semaphore(%run_scoped3A_56 : memref<!tpu.dma_semaphore, #tpu.memory_space<semaphore_mem>>)
      tpu.wait_dma2 semaphore(%run_scoped3A_56 : memref<!tpu.dma_semaphore, #tpu.memory_space<semaphore_mem>>) src(%arg4 : memref<16x128xf32, #tpu.memory_space<hbm>>) dst(%arg10 : memref<16x128xf32, #tpu.memory_space<vmem>>)
      tpu.yield
    }) : () -> ()
    %scan3A = arith.constant 0 : i32
    %scan3A_3 = arith.constant 40 : i32
    %scan3A_4 = arith.addi %scan3A, %scan3A_3 : i32
    %scan3A_5 = arith.constant 1 : i32
    scf.for %scan3A_56 = %scan3A to %scan3A_4 step %scan3A_5  : i32 {
      %mul3A_57 = arith.constant 1 : i32
      %mul3A_58 = arith.muli %scan3A_56, %mul3A_57 : i32
      %add3A_59 = arith.constant 0 : i32
      %add3A_60 = arith.addi %add3A_59, %mul3A_58 : i32
      %mul3A_61 = arith.constant 16 : i32
      %mul3A_62 = arith.muli %add3A_60, %mul3A_61 : i32
      %add3A_63 = arith.addi %mul3A_2, %mul3A_62 : i32
      "tpu.region"() ({
        %run_scoped3A_64 = tpu.sem_alloc : memref<!tpu.dma_semaphore, #tpu.memory_space<semaphore_mem>>
        %dma_start3A_65 = arith.constant 0 : i32
        %dma_start3A_66 = tpu.memref_slice %arg13[%add3A_63, %dma_start3A_65] : memref<10240x128xf32, #tpu.memory_space<vmem_shared>> -> memref<16x128xf32, #tpu.memory_space<vmem_shared>>
        %dma_start3A_67 = arith.constant 0 : i32
        %dma_start3A_68 = tpu.memref_slice %arg13[%add3A_63, %dma_start3A_67] : memref<10240x128xf32, #tpu.memory_space<vmem_shared>> -> memref<16x128xf32, #tpu.memory_space<vmem_shared>>
        tpu.enqueue_dma source(%arg10 : memref<16x128xf32, #tpu.memory_space<vmem>>) target(%dma_start3A_68 : memref<16x128xf32, #tpu.memory_space<vmem_shared>>) target_semaphore(%run_scoped3A_64 : memref<!tpu.dma_semaphore, #tpu.memory_space<semaphore_mem>>)
        %dma_wait3A = arith.constant 0 : i32
        %dma_wait3A_69 = tpu.memref_slice %arg13[%add3A_63, %dma_wait3A] : memref<10240x128xf32, #tpu.memory_space<vmem_shared>> -> memref<16x128xf32, #tpu.memory_space<vmem_shared>>
        %dma_wait3A_70 = arith.constant 0 : i32
        %dma_wait3A_71 = tpu.memref_slice %arg13[%add3A_63, %dma_wait3A_70] : memref<10240x128xf32, #tpu.memory_space<vmem_shared>> -> memref<16x128xf32, #tpu.memory_space<vmem_shared>>
        tpu.wait_dma2 semaphore(%run_scoped3A_64 : memref<!tpu.dma_semaphore, #tpu.memory_space<semaphore_mem>>) src(%arg10 : memref<16x128xf32, #tpu.memory_space<vmem>>) dst(%dma_wait3A_71 : memref<16x128xf32, #tpu.memory_space<vmem_shared>>)
        tpu.yield
      }) : () -> ()
    }
    %scan3A_6 = arith.constant 40 : i32
    %barrier3A = arith.constant 0 : index
    tpu.barrier barrier_id(%barrier3A)
    %mul3A_7 = arith.constant 80 : i32
    %mul3A_8 = arith.muli %add3A, %mul3A_7 : i32
    %add3A_9 = arith.constant 0 : i32
    %add3A_10 = arith.addi %mul3A_8, %add3A_9 : i32
    %run_scoped3A = arith.constant 0 : i32
    "tpu.region"() ({
      %run_scoped3A_56 = tpu.sem_alloc : memref<!tpu.dma_semaphore, #tpu.memory_space<semaphore_mem>>
      %dma_start3A_57 = arith.constant 0 : i32
      %dma_start3A_58 = tpu.memref_slice %arg3[%run_scoped3A, %add3A_10, %dma_start3A_57] : memref<2x2560x128xi32, #tpu.memory_space<hbm>> -> memref<1x40x128xi32, #tpu.memory_space<hbm>>
      %dma_start3A_59 = tpu.memref_squeeze %dma_start3A_58 : memref<1x40x128xi32, #tpu.memory_space<hbm>> -> memref<40x128xi32, #tpu.memory_space<hbm>>
      %dma_start3A_60 = arith.constant 0 : i32
      %dma_start3A_61 = tpu.memref_slice %arg3[%run_scoped3A, %add3A_10, %dma_start3A_60] : memref<2x2560x128xi32, #tpu.memory_space<hbm>> -> memref<1x40x128xi32, #tpu.memory_space<hbm>>
      %dma_start3A_62 = tpu.memref_squeeze %dma_start3A_61 : memref<1x40x128xi32, #tpu.memory_space<hbm>> -> memref<40x128xi32, #tpu.memory_space<hbm>>
      tpu.enqueue_dma source(%dma_start3A_62 : memref<40x128xi32, #tpu.memory_space<hbm>>) target(%arg6 : memref<40x128xi32, #tpu.memory_space<vmem>>) target_semaphore(%run_scoped3A_56 : memref<!tpu.dma_semaphore, #tpu.memory_space<semaphore_mem>>)
      %dma_wait3A = arith.constant 0 : i32
      %dma_wait3A_63 = tpu.memref_slice %arg3[%run_scoped3A, %add3A_10, %dma_wait3A] : memref<2x2560x128xi32, #tpu.memory_space<hbm>> -> memref<1x40x128xi32, #tpu.memory_space<hbm>>
      %dma_wait3A_64 = tpu.memref_squeeze %dma_wait3A_63 : memref<1x40x128xi32, #tpu.memory_space<hbm>> -> memref<40x128xi32, #tpu.memory_space<hbm>>
      %dma_wait3A_65 = arith.constant 0 : i32
      %dma_wait3A_66 = tpu.memref_slice %arg3[%run_scoped3A, %add3A_10, %dma_wait3A_65] : memref<2x2560x128xi32, #tpu.memory_space<hbm>> -> memref<1x40x128xi32, #tpu.memory_space<hbm>>
      %dma_wait3A_67 = tpu.memref_squeeze %dma_wait3A_66 : memref<1x40x128xi32, #tpu.memory_space<hbm>> -> memref<40x128xi32, #tpu.memory_space<hbm>>
      tpu.wait_dma2 semaphore(%run_scoped3A_56 : memref<!tpu.dma_semaphore, #tpu.memory_space<semaphore_mem>>) src(%dma_wait3A_67 : memref<40x128xi32, #tpu.memory_space<hbm>>) dst(%arg6 : memref<40x128xi32, #tpu.memory_space<vmem>>)
      tpu.yield
    }) : () -> ()
    %run_scoped3A_11 = arith.constant 1 : i32
    "tpu.region"() ({
      %run_scoped3A_56 = tpu.sem_alloc : memref<!tpu.dma_semaphore, #tpu.memory_space<semaphore_mem>>
      %dma_start3A_57 = arith.constant 0 : i32
      %dma_start3A_58 = tpu.memref_slice %arg3[%run_scoped3A_11, %add3A_10, %dma_start3A_57] : memref<2x2560x128xi32, #tpu.memory_space<hbm>> -> memref<1x40x128xi32, #tpu.memory_space<hbm>>
      %dma_start3A_59 = tpu.memref_squeeze %dma_start3A_58 : memref<1x40x128xi32, #tpu.memory_space<hbm>> -> memref<40x128xi32, #tpu.memory_space<hbm>>
      %dma_start3A_60 = arith.constant 0 : i32
      %dma_start3A_61 = tpu.memref_slice %arg3[%run_scoped3A_11, %add3A_10, %dma_start3A_60] : memref<2x2560x128xi32, #tpu.memory_space<hbm>> -> memref<1x40x128xi32, #tpu.memory_space<hbm>>
      %dma_start3A_62 = tpu.memref_squeeze %dma_start3A_61 : memref<1x40x128xi32, #tpu.memory_space<hbm>> -> memref<40x128xi32, #tpu.memory_space<hbm>>
      tpu.enqueue_dma source(%dma_start3A_62 : memref<40x128xi32, #tpu.memory_space<hbm>>) target(%arg7 : memref<40x128xi32, #tpu.memory_space<vmem>>) target_semaphore(%run_scoped3A_56 : memref<!tpu.dma_semaphore, #tpu.memory_space<semaphore_mem>>)
      %dma_wait3A = arith.constant 0 : i32
      %dma_wait3A_63 = tpu.memref_slice %arg3[%run_scoped3A_11, %add3A_10, %dma_wait3A] : memref<2x2560x128xi32, #tpu.memory_space<hbm>> -> memref<1x40x128xi32, #tpu.memory_space<hbm>>
      %dma_wait3A_64 = tpu.memref_squeeze %dma_wait3A_63 : memref<1x40x128xi32, #tpu.memory_space<hbm>> -> memref<40x128xi32, #tpu.memory_space<hbm>>
      %dma_wait3A_65 = arith.constant 0 : i32
      %dma_wait3A_66 = tpu.memref_slice %arg3[%run_scoped3A_11, %add3A_10, %dma_wait3A_65] : memref<2x2560x128xi32, #tpu.memory_space<hbm>> -> memref<1x40x128xi32, #tpu.memory_space<hbm>>
      %dma_wait3A_67 = tpu.memref_squeeze %dma_wait3A_66 : memref<1x40x128xi32, #tpu.memory_space<hbm>> -> memref<40x128xi32, #tpu.memory_space<hbm>>
      tpu.wait_dma2 semaphore(%run_scoped3A_56 : memref<!tpu.dma_semaphore, #tpu.memory_space<semaphore_mem>>) src(%dma_wait3A_67 : memref<40x128xi32, #tpu.memory_space<hbm>>) dst(%arg7 : memref<40x128xi32, #tpu.memory_space<vmem>>)
      tpu.yield
    }) : () -> ()
    %dma_start3A = arith.constant 0 : i32
    %dma_start3A_12 = arith.constant 0 : i32
    %dma_start3A_13 = tpu.memref_slice %arg6[%dma_start3A, %dma_start3A_12] : memref<40x128xi32, #tpu.memory_space<vmem>> -> memref<1x128xi32, #tpu.memory_space<vmem>>
    %dma_start3A_14 = tpu.memref_squeeze %dma_start3A_13 : memref<1x128xi32, #tpu.memory_space<vmem>> -> memref<128xi32, #tpu.memory_space<vmem>>
    %dma_start3A_15 = arith.constant 0 : i32
    %dma_start3A_16 = arith.constant 0 : i32
    %dma_start3A_17 = tpu.memref_slice %arg2[%dma_start3A_15, %dma_start3A_16] : memref<10000x128xf32, #tpu.memory_space<hbm>> -> memref<10000x128xf32, #tpu.memory_space<hbm>>
    tpu.enqueue_indirect_dma source(%dma_start3A_17 : memref<10000x128xf32, #tpu.memory_space<hbm>>) target(%arg8 : memref<128x128xf32, #tpu.memory_space<vmem>>) offsets(%dma_start3A_14 : memref<128xi32, #tpu.memory_space<vmem>>) semaphore(%arg11 : memref<!tpu.dma_semaphore, #tpu.memory_space<semaphore_mem>>)
    %dma_start3A_18 = arith.constant 1 : i32
    %dma_start3A_19 = arith.constant 0 : i32
    %dma_start3A_20 = tpu.memref_slice %arg6[%dma_start3A_18, %dma_start3A_19] : memref<40x128xi32, #tpu.memory_space<vmem>> -> memref<1x128xi32, #tpu.memory_space<vmem>>
    %dma_start3A_21 = tpu.memref_squeeze %dma_start3A_20 : memref<1x128xi32, #tpu.memory_space<vmem>> -> memref<128xi32, #tpu.memory_space<vmem>>
    %dma_start3A_22 = arith.constant 0 : i32
    %dma_start3A_23 = arith.constant 0 : i32
    %dma_start3A_24 = tpu.memref_slice %arg2[%dma_start3A_22, %dma_start3A_23] : memref<10000x128xf32, #tpu.memory_space<hbm>> -> memref<10000x128xf32, #tpu.memory_space<hbm>>
    tpu.enqueue_indirect_dma source(%dma_start3A_24 : memref<10000x128xf32, #tpu.memory_space<hbm>>) target(%arg9 : memref<128x128xf32, #tpu.memory_space<vmem>>) offsets(%dma_start3A_21 : memref<128xi32, #tpu.memory_space<vmem>>) semaphore(%arg12 : memref<!tpu.dma_semaphore, #tpu.memory_space<semaphore_mem>>)
    %scan3A_25 = arith.constant 0 : i32
    %scan3A_26 = arith.constant 20 : i32
    %scan3A_27 = arith.addi %scan3A_25, %scan3A_26 : i32
    %scan3A_28 = arith.constant 1 : i32
    scf.for %scan3A_56 = %scan3A_25 to %scan3A_27 step %scan3A_28  : i32 {
      %mul3A_57 = arith.constant 1 : i32
      %mul3A_58 = arith.muli %scan3A_56, %mul3A_57 : i32
      %add3A_59 = arith.constant 0 : i32
      %add3A_60 = arith.addi %add3A_59, %mul3A_58 : i32
      %mul3A_61 = arith.constant 2 : i32
      %mul3A_62 = arith.muli %mul3A_61, %add3A_60 : i32
      %add3A_63 = arith.constant 0 : i32
      %add3A_64 = arith.addi %mul3A_62, %add3A_63 : i32
      %dma_wait3A = arith.constant 0 : i32
      %dma_wait3A_65 = arith.constant 0 : i32
      %dma_wait3A_66 = tpu.memref_slice %arg2[%dma_wait3A, %dma_wait3A_65] : memref<10000x128xf32, #tpu.memory_space<hbm>> -> memref<128x128xf32, #tpu.memory_space<hbm>>
      %dma_wait3A_67 = arith.constant 0 : i32
      %dma_wait3A_68 = arith.constant 0 : i32
      %dma_wait3A_69 = tpu.memref_slice %arg2[%dma_wait3A_67, %dma_wait3A_68] : memref<10000x128xf32, #tpu.memory_space<hbm>> -> memref<128x128xf32, #tpu.memory_space<hbm>>
      tpu.wait_dma2 semaphore(%arg11 : memref<!tpu.dma_semaphore, #tpu.memory_space<semaphore_mem>>) src(%dma_wait3A_69 : memref<128x128xf32, #tpu.memory_space<hbm>>) dst(%arg8 : memref<128x128xf32, #tpu.memory_space<vmem>>)
      "tpu.region"() ({
        %run_scoped3A_91 = tpu.sem_alloc : memref<!tpu.dma_semaphore, #tpu.memory_space<semaphore_mem>>
        %dma_start3A_92 = arith.constant 0 : i32
        %dma_start3A_93 = tpu.memref_slice %arg7[%add3A_64, %dma_start3A_92] : memref<40x128xi32, #tpu.memory_space<vmem>> -> memref<1x128xi32, #tpu.memory_space<vmem>>
        %dma_start3A_94 = tpu.memref_squeeze %dma_start3A_93 : memref<1x128xi32, #tpu.memory_space<vmem>> -> memref<128xi32, #tpu.memory_space<vmem>>
        %dma_start3A_95 = arith.constant 0 : i32
        %dma_start3A_96 = arith.constant 0 : i32
        %dma_start3A_97 = tpu.memref_slice %arg13[%dma_start3A_95, %dma_start3A_96] : memref<10240x128xf32, #tpu.memory_space<vmem_shared>> -> memref<10240x128xf32, #tpu.memory_space<vmem_shared>>
        tpu.enqueue_indirect_dma source(%arg8 : memref<128x128xf32, #tpu.memory_space<vmem>>) target(%dma_start3A_97 : memref<10240x128xf32, #tpu.memory_space<vmem_shared>>) offsets(%dma_start3A_94 : memref<128xi32, #tpu.memory_space<vmem>>) semaphore(%run_scoped3A_91 : memref<!tpu.dma_semaphore, #tpu.memory_space<semaphore_mem>>) {add = true}
        %dma_wait3A_98 = arith.constant 0 : i32
        %dma_wait3A_99 = tpu.memref_slice %arg7[%add3A_64, %dma_wait3A_98] : memref<40x128xi32, #tpu.memory_space<vmem>> -> memref<1x128xi32, #tpu.memory_space<vmem>>
        %dma_wait3A_100 = tpu.memref_squeeze %dma_wait3A_99 : memref<1x128xi32, #tpu.memory_space<vmem>> -> memref<128xi32, #tpu.memory_space<vmem>>
        %dma_wait3A_101 = arith.constant 0 : i32
        %dma_wait3A_102 = arith.constant 0 : i32
        %dma_wait3A_103 = tpu.memref_slice %arg13[%dma_wait3A_101, %dma_wait3A_102] : memref<10240x128xf32, #tpu.memory_space<vmem_shared>> -> memref<10240x128xf32, #tpu.memory_space<vmem_shared>>
        tpu.wait_indirect_dma semaphore(%run_scoped3A_91 : memref<!tpu.dma_semaphore, #tpu.memory_space<semaphore_mem>>) src(%arg8 : memref<128x128xf32, #tpu.memory_space<vmem>>) dst(%dma_wait3A_103 : memref<10240x128xf32, #tpu.memory_space<vmem_shared>>)
        tpu.yield
      }) : () -> ()
      %add3A_70 = arith.constant 2 : i32
      %add3A_71 = arith.addi %add3A_64, %add3A_70 : i32
      %lt3A = arith.constant 40 : i32
      %lt3A_72 = arith.cmpi slt, %add3A_71, %lt3A : i32
      %convert_element_type3A = arith.extui %lt3A_72 : i1 to i32
      %cond3A = arith.constant 0 : i32
      %cond3A_73 = arith.cmpi ne, %convert_element_type3A, %cond3A : i32
      scf.if %cond3A_73 {
        %add3A_91 = arith.constant 2 : i32
        %add3A_92 = arith.addi %add3A_64, %add3A_91 : i32
        %dma_start3A_93 = arith.constant 0 : i32
        %dma_start3A_94 = tpu.memref_slice %arg6[%add3A_92, %dma_start3A_93] : memref<40x128xi32, #tpu.memory_space<vmem>> -> memref<1x128xi32, #tpu.memory_space<vmem>>
        %dma_start3A_95 = tpu.memref_squeeze %dma_start3A_94 : memref<1x128xi32, #tpu.memory_space<vmem>> -> memref<128xi32, #tpu.memory_space<vmem>>
        %dma_start3A_96 = arith.constant 0 : i32
        %dma_start3A_97 = arith.constant 0 : i32
        %dma_start3A_98 = tpu.memref_slice %arg2[%dma_start3A_96, %dma_start3A_97] : memref<10000x128xf32, #tpu.memory_space<hbm>> -> memref<10000x128xf32, #tpu.memory_space<hbm>>
        tpu.enqueue_indirect_dma source(%dma_start3A_98 : memref<10000x128xf32, #tpu.memory_space<hbm>>) target(%arg8 : memref<128x128xf32, #tpu.memory_space<vmem>>) offsets(%dma_start3A_95 : memref<128xi32, #tpu.memory_space<vmem>>) semaphore(%arg11 : memref<!tpu.dma_semaphore, #tpu.memory_space<semaphore_mem>>)
      } else {
      }
      %mul3A_74 = arith.constant 2 : i32
      %mul3A_75 = arith.muli %mul3A_74, %add3A_60 : i32
      %add3A_76 = arith.constant 1 : i32
      %add3A_77 = arith.addi %mul3A_75, %add3A_76 : i32
      %dma_wait3A_78 = arith.constant 0 : i32
      %dma_wait3A_79 = arith.constant 0 : i32
      %dma_wait3A_80 = tpu.memref_slice %arg2[%dma_wait3A_78, %dma_wait3A_79] : memref<10000x128xf32, #tpu.memory_space<hbm>> -> memref<128x128xf32, #tpu.memory_space<hbm>>
      %dma_wait3A_81 = arith.constant 0 : i32
      %dma_wait3A_82 = arith.constant 0 : i32
      %dma_wait3A_83 = tpu.memref_slice %arg2[%dma_wait3A_81, %dma_wait3A_82] : memref<10000x128xf32, #tpu.memory_space<hbm>> -> memref<128x128xf32, #tpu.memory_space<hbm>>
      tpu.wait_dma2 semaphore(%arg12 : memref<!tpu.dma_semaphore, #tpu.memory_space<semaphore_mem>>) src(%dma_wait3A_83 : memref<128x128xf32, #tpu.memory_space<hbm>>) dst(%arg9 : memref<128x128xf32, #tpu.memory_space<vmem>>)
      "tpu.region"() ({
        %run_scoped3A_91 = tpu.sem_alloc : memref<!tpu.dma_semaphore, #tpu.memory_space<semaphore_mem>>
        %dma_start3A_92 = arith.constant 0 : i32
        %dma_start3A_93 = tpu.memref_slice %arg7[%add3A_77, %dma_start3A_92] : memref<40x128xi32, #tpu.memory_space<vmem>> -> memref<1x128xi32, #tpu.memory_space<vmem>>
        %dma_start3A_94 = tpu.memref_squeeze %dma_start3A_93 : memref<1x128xi32, #tpu.memory_space<vmem>> -> memref<128xi32, #tpu.memory_space<vmem>>
        %dma_start3A_95 = arith.constant 0 : i32
        %dma_start3A_96 = arith.constant 0 : i32
        %dma_start3A_97 = tpu.memref_slice %arg13[%dma_start3A_95, %dma_start3A_96] : memref<10240x128xf32, #tpu.memory_space<vmem_shared>> -> memref<10240x128xf32, #tpu.memory_space<vmem_shared>>
        tpu.enqueue_indirect_dma source(%arg9 : memref<128x128xf32, #tpu.memory_space<vmem>>) target(%dma_start3A_97 : memref<10240x128xf32, #tpu.memory_space<vmem_shared>>) offsets(%dma_start3A_94 : memref<128xi32, #tpu.memory_space<vmem>>) semaphore(%run_scoped3A_91 : memref<!tpu.dma_semaphore, #tpu.memory_space<semaphore_mem>>) {add = true}
        %dma_wait3A_98 = arith.constant 0 : i32
        %dma_wait3A_99 = tpu.memref_slice %arg7[%add3A_77, %dma_wait3A_98] : memref<40x128xi32, #tpu.memory_space<vmem>> -> memref<1x128xi32, #tpu.memory_space<vmem>>
        %dma_wait3A_100 = tpu.memref_squeeze %dma_wait3A_99 : memref<1x128xi32, #tpu.memory_space<vmem>> -> memref<128xi32, #tpu.memory_space<vmem>>
        %dma_wait3A_101 = arith.constant 0 : i32
        %dma_wait3A_102 = arith.constant 0 : i32
        %dma_wait3A_103 = tpu.memref_slice %arg13[%dma_wait3A_101, %dma_wait3A_102] : memref<10240x128xf32, #tpu.memory_space<vmem_shared>> -> memref<10240x128xf32, #tpu.memory_space<vmem_shared>>
        tpu.wait_indirect_dma semaphore(%run_scoped3A_91 : memref<!tpu.dma_semaphore, #tpu.memory_space<semaphore_mem>>) src(%arg9 : memref<128x128xf32, #tpu.memory_space<vmem>>) dst(%dma_wait3A_103 : memref<10240x128xf32, #tpu.memory_space<vmem_shared>>)
        tpu.yield
      }) : () -> ()
      %add3A_84 = arith.constant 2 : i32
      %add3A_85 = arith.addi %add3A_77, %add3A_84 : i32
      %lt3A_86 = arith.constant 40 : i32
      %lt3A_87 = arith.cmpi slt, %add3A_85, %lt3A_86 : i32
      %convert_element_type3A_88 = arith.extui %lt3A_87 : i1 to i32
      %cond3A_89 = arith.constant 0 : i32
      %cond3A_90 = arith.cmpi ne, %convert_element_type3A_88, %cond3A_89 : i32
      scf.if %cond3A_90 {
        %add3A_91 = arith.constant 2 : i32
        %add3A_92 = arith.addi %add3A_77, %add3A_91 : i32
        %dma_start3A_93 = arith.constant 0 : i32
        %dma_start3A_94 = tpu.memref_slice %arg6[%add3A_92, %dma_start3A_93] : memref<40x128xi32, #tpu.memory_space<vmem>> -> memref<1x128xi32, #tpu.memory_space<vmem>>
        %dma_start3A_95 = tpu.memref_squeeze %dma_start3A_94 : memref<1x128xi32, #tpu.memory_space<vmem>> -> memref<128xi32, #tpu.memory_space<vmem>>
        %dma_start3A_96 = arith.constant 0 : i32
        %dma_start3A_97 = arith.constant 0 : i32
        %dma_start3A_98 = tpu.memref_slice %arg2[%dma_start3A_96, %dma_start3A_97] : memref<10000x128xf32, #tpu.memory_space<hbm>> -> memref<10000x128xf32, #tpu.memory_space<hbm>>
        tpu.enqueue_indirect_dma source(%dma_start3A_98 : memref<10000x128xf32, #tpu.memory_space<hbm>>) target(%arg9 : memref<128x128xf32, #tpu.memory_space<vmem>>) offsets(%dma_start3A_95 : memref<128xi32, #tpu.memory_space<vmem>>) semaphore(%arg12 : memref<!tpu.dma_semaphore, #tpu.memory_space<semaphore_mem>>)
      } else {
      }
    }
    %scan3A_29 = arith.constant 20 : i32
    %mul3A_30 = arith.constant 80 : i32
    %mul3A_31 = arith.muli %add3A, %mul3A_30 : i32
    %add3A_32 = arith.constant 40 : i32
    %add3A_33 = arith.addi %mul3A_31, %add3A_32 : i32
    %run_scoped3A_34 = arith.constant 0 : i32
    "tpu.region"() ({
      %run_scoped3A_56 = tpu.sem_alloc : memref<!tpu.dma_semaphore, #tpu.memory_space<semaphore_mem>>
      %dma_start3A_57 = arith.constant 0 : i32
      %dma_start3A_58 = tpu.memref_slice %arg3[%run_scoped3A_34, %add3A_33, %dma_start3A_57] : memref<2x2560x128xi32, #tpu.memory_space<hbm>> -> memref<1x40x128xi32, #tpu.memory_space<hbm>>
      %dma_start3A_59 = tpu.memref_squeeze %dma_start3A_58 : memref<1x40x128xi32, #tpu.memory_space<hbm>> -> memref<40x128xi32, #tpu.memory_space<hbm>>
      %dma_start3A_60 = arith.constant 0 : i32
      %dma_start3A_61 = tpu.memref_slice %arg3[%run_scoped3A_34, %add3A_33, %dma_start3A_60] : memref<2x2560x128xi32, #tpu.memory_space<hbm>> -> memref<1x40x128xi32, #tpu.memory_space<hbm>>
      %dma_start3A_62 = tpu.memref_squeeze %dma_start3A_61 : memref<1x40x128xi32, #tpu.memory_space<hbm>> -> memref<40x128xi32, #tpu.memory_space<hbm>>
      tpu.enqueue_dma source(%dma_start3A_62 : memref<40x128xi32, #tpu.memory_space<hbm>>) target(%arg6 : memref<40x128xi32, #tpu.memory_space<vmem>>) target_semaphore(%run_scoped3A_56 : memref<!tpu.dma_semaphore, #tpu.memory_space<semaphore_mem>>)
      %dma_wait3A = arith.constant 0 : i32
      %dma_wait3A_63 = tpu.memref_slice %arg3[%run_scoped3A_34, %add3A_33, %dma_wait3A] : memref<2x2560x128xi32, #tpu.memory_space<hbm>> -> memref<1x40x128xi32, #tpu.memory_space<hbm>>
      %dma_wait3A_64 = tpu.memref_squeeze %dma_wait3A_63 : memref<1x40x128xi32, #tpu.memory_space<hbm>> -> memref<40x128xi32, #tpu.memory_space<hbm>>
      %dma_wait3A_65 = arith.constant 0 : i32
      %dma_wait3A_66 = tpu.memref_slice %arg3[%run_scoped3A_34, %add3A_33, %dma_wait3A_65] : memref<2x2560x128xi32, #tpu.memory_space<hbm>> -> memref<1x40x128xi32, #tpu.memory_space<hbm>>
      %dma_wait3A_67 = tpu.memref_squeeze %dma_wait3A_66 : memref<1x40x128xi32, #tpu.memory_space<hbm>> -> memref<40x128xi32, #tpu.memory_space<hbm>>
      tpu.wait_dma2 semaphore(%run_scoped3A_56 : memref<!tpu.dma_semaphore, #tpu.memory_space<semaphore_mem>>) src(%dma_wait3A_67 : memref<40x128xi32, #tpu.memory_space<hbm>>) dst(%arg6 : memref<40x128xi32, #tpu.memory_space<vmem>>)
      tpu.yield
    }) : () -> ()
    %run_scoped3A_35 = arith.constant 1 : i32
    "tpu.region"() ({
      %run_scoped3A_56 = tpu.sem_alloc : memref<!tpu.dma_semaphore, #tpu.memory_space<semaphore_mem>>
      %dma_start3A_57 = arith.constant 0 : i32
      %dma_start3A_58 = tpu.memref_slice %arg3[%run_scoped3A_35, %add3A_33, %dma_start3A_57] : memref<2x2560x128xi32, #tpu.memory_space<hbm>> -> memref<1x40x128xi32, #tpu.memory_space<hbm>>
      %dma_start3A_59 = tpu.memref_squeeze %dma_start3A_58 : memref<1x40x128xi32, #tpu.memory_space<hbm>> -> memref<40x128xi32, #tpu.memory_space<hbm>>
      %dma_start3A_60 = arith.constant 0 : i32
      %dma_start3A_61 = tpu.memref_slice %arg3[%run_scoped3A_35, %add3A_33, %dma_start3A_60] : memref<2x2560x128xi32, #tpu.memory_space<hbm>> -> memref<1x40x128xi32, #tpu.memory_space<hbm>>
      %dma_start3A_62 = tpu.memref_squeeze %dma_start3A_61 : memref<1x40x128xi32, #tpu.memory_space<hbm>> -> memref<40x128xi32, #tpu.memory_space<hbm>>
      tpu.enqueue_dma source(%dma_start3A_62 : memref<40x128xi32, #tpu.memory_space<hbm>>) target(%arg7 : memref<40x128xi32, #tpu.memory_space<vmem>>) target_semaphore(%run_scoped3A_56 : memref<!tpu.dma_semaphore, #tpu.memory_space<semaphore_mem>>)
      %dma_wait3A = arith.constant 0 : i32
      %dma_wait3A_63 = tpu.memref_slice %arg3[%run_scoped3A_35, %add3A_33, %dma_wait3A] : memref<2x2560x128xi32, #tpu.memory_space<hbm>> -> memref<1x40x128xi32, #tpu.memory_space<hbm>>
      %dma_wait3A_64 = tpu.memref_squeeze %dma_wait3A_63 : memref<1x40x128xi32, #tpu.memory_space<hbm>> -> memref<40x128xi32, #tpu.memory_space<hbm>>
      %dma_wait3A_65 = arith.constant 0 : i32
      %dma_wait3A_66 = tpu.memref_slice %arg3[%run_scoped3A_35, %add3A_33, %dma_wait3A_65] : memref<2x2560x128xi32, #tpu.memory_space<hbm>> -> memref<1x40x128xi32, #tpu.memory_space<hbm>>
      %dma_wait3A_67 = tpu.memref_squeeze %dma_wait3A_66 : memref<1x40x128xi32, #tpu.memory_space<hbm>> -> memref<40x128xi32, #tpu.memory_space<hbm>>
      tpu.wait_dma2 semaphore(%run_scoped3A_56 : memref<!tpu.dma_semaphore, #tpu.memory_space<semaphore_mem>>) src(%dma_wait3A_67 : memref<40x128xi32, #tpu.memory_space<hbm>>) dst(%arg7 : memref<40x128xi32, #tpu.memory_space<vmem>>)
      tpu.yield
    }) : () -> ()
    %dma_start3A_36 = arith.constant 0 : i32
    %dma_start3A_37 = arith.constant 0 : i32
    %dma_start3A_38 = tpu.memref_slice %arg6[%dma_start3A_36, %dma_start3A_37] : memref<40x128xi32, #tpu.memory_space<vmem>> -> memref<1x128xi32, #tpu.memory_space<vmem>>
    %dma_start3A_39 = tpu.memref_squeeze %dma_start3A_38 : memref<1x128xi32, #tpu.memory_space<vmem>> -> memref<128xi32, #tpu.memory_space<vmem>>
    %dma_start3A_40 = arith.constant 0 : i32
    %dma_start3A_41 = arith.constant 0 : i32
    %dma_start3A_42 = tpu.memref_slice %arg2[%dma_start3A_40, %dma_start3A_41] : memref<10000x128xf32, #tpu.memory_space<hbm>> -> memref<10000x128xf32, #tpu.memory_space<hbm>>
    tpu.enqueue_indirect_dma source(%dma_start3A_42 : memref<10000x128xf32, #tpu.memory_space<hbm>>) target(%arg8 : memref<128x128xf32, #tpu.memory_space<vmem>>) offsets(%dma_start3A_39 : memref<128xi32, #tpu.memory_space<vmem>>) semaphore(%arg11 : memref<!tpu.dma_semaphore, #tpu.memory_space<semaphore_mem>>)
    %dma_start3A_43 = arith.constant 1 : i32
    %dma_start3A_44 = arith.constant 0 : i32
    %dma_start3A_45 = tpu.memref_slice %arg6[%dma_start3A_43, %dma_start3A_44] : memref<40x128xi32, #tpu.memory_space<vmem>> -> memref<1x128xi32, #tpu.memory_space<vmem>>
    %dma_start3A_46 = tpu.memref_squeeze %dma_start3A_45 : memref<1x128xi32, #tpu.memory_space<vmem>> -> memref<128xi32, #tpu.memory_space<vmem>>
    %dma_start3A_47 = arith.constant 0 : i32
    %dma_start3A_48 = arith.constant 0 : i32
    %dma_start3A_49 = tpu.memref_slice %arg2[%dma_start3A_47, %dma_start3A_48] : memref<10000x128xf32, #tpu.memory_space<hbm>> -> memref<10000x128xf32, #tpu.memory_space<hbm>>
    tpu.enqueue_indirect_dma source(%dma_start3A_49 : memref<10000x128xf32, #tpu.memory_space<hbm>>) target(%arg9 : memref<128x128xf32, #tpu.memory_space<vmem>>) offsets(%dma_start3A_46 : memref<128xi32, #tpu.memory_space<vmem>>) semaphore(%arg12 : memref<!tpu.dma_semaphore, #tpu.memory_space<semaphore_mem>>)
    %scan3A_50 = arith.constant 0 : i32
    %scan3A_51 = arith.constant 20 : i32
    %scan3A_52 = arith.addi %scan3A_50, %scan3A_51 : i32
    %scan3A_53 = arith.constant 1 : i32
    scf.for %scan3A_56 = %scan3A_50 to %scan3A_52 step %scan3A_53  : i32 {
      %mul3A_57 = arith.constant 1 : i32
      %mul3A_58 = arith.muli %scan3A_56, %mul3A_57 : i32
      %add3A_59 = arith.constant 0 : i32
      %add3A_60 = arith.addi %add3A_59, %mul3A_58 : i32
      %mul3A_61 = arith.constant 2 : i32
      %mul3A_62 = arith.muli %mul3A_61, %add3A_60 : i32
      %add3A_63 = arith.constant 0 : i32
      %add3A_64 = arith.addi %mul3A_62, %add3A_63 : i32
      %dma_wait3A = arith.constant 0 : i32
      %dma_wait3A_65 = arith.constant 0 : i32
      %dma_wait3A_66 = tpu.memref_slice %arg2[%dma_wait3A, %dma_wait3A_65] : memref<10000x128xf32, #tpu.memory_space<hbm>> -> memref<128x128xf32, #tpu.memory_space<hbm>>
      %dma_wait3A_67 = arith.constant 0 : i32
      %dma_wait3A_68 = arith.constant 0 : i32
      %dma_wait3A_69 = tpu.memref_slice %arg2[%dma_wait3A_67, %dma_wait3A_68] : memref<10000x128xf32, #tpu.memory_space<hbm>> -> memref<128x128xf32, #tpu.memory_space<hbm>>
      tpu.wait_dma2 semaphore(%arg11 : memref<!tpu.dma_semaphore, #tpu.memory_space<semaphore_mem>>) src(%dma_wait3A_69 : memref<128x128xf32, #tpu.memory_space<hbm>>) dst(%arg8 : memref<128x128xf32, #tpu.memory_space<vmem>>)
      "tpu.region"() ({
        %run_scoped3A_91 = tpu.sem_alloc : memref<!tpu.dma_semaphore, #tpu.memory_space<semaphore_mem>>
        %dma_start3A_92 = arith.constant 0 : i32
        %dma_start3A_93 = tpu.memref_slice %arg7[%add3A_64, %dma_start3A_92] : memref<40x128xi32, #tpu.memory_space<vmem>> -> memref<1x128xi32, #tpu.memory_space<vmem>>
        %dma_start3A_94 = tpu.memref_squeeze %dma_start3A_93 : memref<1x128xi32, #tpu.memory_space<vmem>> -> memref<128xi32, #tpu.memory_space<vmem>>
        %dma_start3A_95 = arith.constant 0 : i32
        %dma_start3A_96 = arith.constant 0 : i32
        %dma_start3A_97 = tpu.memref_slice %arg13[%dma_start3A_95, %dma_start3A_96] : memref<10240x128xf32, #tpu.memory_space<vmem_shared>> -> memref<10240x128xf32, #tpu.memory_space<vmem_shared>>
        tpu.enqueue_indirect_dma source(%arg8 : memref<128x128xf32, #tpu.memory_space<vmem>>) target(%dma_start3A_97 : memref<10240x128xf32, #tpu.memory_space<vmem_shared>>) offsets(%dma_start3A_94 : memref<128xi32, #tpu.memory_space<vmem>>) semaphore(%run_scoped3A_91 : memref<!tpu.dma_semaphore, #tpu.memory_space<semaphore_mem>>) {add = true}
        %dma_wait3A_98 = arith.constant 0 : i32
        %dma_wait3A_99 = tpu.memref_slice %arg7[%add3A_64, %dma_wait3A_98] : memref<40x128xi32, #tpu.memory_space<vmem>> -> memref<1x128xi32, #tpu.memory_space<vmem>>
        %dma_wait3A_100 = tpu.memref_squeeze %dma_wait3A_99 : memref<1x128xi32, #tpu.memory_space<vmem>> -> memref<128xi32, #tpu.memory_space<vmem>>
        %dma_wait3A_101 = arith.constant 0 : i32
        %dma_wait3A_102 = arith.constant 0 : i32
        %dma_wait3A_103 = tpu.memref_slice %arg13[%dma_wait3A_101, %dma_wait3A_102] : memref<10240x128xf32, #tpu.memory_space<vmem_shared>> -> memref<10240x128xf32, #tpu.memory_space<vmem_shared>>
        tpu.wait_indirect_dma semaphore(%run_scoped3A_91 : memref<!tpu.dma_semaphore, #tpu.memory_space<semaphore_mem>>) src(%arg8 : memref<128x128xf32, #tpu.memory_space<vmem>>) dst(%dma_wait3A_103 : memref<10240x128xf32, #tpu.memory_space<vmem_shared>>)
        tpu.yield
      }) : () -> ()
      %add3A_70 = arith.constant 2 : i32
      %add3A_71 = arith.addi %add3A_64, %add3A_70 : i32
      %lt3A = arith.constant 40 : i32
      %lt3A_72 = arith.cmpi slt, %add3A_71, %lt3A : i32
      %convert_element_type3A = arith.extui %lt3A_72 : i1 to i32
      %cond3A = arith.constant 0 : i32
      %cond3A_73 = arith.cmpi ne, %convert_element_type3A, %cond3A : i32
      scf.if %cond3A_73 {
        %add3A_91 = arith.constant 2 : i32
        %add3A_92 = arith.addi %add3A_64, %add3A_91 : i32
        %dma_start3A_93 = arith.constant 0 : i32
        %dma_start3A_94 = tpu.memref_slice %arg6[%add3A_92, %dma_start3A_93] : memref<40x128xi32, #tpu.memory_space<vmem>> -> memref<1x128xi32, #tpu.memory_space<vmem>>
        %dma_start3A_95 = tpu.memref_squeeze %dma_start3A_94 : memref<1x128xi32, #tpu.memory_space<vmem>> -> memref<128xi32, #tpu.memory_space<vmem>>
        %dma_start3A_96 = arith.constant 0 : i32
        %dma_start3A_97 = arith.constant 0 : i32
        %dma_start3A_98 = tpu.memref_slice %arg2[%dma_start3A_96, %dma_start3A_97] : memref<10000x128xf32, #tpu.memory_space<hbm>> -> memref<10000x128xf32, #tpu.memory_space<hbm>>
        tpu.enqueue_indirect_dma source(%dma_start3A_98 : memref<10000x128xf32, #tpu.memory_space<hbm>>) target(%arg8 : memref<128x128xf32, #tpu.memory_space<vmem>>) offsets(%dma_start3A_95 : memref<128xi32, #tpu.memory_space<vmem>>) semaphore(%arg11 : memref<!tpu.dma_semaphore, #tpu.memory_space<semaphore_mem>>)
      } else {
      }
      %mul3A_74 = arith.constant 2 : i32
      %mul3A_75 = arith.muli %mul3A_74, %add3A_60 : i32
      %add3A_76 = arith.constant 1 : i32
      %add3A_77 = arith.addi %mul3A_75, %add3A_76 : i32
      %dma_wait3A_78 = arith.constant 0 : i32
      %dma_wait3A_79 = arith.constant 0 : i32
      %dma_wait3A_80 = tpu.memref_slice %arg2[%dma_wait3A_78, %dma_wait3A_79] : memref<10000x128xf32, #tpu.memory_space<hbm>> -> memref<128x128xf32, #tpu.memory_space<hbm>>
      %dma_wait3A_81 = arith.constant 0 : i32
      %dma_wait3A_82 = arith.constant 0 : i32
      %dma_wait3A_83 = tpu.memref_slice %arg2[%dma_wait3A_81, %dma_wait3A_82] : memref<10000x128xf32, #tpu.memory_space<hbm>> -> memref<128x128xf32, #tpu.memory_space<hbm>>
      tpu.wait_dma2 semaphore(%arg12 : memref<!tpu.dma_semaphore, #tpu.memory_space<semaphore_mem>>) src(%dma_wait3A_83 : memref<128x128xf32, #tpu.memory_space<hbm>>) dst(%arg9 : memref<128x128xf32, #tpu.memory_space<vmem>>)
      "tpu.region"() ({
        %run_scoped3A_91 = tpu.sem_alloc : memref<!tpu.dma_semaphore, #tpu.memory_space<semaphore_mem>>
        %dma_start3A_92 = arith.constant 0 : i32
        %dma_start3A_93 = tpu.memref_slice %arg7[%add3A_77, %dma_start3A_92] : memref<40x128xi32, #tpu.memory_space<vmem>> -> memref<1x128xi32, #tpu.memory_space<vmem>>
        %dma_start3A_94 = tpu.memref_squeeze %dma_start3A_93 : memref<1x128xi32, #tpu.memory_space<vmem>> -> memref<128xi32, #tpu.memory_space<vmem>>
        %dma_start3A_95 = arith.constant 0 : i32
        %dma_start3A_96 = arith.constant 0 : i32
        %dma_start3A_97 = tpu.memref_slice %arg13[%dma_start3A_95, %dma_start3A_96] : memref<10240x128xf32, #tpu.memory_space<vmem_shared>> -> memref<10240x128xf32, #tpu.memory_space<vmem_shared>>
        tpu.enqueue_indirect_dma source(%arg9 : memref<128x128xf32, #tpu.memory_space<vmem>>) target(%dma_start3A_97 : memref<10240x128xf32, #tpu.memory_space<vmem_shared>>) offsets(%dma_start3A_94 : memref<128xi32, #tpu.memory_space<vmem>>) semaphore(%run_scoped3A_91 : memref<!tpu.dma_semaphore, #tpu.memory_space<semaphore_mem>>) {add = true}
        %dma_wait3A_98 = arith.constant 0 : i32
        %dma_wait3A_99 = tpu.memref_slice %arg7[%add3A_77, %dma_wait3A_98] : memref<40x128xi32, #tpu.memory_space<vmem>> -> memref<1x128xi32, #tpu.memory_space<vmem>>
        %dma_wait3A_100 = tpu.memref_squeeze %dma_wait3A_99 : memref<1x128xi32, #tpu.memory_space<vmem>> -> memref<128xi32, #tpu.memory_space<vmem>>
        %dma_wait3A_101 = arith.constant 0 : i32
        %dma_wait3A_102 = arith.constant 0 : i32
        %dma_wait3A_103 = tpu.memref_slice %arg13[%dma_wait3A_101, %dma_wait3A_102] : memref<10240x128xf32, #tpu.memory_space<vmem_shared>> -> memref<10240x128xf32, #tpu.memory_space<vmem_shared>>
        tpu.wait_indirect_dma semaphore(%run_scoped3A_91 : memref<!tpu.dma_semaphore, #tpu.memory_space<semaphore_mem>>) src(%arg9 : memref<128x128xf32, #tpu.memory_space<vmem>>) dst(%dma_wait3A_103 : memref<10240x128xf32, #tpu.memory_space<vmem_shared>>)
        tpu.yield
      }) : () -> ()
      %add3A_84 = arith.constant 2 : i32
      %add3A_85 = arith.addi %add3A_77, %add3A_84 : i32
      %lt3A_86 = arith.constant 40 : i32
      %lt3A_87 = arith.cmpi slt, %add3A_85, %lt3A_86 : i32
      %convert_element_type3A_88 = arith.extui %lt3A_87 : i1 to i32
      %cond3A_89 = arith.constant 0 : i32
      %cond3A_90 = arith.cmpi ne, %convert_element_type3A_88, %cond3A_89 : i32
      scf.if %cond3A_90 {
        %add3A_91 = arith.constant 2 : i32
        %add3A_92 = arith.addi %add3A_77, %add3A_91 : i32
        %dma_start3A_93 = arith.constant 0 : i32
        %dma_start3A_94 = tpu.memref_slice %arg6[%add3A_92, %dma_start3A_93] : memref<40x128xi32, #tpu.memory_space<vmem>> -> memref<1x128xi32, #tpu.memory_space<vmem>>
        %dma_start3A_95 = tpu.memref_squeeze %dma_start3A_94 : memref<1x128xi32, #tpu.memory_space<vmem>> -> memref<128xi32, #tpu.memory_space<vmem>>
        %dma_start3A_96 = arith.constant 0 : i32
        %dma_start3A_97 = arith.constant 0 : i32
        %dma_start3A_98 = tpu.memref_slice %arg2[%dma_start3A_96, %dma_start3A_97] : memref<10000x128xf32, #tpu.memory_space<hbm>> -> memref<10000x128xf32, #tpu.memory_space<hbm>>
        tpu.enqueue_indirect_dma source(%dma_start3A_98 : memref<10000x128xf32, #tpu.memory_space<hbm>>) target(%arg9 : memref<128x128xf32, #tpu.memory_space<vmem>>) offsets(%dma_start3A_95 : memref<128xi32, #tpu.memory_space<vmem>>) semaphore(%arg12 : memref<!tpu.dma_semaphore, #tpu.memory_space<semaphore_mem>>)
      } else {
      }
    }
    %scan3A_54 = arith.constant 20 : i32
    %barrier3A_55 = arith.constant 0 : index
    tpu.barrier barrier_id(%barrier3A_55)
    "tpu.region"() ({
      %run_scoped3A_56 = tpu.sem_alloc : memref<!tpu.dma_semaphore, #tpu.memory_space<semaphore_mem>>
      %dma_start3A_57 = arith.constant 0 : i32
      %dma_start3A_58 = tpu.memref_slice %arg5[%arg0, %mul3A_2, %dma_start3A_57] : memref<2x10240x128xf32, #tpu.memory_space<hbm>> -> memref<1x640x128xf32, #tpu.memory_space<hbm>>
      %dma_start3A_59 = tpu.memref_squeeze %dma_start3A_58 : memref<1x640x128xf32, #tpu.memory_space<hbm>> -> memref<640x128xf32, #tpu.memory_space<hbm>>
      %dma_start3A_60 = arith.constant 0 : i32
      %dma_start3A_61 = tpu.memref_slice %arg13[%mul3A_2, %dma_start3A_60] : memref<10240x128xf32, #tpu.memory_space<vmem_shared>> -> memref<640x128xf32, #tpu.memory_space<vmem_shared>>
      tpu.enqueue_dma source(%dma_start3A_61 : memref<640x128xf32, #tpu.memory_space<vmem_shared>>) target(%dma_start3A_59 : memref<640x128xf32, #tpu.memory_space<hbm>>) target_semaphore(%run_scoped3A_56 : memref<!tpu.dma_semaphore, #tpu.memory_space<semaphore_mem>>)
      %dma_wait3A = arith.constant 0 : i32
      %dma_wait3A_62 = tpu.memref_slice %arg5[%arg0, %mul3A_2, %dma_wait3A] : memref<2x10240x128xf32, #tpu.memory_space<hbm>> -> memref<1x640x128xf32, #tpu.memory_space<hbm>>
      %dma_wait3A_63 = tpu.memref_squeeze %dma_wait3A_62 : memref<1x640x128xf32, #tpu.memory_space<hbm>> -> memref<640x128xf32, #tpu.memory_space<hbm>>
      %dma_wait3A_64 = arith.constant 0 : i32
      %dma_wait3A_65 = tpu.memref_slice %arg13[%mul3A_2, %dma_wait3A_64] : memref<10240x128xf32, #tpu.memory_space<vmem_shared>> -> memref<640x128xf32, #tpu.memory_space<vmem_shared>>
      tpu.wait_dma2 semaphore(%run_scoped3A_56 : memref<!tpu.dma_semaphore, #tpu.memory_space<semaphore_mem>>) src(%dma_wait3A_65 : memref<640x128xf32, #tpu.memory_space<vmem_shared>>) dst(%dma_wait3A_63 : memref<640x128xf32, #tpu.memory_space<hbm>>)
      tpu.yield
    }) : () -> ()
    return
  }
}

#map = affine_map<(d0, d1) -> (0, 0)>
#map1 = affine_map<(d0, d1) -> (0, 0, 0)>
module attributes {stable_mosaic.version = 14 : i64} {
  func.func @body(%arg0: i32, %arg1: i32, %arg2: memref<10000x128xf32, #tpu.memory_space<hbm>>, %arg3: memref<2x2560x128xi32, #tpu.memory_space<hbm>>, %arg4: memref<16x128xf32, #tpu.memory_space<hbm>>, %arg5: memref<2x10240x128xf32, #tpu.memory_space<hbm>>, %arg6: memref<40x128xi32, #tpu.memory_space<vmem>>, %arg7: memref<40x128xi32, #tpu.memory_space<vmem>>, %arg8: memref<128x128xf32, #tpu.memory_space<vmem>>, %arg9: memref<128x128xf32, #tpu.memory_space<vmem>>, %arg10: memref<16x128xf32, #tpu.memory_space<vmem>>, %arg11: memref<!tpu.dma_semaphore, #tpu.memory_space<semaphore_mem>>, %arg12: memref<!tpu.dma_semaphore, #tpu.memory_space<semaphore_mem>>, %arg13: memref<10240x128xf32, #tpu.memory_space<vmem_shared>>) attributes {dimension_semantics = [#tpu.dimension_semantics<core_parallel>, #tpu.dimension_semantics<subcore_parallel>], iteration_bounds = array<i64: 2, 16>, scalar_prefetch = 0 : i64, scratch_operands = 8 : i64, tpu.core_type = #tpu.core_type<sc_vector_subcore>, window_params = [{transform_indices = #map}, {transform_indices = #map1}, {transform_indices = #map}, {transform_indices = #map1}]} {
    %mul3A = arith.constant 16 : i32
    %mul3A_0 = arith.muli %arg0, %mul3A : i32
    %add3A = arith.addi %mul3A_0, %arg1 : i32
    %mul3A_1 = arith.constant 640 : i32
    %mul3A_2 = arith.muli %arg1, %mul3A_1 : i32
    "tpu.region"() ({
      %run_scoped3A_56 = tpu.sem_alloc : memref<!tpu.dma_semaphore, #tpu.memory_space<semaphore_mem>>
      tpu.enqueue_dma source(%arg4 : memref<16x128xf32, #tpu.memory_space<hbm>>) target(%arg10 : memref<16x128xf32, #tpu.memory_space<vmem>>) target_semaphore(%run_scoped3A_56 : memref<!tpu.dma_semaphore, #tpu.memory_space<semaphore_mem>>)
      tpu.wait_dma2 semaphore(%run_scoped3A_56 : memref<!tpu.dma_semaphore, #tpu.memory_space<semaphore_mem>>) src(%arg4 : memref<16x128xf32, #tpu.memory_space<hbm>>) dst(%arg10 : memref<16x128xf32, #tpu.memory_space<vmem>>)
      tpu.yield
    }) : () -> ()
    %scan3A = arith.constant 0 : i32
    %scan3A_3 = arith.constant 40 : i32
    %scan3A_4 = arith.addi %scan3A, %scan3A_3 : i32
    %scan3A_5 = arith.constant 1 : i32
    scf.for %scan3A_56 = %scan3A to %scan3A_4 step %scan3A_5  : i32 {
      %mul3A_57 = arith.constant 1 : i32
      %mul3A_58 = arith.muli %scan3A_56, %mul3A_57 : i32
      %add3A_59 = arith.constant 0 : i32
      %add3A_60 = arith.addi %add3A_59, %mul3A_58 : i32
      %mul3A_61 = arith.constant 16 : i32
      %mul3A_62 = arith.muli %add3A_60, %mul3A_61 : i32
      %add3A_63 = arith.addi %mul3A_2, %mul3A_62 : i32
      "tpu.region"() ({
        %run_scoped3A_64 = tpu.sem_alloc : memref<!tpu.dma_semaphore, #tpu.memory_space<semaphore_mem>>
        %dma_start3A_65 = arith.constant 0 : i32
        %dma_start3A_66 = tpu.memref_slice %arg13[%add3A_63, %dma_start3A_65] : memref<10240x128xf32, #tpu.memory_space<vmem_shared>> -> memref<16x128xf32, #tpu.memory_space<vmem_shared>>
        %dma_start3A_67 = arith.constant 0 : i32
        %dma_start3A_68 = tpu.memref_slice %arg13[%add3A_63, %dma_start3A_67] : memref<10240x128xf32, #tpu.memory_space<vmem_shared>> -> memref<16x128xf32, #tpu.memory_space<vmem_shared>>
        tpu.enqueue_dma source(%arg10 : memref<16x128xf32, #tpu.memory_space<vmem>>) target(%dma_start3A_68 : memref<16x128xf32, #tpu.memory_space<vmem_shared>>) target_semaphore(%run_scoped3A_64 : memref<!tpu.dma_semaphore, #tpu.memory_space<semaphore_mem>>)
        %dma_wait3A = arith.constant 0 : i32
        %dma_wait3A_69 = tpu.memref_slice %arg13[%add3A_63, %dma_wait3A] : memref<10240x128xf32, #tpu.memory_space<vmem_shared>> -> memref<16x128xf32, #tpu.memory_space<vmem_shared>>
        %dma_wait3A_70 = arith.constant 0 : i32
        %dma_wait3A_71 = tpu.memref_slice %arg13[%add3A_63, %dma_wait3A_70] : memref<10240x128xf32, #tpu.memory_space<vmem_shared>> -> memref<16x128xf32, #tpu.memory_space<vmem_shared>>
        tpu.wait_dma2 semaphore(%run_scoped3A_64 : memref<!tpu.dma_semaphore, #tpu.memory_space<semaphore_mem>>) src(%arg10 : memref<16x128xf32, #tpu.memory_space<vmem>>) dst(%dma_wait3A_71 : memref<16x128xf32, #tpu.memory_space<vmem_shared>>)
        tpu.yield
      }) : () -> ()
    }
    %scan3A_6 = arith.constant 40 : i32
    %barrier3A = arith.constant 0 : index
    tpu.barrier barrier_id(%barrier3A)
    %mul3A_7 = arith.constant 80 : i32
    %mul3A_8 = arith.muli %add3A, %mul3A_7 : i32
    %add3A_9 = arith.constant 0 : i32
    %add3A_10 = arith.addi %mul3A_8, %add3A_9 : i32
    %run_scoped3A = arith.constant 0 : i32
    "tpu.region"() ({
      %run_scoped3A_56 = tpu.sem_alloc : memref<!tpu.dma_semaphore, #tpu.memory_space<semaphore_mem>>
      %dma_start3A_57 = arith.constant 0 : i32
      %dma_start3A_58 = tpu.memref_slice %arg3[%run_scoped3A, %add3A_10, %dma_start3A_57] : memref<2x2560x128xi32, #tpu.memory_space<hbm>> -> memref<1x40x128xi32, #tpu.memory_space<hbm>>
      %dma_start3A_59 = tpu.memref_squeeze %dma_start3A_58 : memref<1x40x128xi32, #tpu.memory_space<hbm>> -> memref<40x128xi32, #tpu.memory_space<hbm>>
      %dma_start3A_60 = arith.constant 0 : i32
      %dma_start3A_61 = tpu.memref_slice %arg3[%run_scoped3A, %add3A_10, %dma_start3A_60] : memref<2x2560x128xi32, #tpu.memory_space<hbm>> -> memref<1x40x128xi32, #tpu.memory_space<hbm>>
      %dma_start3A_62 = tpu.memref_squeeze %dma_start3A_61 : memref<1x40x128xi32, #tpu.memory_space<hbm>> -> memref<40x128xi32, #tpu.memory_space<hbm>>
      tpu.enqueue_dma source(%dma_start3A_62 : memref<40x128xi32, #tpu.memory_space<hbm>>) target(%arg6 : memref<40x128xi32, #tpu.memory_space<vmem>>) target_semaphore(%run_scoped3A_56 : memref<!tpu.dma_semaphore, #tpu.memory_space<semaphore_mem>>)
      %dma_wait3A = arith.constant 0 : i32
      %dma_wait3A_63 = tpu.memref_slice %arg3[%run_scoped3A, %add3A_10, %dma_wait3A] : memref<2x2560x128xi32, #tpu.memory_space<hbm>> -> memref<1x40x128xi32, #tpu.memory_space<hbm>>
      %dma_wait3A_64 = tpu.memref_squeeze %dma_wait3A_63 : memref<1x40x128xi32, #tpu.memory_space<hbm>> -> memref<40x128xi32, #tpu.memory_space<hbm>>
      %dma_wait3A_65 = arith.constant 0 : i32
      %dma_wait3A_66 = tpu.memref_slice %arg3[%run_scoped3A, %add3A_10, %dma_wait3A_65] : memref<2x2560x128xi32, #tpu.memory_space<hbm>> -> memref<1x40x128xi32, #tpu.memory_space<hbm>>
      %dma_wait3A_67 = tpu.memref_squeeze %dma_wait3A_66 : memref<1x40x128xi32, #tpu.memory_space<hbm>> -> memref<40x128xi32, #tpu.memory_space<hbm>>
      tpu.wait_dma2 semaphore(%run_scoped3A_56 : memref<!tpu.dma_semaphore, #tpu.memory_space<semaphore_mem>>) src(%dma_wait3A_67 : memref<40x128xi32, #tpu.memory_space<hbm>>) dst(%arg6 : memref<40x128xi32, #tpu.memory_space<vmem>>)
      tpu.yield
    }) : () -> ()
    %run_scoped3A_11 = arith.constant 1 : i32
    "tpu.region"() ({
      %run_scoped3A_56 = tpu.sem_alloc : memref<!tpu.dma_semaphore, #tpu.memory_space<semaphore_mem>>
      %dma_start3A_57 = arith.constant 0 : i32
      %dma_start3A_58 = tpu.memref_slice %arg3[%run_scoped3A_11, %add3A_10, %dma_start3A_57] : memref<2x2560x128xi32, #tpu.memory_space<hbm>> -> memref<1x40x128xi32, #tpu.memory_space<hbm>>
      %dma_start3A_59 = tpu.memref_squeeze %dma_start3A_58 : memref<1x40x128xi32, #tpu.memory_space<hbm>> -> memref<40x128xi32, #tpu.memory_space<hbm>>
      %dma_start3A_60 = arith.constant 0 : i32
      %dma_start3A_61 = tpu.memref_slice %arg3[%run_scoped3A_11, %add3A_10, %dma_start3A_60] : memref<2x2560x128xi32, #tpu.memory_space<hbm>> -> memref<1x40x128xi32, #tpu.memory_space<hbm>>
      %dma_start3A_62 = tpu.memref_squeeze %dma_start3A_61 : memref<1x40x128xi32, #tpu.memory_space<hbm>> -> memref<40x128xi32, #tpu.memory_space<hbm>>
      tpu.enqueue_dma source(%dma_start3A_62 : memref<40x128xi32, #tpu.memory_space<hbm>>) target(%arg7 : memref<40x128xi32, #tpu.memory_space<vmem>>) target_semaphore(%run_scoped3A_56 : memref<!tpu.dma_semaphore, #tpu.memory_space<semaphore_mem>>)
      %dma_wait3A = arith.constant 0 : i32
      %dma_wait3A_63 = tpu.memref_slice %arg3[%run_scoped3A_11, %add3A_10, %dma_wait3A] : memref<2x2560x128xi32, #tpu.memory_space<hbm>> -> memref<1x40x128xi32, #tpu.memory_space<hbm>>
      %dma_wait3A_64 = tpu.memref_squeeze %dma_wait3A_63 : memref<1x40x128xi32, #tpu.memory_space<hbm>> -> memref<40x128xi32, #tpu.memory_space<hbm>>
      %dma_wait3A_65 = arith.constant 0 : i32
      %dma_wait3A_66 = tpu.memref_slice %arg3[%run_scoped3A_11, %add3A_10, %dma_wait3A_65] : memref<2x2560x128xi32, #tpu.memory_space<hbm>> -> memref<1x40x128xi32, #tpu.memory_space<hbm>>
      %dma_wait3A_67 = tpu.memref_squeeze %dma_wait3A_66 : memref<1x40x128xi32, #tpu.memory_space<hbm>> -> memref<40x128xi32, #tpu.memory_space<hbm>>
      tpu.wait_dma2 semaphore(%run_scoped3A_56 : memref<!tpu.dma_semaphore, #tpu.memory_space<semaphore_mem>>) src(%dma_wait3A_67 : memref<40x128xi32, #tpu.memory_space<hbm>>) dst(%arg7 : memref<40x128xi32, #tpu.memory_space<vmem>>)
      tpu.yield
    }) : () -> ()
    %dma_start3A = arith.constant 0 : i32
    %dma_start3A_12 = arith.constant 0 : i32
    %dma_start3A_13 = tpu.memref_slice %arg6[%dma_start3A, %dma_start3A_12] : memref<40x128xi32, #tpu.memory_space<vmem>> -> memref<1x128xi32, #tpu.memory_space<vmem>>
    %dma_start3A_14 = tpu.memref_squeeze %dma_start3A_13 : memref<1x128xi32, #tpu.memory_space<vmem>> -> memref<128xi32, #tpu.memory_space<vmem>>
    %dma_start3A_15 = arith.constant 0 : i32
    %dma_start3A_16 = arith.constant 0 : i32
    %dma_start3A_17 = tpu.memref_slice %arg2[%dma_start3A_15, %dma_start3A_16] : memref<10000x128xf32, #tpu.memory_space<hbm>> -> memref<10000x128xf32, #tpu.memory_space<hbm>>
    tpu.enqueue_indirect_dma source(%dma_start3A_17 : memref<10000x128xf32, #tpu.memory_space<hbm>>) target(%arg8 : memref<128x128xf32, #tpu.memory_space<vmem>>) offsets(%dma_start3A_14 : memref<128xi32, #tpu.memory_space<vmem>>) semaphore(%arg11 : memref<!tpu.dma_semaphore, #tpu.memory_space<semaphore_mem>>)
    %dma_start3A_18 = arith.constant 1 : i32
    %dma_start3A_19 = arith.constant 0 : i32
    %dma_start3A_20 = tpu.memref_slice %arg6[%dma_start3A_18, %dma_start3A_19] : memref<40x128xi32, #tpu.memory_space<vmem>> -> memref<1x128xi32, #tpu.memory_space<vmem>>
    %dma_start3A_21 = tpu.memref_squeeze %dma_start3A_20 : memref<1x128xi32, #tpu.memory_space<vmem>> -> memref<128xi32, #tpu.memory_space<vmem>>
    %dma_start3A_22 = arith.constant 0 : i32
    %dma_start3A_23 = arith.constant 0 : i32
    %dma_start3A_24 = tpu.memref_slice %arg2[%dma_start3A_22, %dma_start3A_23] : memref<10000x128xf32, #tpu.memory_space<hbm>> -> memref<10000x128xf32, #tpu.memory_space<hbm>>
    tpu.enqueue_indirect_dma source(%dma_start3A_24 : memref<10000x128xf32, #tpu.memory_space<hbm>>) target(%arg9 : memref<128x128xf32, #tpu.memory_space<vmem>>) offsets(%dma_start3A_21 : memref<128xi32, #tpu.memory_space<vmem>>) semaphore(%arg12 : memref<!tpu.dma_semaphore, #tpu.memory_space<semaphore_mem>>)
    %scan3A_25 = arith.constant 0 : i32
    %scan3A_26 = arith.constant 20 : i32
    %scan3A_27 = arith.addi %scan3A_25, %scan3A_26 : i32
    %scan3A_28 = arith.constant 1 : i32
    scf.for %scan3A_56 = %scan3A_25 to %scan3A_27 step %scan3A_28  : i32 {
      %mul3A_57 = arith.constant 1 : i32
      %mul3A_58 = arith.muli %scan3A_56, %mul3A_57 : i32
      %add3A_59 = arith.constant 0 : i32
      %add3A_60 = arith.addi %add3A_59, %mul3A_58 : i32
      %mul3A_61 = arith.constant 2 : i32
      %mul3A_62 = arith.muli %mul3A_61, %add3A_60 : i32
      %add3A_63 = arith.constant 0 : i32
      %add3A_64 = arith.addi %mul3A_62, %add3A_63 : i32
      %dma_wait3A = arith.constant 0 : i32
      %dma_wait3A_65 = arith.constant 0 : i32
      %dma_wait3A_66 = tpu.memref_slice %arg2[%dma_wait3A, %dma_wait3A_65] : memref<10000x128xf32, #tpu.memory_space<hbm>> -> memref<128x128xf32, #tpu.memory_space<hbm>>
      %dma_wait3A_67 = arith.constant 0 : i32
      %dma_wait3A_68 = arith.constant 0 : i32
      %dma_wait3A_69 = tpu.memref_slice %arg2[%dma_wait3A_67, %dma_wait3A_68] : memref<10000x128xf32, #tpu.memory_space<hbm>> -> memref<128x128xf32, #tpu.memory_space<hbm>>
      tpu.wait_dma2 semaphore(%arg11 : memref<!tpu.dma_semaphore, #tpu.memory_space<semaphore_mem>>) src(%dma_wait3A_69 : memref<128x128xf32, #tpu.memory_space<hbm>>) dst(%arg8 : memref<128x128xf32, #tpu.memory_space<vmem>>)
      "tpu.region"() ({
        %run_scoped3A_91 = tpu.sem_alloc : memref<!tpu.dma_semaphore, #tpu.memory_space<semaphore_mem>>
        %dma_start3A_92 = arith.constant 0 : i32
        %dma_start3A_93 = tpu.memref_slice %arg7[%add3A_64, %dma_start3A_92] : memref<40x128xi32, #tpu.memory_space<vmem>> -> memref<1x128xi32, #tpu.memory_space<vmem>>
        %dma_start3A_94 = tpu.memref_squeeze %dma_start3A_93 : memref<1x128xi32, #tpu.memory_space<vmem>> -> memref<128xi32, #tpu.memory_space<vmem>>
        %dma_start3A_95 = arith.constant 0 : i32
        %dma_start3A_96 = arith.constant 0 : i32
        %dma_start3A_97 = tpu.memref_slice %arg13[%dma_start3A_95, %dma_start3A_96] : memref<10240x128xf32, #tpu.memory_space<vmem_shared>> -> memref<10240x128xf32, #tpu.memory_space<vmem_shared>>
        tpu.enqueue_indirect_dma source(%arg8 : memref<128x128xf32, #tpu.memory_space<vmem>>) target(%dma_start3A_97 : memref<10240x128xf32, #tpu.memory_space<vmem_shared>>) offsets(%dma_start3A_94 : memref<128xi32, #tpu.memory_space<vmem>>) semaphore(%run_scoped3A_91 : memref<!tpu.dma_semaphore, #tpu.memory_space<semaphore_mem>>) {add = true}
        %dma_wait3A_98 = arith.constant 0 : i32
        %dma_wait3A_99 = tpu.memref_slice %arg7[%add3A_64, %dma_wait3A_98] : memref<40x128xi32, #tpu.memory_space<vmem>> -> memref<1x128xi32, #tpu.memory_space<vmem>>
        %dma_wait3A_100 = tpu.memref_squeeze %dma_wait3A_99 : memref<1x128xi32, #tpu.memory_space<vmem>> -> memref<128xi32, #tpu.memory_space<vmem>>
        %dma_wait3A_101 = arith.constant 0 : i32
        %dma_wait3A_102 = arith.constant 0 : i32
        %dma_wait3A_103 = tpu.memref_slice %arg13[%dma_wait3A_101, %dma_wait3A_102] : memref<10240x128xf32, #tpu.memory_space<vmem_shared>> -> memref<10240x128xf32, #tpu.memory_space<vmem_shared>>
        tpu.wait_indirect_dma semaphore(%run_scoped3A_91 : memref<!tpu.dma_semaphore, #tpu.memory_space<semaphore_mem>>) src(%arg8 : memref<128x128xf32, #tpu.memory_space<vmem>>) dst(%dma_wait3A_103 : memref<10240x128xf32, #tpu.memory_space<vmem_shared>>)
        tpu.yield
      }) : () -> ()
      %add3A_70 = arith.constant 2 : i32
      %add3A_71 = arith.addi %add3A_64, %add3A_70 : i32
      %lt3A = arith.constant 40 : i32
      %lt3A_72 = arith.cmpi slt, %add3A_71, %lt3A : i32
      %convert_element_type3A = arith.extui %lt3A_72 : i1 to i32
      %cond3A = arith.constant 0 : i32
      %cond3A_73 = arith.cmpi ne, %convert_element_type3A, %cond3A : i32
      scf.if %cond3A_73 {
        %add3A_91 = arith.constant 2 : i32
        %add3A_92 = arith.addi %add3A_64, %add3A_91 : i32
        %dma_start3A_93 = arith.constant 0 : i32
        %dma_start3A_94 = tpu.memref_slice %arg6[%add3A_92, %dma_start3A_93] : memref<40x128xi32, #tpu.memory_space<vmem>> -> memref<1x128xi32, #tpu.memory_space<vmem>>
        %dma_start3A_95 = tpu.memref_squeeze %dma_start3A_94 : memref<1x128xi32, #tpu.memory_space<vmem>> -> memref<128xi32, #tpu.memory_space<vmem>>
        %dma_start3A_96 = arith.constant 0 : i32
        %dma_start3A_97 = arith.constant 0 : i32
        %dma_start3A_98 = tpu.memref_slice %arg2[%dma_start3A_96, %dma_start3A_97] : memref<10000x128xf32, #tpu.memory_space<hbm>> -> memref<10000x128xf32, #tpu.memory_space<hbm>>
        tpu.enqueue_indirect_dma source(%dma_start3A_98 : memref<10000x128xf32, #tpu.memory_space<hbm>>) target(%arg8 : memref<128x128xf32, #tpu.memory_space<vmem>>) offsets(%dma_start3A_95 : memref<128xi32, #tpu.memory_space<vmem>>) semaphore(%arg11 : memref<!tpu.dma_semaphore, #tpu.memory_space<semaphore_mem>>)
      } else {
      }
      %mul3A_74 = arith.constant 2 : i32
      %mul3A_75 = arith.muli %mul3A_74, %add3A_60 : i32
      %add3A_76 = arith.constant 1 : i32
      %add3A_77 = arith.addi %mul3A_75, %add3A_76 : i32
      %dma_wait3A_78 = arith.constant 0 : i32
      %dma_wait3A_79 = arith.constant 0 : i32
      %dma_wait3A_80 = tpu.memref_slice %arg2[%dma_wait3A_78, %dma_wait3A_79] : memref<10000x128xf32, #tpu.memory_space<hbm>> -> memref<128x128xf32, #tpu.memory_space<hbm>>
      %dma_wait3A_81 = arith.constant 0 : i32
      %dma_wait3A_82 = arith.constant 0 : i32
      %dma_wait3A_83 = tpu.memref_slice %arg2[%dma_wait3A_81, %dma_wait3A_82] : memref<10000x128xf32, #tpu.memory_space<hbm>> -> memref<128x128xf32, #tpu.memory_space<hbm>>
      tpu.wait_dma2 semaphore(%arg12 : memref<!tpu.dma_semaphore, #tpu.memory_space<semaphore_mem>>) src(%dma_wait3A_83 : memref<128x128xf32, #tpu.memory_space<hbm>>) dst(%arg9 : memref<128x128xf32, #tpu.memory_space<vmem>>)
      "tpu.region"() ({
        %run_scoped3A_91 = tpu.sem_alloc : memref<!tpu.dma_semaphore, #tpu.memory_space<semaphore_mem>>
        %dma_start3A_92 = arith.constant 0 : i32
        %dma_start3A_93 = tpu.memref_slice %arg7[%add3A_77, %dma_start3A_92] : memref<40x128xi32, #tpu.memory_space<vmem>> -> memref<1x128xi32, #tpu.memory_space<vmem>>
        %dma_start3A_94 = tpu.memref_squeeze %dma_start3A_93 : memref<1x128xi32, #tpu.memory_space<vmem>> -> memref<128xi32, #tpu.memory_space<vmem>>
        %dma_start3A_95 = arith.constant 0 : i32
        %dma_start3A_96 = arith.constant 0 : i32
        %dma_start3A_97 = tpu.memref_slice %arg13[%dma_start3A_95, %dma_start3A_96] : memref<10240x128xf32, #tpu.memory_space<vmem_shared>> -> memref<10240x128xf32, #tpu.memory_space<vmem_shared>>
        tpu.enqueue_indirect_dma source(%arg9 : memref<128x128xf32, #tpu.memory_space<vmem>>) target(%dma_start3A_97 : memref<10240x128xf32, #tpu.memory_space<vmem_shared>>) offsets(%dma_start3A_94 : memref<128xi32, #tpu.memory_space<vmem>>) semaphore(%run_scoped3A_91 : memref<!tpu.dma_semaphore, #tpu.memory_space<semaphore_mem>>) {add = true}
        %dma_wait3A_98 = arith.constant 0 : i32
        %dma_wait3A_99 = tpu.memref_slice %arg7[%add3A_77, %dma_wait3A_98] : memref<40x128xi32, #tpu.memory_space<vmem>> -> memref<1x128xi32, #tpu.memory_space<vmem>>
        %dma_wait3A_100 = tpu.memref_squeeze %dma_wait3A_99 : memref<1x128xi32, #tpu.memory_space<vmem>> -> memref<128xi32, #tpu.memory_space<vmem>>
        %dma_wait3A_101 = arith.constant 0 : i32
        %dma_wait3A_102 = arith.constant 0 : i32
        %dma_wait3A_103 = tpu.memref_slice %arg13[%dma_wait3A_101, %dma_wait3A_102] : memref<10240x128xf32, #tpu.memory_space<vmem_shared>> -> memref<10240x128xf32, #tpu.memory_space<vmem_shared>>
        tpu.wait_indirect_dma semaphore(%run_scoped3A_91 : memref<!tpu.dma_semaphore, #tpu.memory_space<semaphore_mem>>) src(%arg9 : memref<128x128xf32, #tpu.memory_space<vmem>>) dst(%dma_wait3A_103 : memref<10240x128xf32, #tpu.memory_space<vmem_shared>>)
        tpu.yield
      }) : () -> ()
      %add3A_84 = arith.constant 2 : i32
      %add3A_85 = arith.addi %add3A_77, %add3A_84 : i32
      %lt3A_86 = arith.constant 40 : i32
      %lt3A_87 = arith.cmpi slt, %add3A_85, %lt3A_86 : i32
      %convert_element_type3A_88 = arith.extui %lt3A_87 : i1 to i32
      %cond3A_89 = arith.constant 0 : i32
      %cond3A_90 = arith.cmpi ne, %convert_element_type3A_88, %cond3A_89 : i32
      scf.if %cond3A_90 {
        %add3A_91 = arith.constant 2 : i32
        %add3A_92 = arith.addi %add3A_77, %add3A_91 : i32
        %dma_start3A_93 = arith.constant 0 : i32
        %dma_start3A_94 = tpu.memref_slice %arg6[%add3A_92, %dma_start3A_93] : memref<40x128xi32, #tpu.memory_space<vmem>> -> memref<1x128xi32, #tpu.memory_space<vmem>>
        %dma_start3A_95 = tpu.memref_squeeze %dma_start3A_94 : memref<1x128xi32, #tpu.memory_space<vmem>> -> memref<128xi32, #tpu.memory_space<vmem>>
        %dma_start3A_96 = arith.constant 0 : i32
        %dma_start3A_97 = arith.constant 0 : i32
        %dma_start3A_98 = tpu.memref_slice %arg2[%dma_start3A_96, %dma_start3A_97] : memref<10000x128xf32, #tpu.memory_space<hbm>> -> memref<10000x128xf32, #tpu.memory_space<hbm>>
        tpu.enqueue_indirect_dma source(%dma_start3A_98 : memref<10000x128xf32, #tpu.memory_space<hbm>>) target(%arg9 : memref<128x128xf32, #tpu.memory_space<vmem>>) offsets(%dma_start3A_95 : memref<128xi32, #tpu.memory_space<vmem>>) semaphore(%arg12 : memref<!tpu.dma_semaphore, #tpu.memory_space<semaphore_mem>>)
      } else {
      }
    }
    %scan3A_29 = arith.constant 20 : i32
    %mul3A_30 = arith.constant 80 : i32
    %mul3A_31 = arith.muli %add3A, %mul3A_30 : i32
    %add3A_32 = arith.constant 40 : i32
    %add3A_33 = arith.addi %mul3A_31, %add3A_32 : i32
    %run_scoped3A_34 = arith.constant 0 : i32
    "tpu.region"() ({
      %run_scoped3A_56 = tpu.sem_alloc : memref<!tpu.dma_semaphore, #tpu.memory_space<semaphore_mem>>
      %dma_start3A_57 = arith.constant 0 : i32
      %dma_start3A_58 = tpu.memref_slice %arg3[%run_scoped3A_34, %add3A_33, %dma_start3A_57] : memref<2x2560x128xi32, #tpu.memory_space<hbm>> -> memref<1x40x128xi32, #tpu.memory_space<hbm>>
      %dma_start3A_59 = tpu.memref_squeeze %dma_start3A_58 : memref<1x40x128xi32, #tpu.memory_space<hbm>> -> memref<40x128xi32, #tpu.memory_space<hbm>>
      %dma_start3A_60 = arith.constant 0 : i32
      %dma_start3A_61 = tpu.memref_slice %arg3[%run_scoped3A_34, %add3A_33, %dma_start3A_60] : memref<2x2560x128xi32, #tpu.memory_space<hbm>> -> memref<1x40x128xi32, #tpu.memory_space<hbm>>
      %dma_start3A_62 = tpu.memref_squeeze %dma_start3A_61 : memref<1x40x128xi32, #tpu.memory_space<hbm>> -> memref<40x128xi32, #tpu.memory_space<hbm>>
      tpu.enqueue_dma source(%dma_start3A_62 : memref<40x128xi32, #tpu.memory_space<hbm>>) target(%arg6 : memref<40x128xi32, #tpu.memory_space<vmem>>) target_semaphore(%run_scoped3A_56 : memref<!tpu.dma_semaphore, #tpu.memory_space<semaphore_mem>>)
      %dma_wait3A = arith.constant 0 : i32
      %dma_wait3A_63 = tpu.memref_slice %arg3[%run_scoped3A_34, %add3A_33, %dma_wait3A] : memref<2x2560x128xi32, #tpu.memory_space<hbm>> -> memref<1x40x128xi32, #tpu.memory_space<hbm>>
      %dma_wait3A_64 = tpu.memref_squeeze %dma_wait3A_63 : memref<1x40x128xi32, #tpu.memory_space<hbm>> -> memref<40x128xi32, #tpu.memory_space<hbm>>
      %dma_wait3A_65 = arith.constant 0 : i32
      %dma_wait3A_66 = tpu.memref_slice %arg3[%run_scoped3A_34, %add3A_33, %dma_wait3A_65] : memref<2x2560x128xi32, #tpu.memory_space<hbm>> -> memref<1x40x128xi32, #tpu.memory_space<hbm>>
      %dma_wait3A_67 = tpu.memref_squeeze %dma_wait3A_66 : memref<1x40x128xi32, #tpu.memory_space<hbm>> -> memref<40x128xi32, #tpu.memory_space<hbm>>
      tpu.wait_dma2 semaphore(%run_scoped3A_56 : memref<!tpu.dma_semaphore, #tpu.memory_space<semaphore_mem>>) src(%dma_wait3A_67 : memref<40x128xi32, #tpu.memory_space<hbm>>) dst(%arg6 : memref<40x128xi32, #tpu.memory_space<vmem>>)
      tpu.yield
    }) : () -> ()
    %run_scoped3A_35 = arith.constant 1 : i32
    "tpu.region"() ({
      %run_scoped3A_56 = tpu.sem_alloc : memref<!tpu.dma_semaphore, #tpu.memory_space<semaphore_mem>>
      %dma_start3A_57 = arith.constant 0 : i32
      %dma_start3A_58 = tpu.memref_slice %arg3[%run_scoped3A_35, %add3A_33, %dma_start3A_57] : memref<2x2560x128xi32, #tpu.memory_space<hbm>> -> memref<1x40x128xi32, #tpu.memory_space<hbm>>
      %dma_start3A_59 = tpu.memref_squeeze %dma_start3A_58 : memref<1x40x128xi32, #tpu.memory_space<hbm>> -> memref<40x128xi32, #tpu.memory_space<hbm>>
      %dma_start3A_60 = arith.constant 0 : i32
      %dma_start3A_61 = tpu.memref_slice %arg3[%run_scoped3A_35, %add3A_33, %dma_start3A_60] : memref<2x2560x128xi32, #tpu.memory_space<hbm>> -> memref<1x40x128xi32, #tpu.memory_space<hbm>>
      %dma_start3A_62 = tpu.memref_squeeze %dma_start3A_61 : memref<1x40x128xi32, #tpu.memory_space<hbm>> -> memref<40x128xi32, #tpu.memory_space<hbm>>
      tpu.enqueue_dma source(%dma_start3A_62 : memref<40x128xi32, #tpu.memory_space<hbm>>) target(%arg7 : memref<40x128xi32, #tpu.memory_space<vmem>>) target_semaphore(%run_scoped3A_56 : memref<!tpu.dma_semaphore, #tpu.memory_space<semaphore_mem>>)
      %dma_wait3A = arith.constant 0 : i32
      %dma_wait3A_63 = tpu.memref_slice %arg3[%run_scoped3A_35, %add3A_33, %dma_wait3A] : memref<2x2560x128xi32, #tpu.memory_space<hbm>> -> memref<1x40x128xi32, #tpu.memory_space<hbm>>
      %dma_wait3A_64 = tpu.memref_squeeze %dma_wait3A_63 : memref<1x40x128xi32, #tpu.memory_space<hbm>> -> memref<40x128xi32, #tpu.memory_space<hbm>>
      %dma_wait3A_65 = arith.constant 0 : i32
      %dma_wait3A_66 = tpu.memref_slice %arg3[%run_scoped3A_35, %add3A_33, %dma_wait3A_65] : memref<2x2560x128xi32, #tpu.memory_space<hbm>> -> memref<1x40x128xi32, #tpu.memory_space<hbm>>
      %dma_wait3A_67 = tpu.memref_squeeze %dma_wait3A_66 : memref<1x40x128xi32, #tpu.memory_space<hbm>> -> memref<40x128xi32, #tpu.memory_space<hbm>>
      tpu.wait_dma2 semaphore(%run_scoped3A_56 : memref<!tpu.dma_semaphore, #tpu.memory_space<semaphore_mem>>) src(%dma_wait3A_67 : memref<40x128xi32, #tpu.memory_space<hbm>>) dst(%arg7 : memref<40x128xi32, #tpu.memory_space<vmem>>)
      tpu.yield
    }) : () -> ()
    %dma_start3A_36 = arith.constant 0 : i32
    %dma_start3A_37 = arith.constant 0 : i32
    %dma_start3A_38 = tpu.memref_slice %arg6[%dma_start3A_36, %dma_start3A_37] : memref<40x128xi32, #tpu.memory_space<vmem>> -> memref<1x128xi32, #tpu.memory_space<vmem>>
    %dma_start3A_39 = tpu.memref_squeeze %dma_start3A_38 : memref<1x128xi32, #tpu.memory_space<vmem>> -> memref<128xi32, #tpu.memory_space<vmem>>
    %dma_start3A_40 = arith.constant 0 : i32
    %dma_start3A_41 = arith.constant 0 : i32
    %dma_start3A_42 = tpu.memref_slice %arg2[%dma_start3A_40, %dma_start3A_41] : memref<10000x128xf32, #tpu.memory_space<hbm>> -> memref<10000x128xf32, #tpu.memory_space<hbm>>
    tpu.enqueue_indirect_dma source(%dma_start3A_42 : memref<10000x128xf32, #tpu.memory_space<hbm>>) target(%arg8 : memref<128x128xf32, #tpu.memory_space<vmem>>) offsets(%dma_start3A_39 : memref<128xi32, #tpu.memory_space<vmem>>) semaphore(%arg11 : memref<!tpu.dma_semaphore, #tpu.memory_space<semaphore_mem>>)
    %dma_start3A_43 = arith.constant 1 : i32
    %dma_start3A_44 = arith.constant 0 : i32
    %dma_start3A_45 = tpu.memref_slice %arg6[%dma_start3A_43, %dma_start3A_44] : memref<40x128xi32, #tpu.memory_space<vmem>> -> memref<1x128xi32, #tpu.memory_space<vmem>>
    %dma_start3A_46 = tpu.memref_squeeze %dma_start3A_45 : memref<1x128xi32, #tpu.memory_space<vmem>> -> memref<128xi32, #tpu.memory_space<vmem>>
    %dma_start3A_47 = arith.constant 0 : i32
    %dma_start3A_48 = arith.constant 0 : i32
    %dma_start3A_49 = tpu.memref_slice %arg2[%dma_start3A_47, %dma_start3A_48] : memref<10000x128xf32, #tpu.memory_space<hbm>> -> memref<10000x128xf32, #tpu.memory_space<hbm>>
    tpu.enqueue_indirect_dma source(%dma_start3A_49 : memref<10000x128xf32, #tpu.memory_space<hbm>>) target(%arg9 : memref<128x128xf32, #tpu.memory_space<vmem>>) offsets(%dma_start3A_46 : memref<128xi32, #tpu.memory_space<vmem>>) semaphore(%arg12 : memref<!tpu.dma_semaphore, #tpu.memory_space<semaphore_mem>>)
    %scan3A_50 = arith.constant 0 : i32
    %scan3A_51 = arith.constant 20 : i32
    %scan3A_52 = arith.addi %scan3A_50, %scan3A_51 : i32
    %scan3A_53 = arith.constant 1 : i32
    scf.for %scan3A_56 = %scan3A_50 to %scan3A_52 step %scan3A_53  : i32 {
      %mul3A_57 = arith.constant 1 : i32
      %mul3A_58 = arith.muli %scan3A_56, %mul3A_57 : i32
      %add3A_59 = arith.constant 0 : i32
      %add3A_60 = arith.addi %add3A_59, %mul3A_58 : i32
      %mul3A_61 = arith.constant 2 : i32
      %mul3A_62 = arith.muli %mul3A_61, %add3A_60 : i32
      %add3A_63 = arith.constant 0 : i32
      %add3A_64 = arith.addi %mul3A_62, %add3A_63 : i32
      %dma_wait3A = arith.constant 0 : i32
      %dma_wait3A_65 = arith.constant 0 : i32
      %dma_wait3A_66 = tpu.memref_slice %arg2[%dma_wait3A, %dma_wait3A_65] : memref<10000x128xf32, #tpu.memory_space<hbm>> -> memref<128x128xf32, #tpu.memory_space<hbm>>
      %dma_wait3A_67 = arith.constant 0 : i32
      %dma_wait3A_68 = arith.constant 0 : i32
      %dma_wait3A_69 = tpu.memref_slice %arg2[%dma_wait3A_67, %dma_wait3A_68] : memref<10000x128xf32, #tpu.memory_space<hbm>> -> memref<128x128xf32, #tpu.memory_space<hbm>>
      tpu.wait_dma2 semaphore(%arg11 : memref<!tpu.dma_semaphore, #tpu.memory_space<semaphore_mem>>) src(%dma_wait3A_69 : memref<128x128xf32, #tpu.memory_space<hbm>>) dst(%arg8 : memref<128x128xf32, #tpu.memory_space<vmem>>)
      "tpu.region"() ({
        %run_scoped3A_91 = tpu.sem_alloc : memref<!tpu.dma_semaphore, #tpu.memory_space<semaphore_mem>>
        %dma_start3A_92 = arith.constant 0 : i32
        %dma_start3A_93 = tpu.memref_slice %arg7[%add3A_64, %dma_start3A_92] : memref<40x128xi32, #tpu.memory_space<vmem>> -> memref<1x128xi32, #tpu.memory_space<vmem>>
        %dma_start3A_94 = tpu.memref_squeeze %dma_start3A_93 : memref<1x128xi32, #tpu.memory_space<vmem>> -> memref<128xi32, #tpu.memory_space<vmem>>
        %dma_start3A_95 = arith.constant 0 : i32
        %dma_start3A_96 = arith.constant 0 : i32
        %dma_start3A_97 = tpu.memref_slice %arg13[%dma_start3A_95, %dma_start3A_96] : memref<10240x128xf32, #tpu.memory_space<vmem_shared>> -> memref<10240x128xf32, #tpu.memory_space<vmem_shared>>
        tpu.enqueue_indirect_dma source(%arg8 : memref<128x128xf32, #tpu.memory_space<vmem>>) target(%dma_start3A_97 : memref<10240x128xf32, #tpu.memory_space<vmem_shared>>) offsets(%dma_start3A_94 : memref<128xi32, #tpu.memory_space<vmem>>) semaphore(%run_scoped3A_91 : memref<!tpu.dma_semaphore, #tpu.memory_space<semaphore_mem>>) {add = true}
        %dma_wait3A_98 = arith.constant 0 : i32
        %dma_wait3A_99 = tpu.memref_slice %arg7[%add3A_64, %dma_wait3A_98] : memref<40x128xi32, #tpu.memory_space<vmem>> -> memref<1x128xi32, #tpu.memory_space<vmem>>
        %dma_wait3A_100 = tpu.memref_squeeze %dma_wait3A_99 : memref<1x128xi32, #tpu.memory_space<vmem>> -> memref<128xi32, #tpu.memory_space<vmem>>
        %dma_wait3A_101 = arith.constant 0 : i32
        %dma_wait3A_102 = arith.constant 0 : i32
        %dma_wait3A_103 = tpu.memref_slice %arg13[%dma_wait3A_101, %dma_wait3A_102] : memref<10240x128xf32, #tpu.memory_space<vmem_shared>> -> memref<10240x128xf32, #tpu.memory_space<vmem_shared>>
        tpu.wait_indirect_dma semaphore(%run_scoped3A_91 : memref<!tpu.dma_semaphore, #tpu.memory_space<semaphore_mem>>) src(%arg8 : memref<128x128xf32, #tpu.memory_space<vmem>>) dst(%dma_wait3A_103 : memref<10240x128xf32, #tpu.memory_space<vmem_shared>>)
        tpu.yield
      }) : () -> ()
      %add3A_70 = arith.constant 2 : i32
      %add3A_71 = arith.addi %add3A_64, %add3A_70 : i32
      %lt3A = arith.constant 40 : i32
      %lt3A_72 = arith.cmpi slt, %add3A_71, %lt3A : i32
      %convert_element_type3A = arith.extui %lt3A_72 : i1 to i32
      %cond3A = arith.constant 0 : i32
      %cond3A_73 = arith.cmpi ne, %convert_element_type3A, %cond3A : i32
      scf.if %cond3A_73 {
        %add3A_91 = arith.constant 2 : i32
        %add3A_92 = arith.addi %add3A_64, %add3A_91 : i32
        %dma_start3A_93 = arith.constant 0 : i32
        %dma_start3A_94 = tpu.memref_slice %arg6[%add3A_92, %dma_start3A_93] : memref<40x128xi32, #tpu.memory_space<vmem>> -> memref<1x128xi32, #tpu.memory_space<vmem>>
        %dma_start3A_95 = tpu.memref_squeeze %dma_start3A_94 : memref<1x128xi32, #tpu.memory_space<vmem>> -> memref<128xi32, #tpu.memory_space<vmem>>
        %dma_start3A_96 = arith.constant 0 : i32
        %dma_start3A_97 = arith.constant 0 : i32
        %dma_start3A_98 = tpu.memref_slice %arg2[%dma_start3A_96, %dma_start3A_97] : memref<10000x128xf32, #tpu.memory_space<hbm>> -> memref<10000x128xf32, #tpu.memory_space<hbm>>
        tpu.enqueue_indirect_dma source(%dma_start3A_98 : memref<10000x128xf32, #tpu.memory_space<hbm>>) target(%arg8 : memref<128x128xf32, #tpu.memory_space<vmem>>) offsets(%dma_start3A_95 : memref<128xi32, #tpu.memory_space<vmem>>) semaphore(%arg11 : memref<!tpu.dma_semaphore, #tpu.memory_space<semaphore_mem>>)
      } else {
      }
      %mul3A_74 = arith.constant 2 : i32
      %mul3A_75 = arith.muli %mul3A_74, %add3A_60 : i32
      %add3A_76 = arith.constant 1 : i32
      %add3A_77 = arith.addi %mul3A_75, %add3A_76 : i32
      %dma_wait3A_78 = arith.constant 0 : i32
      %dma_wait3A_79 = arith.constant 0 : i32
      %dma_wait3A_80 = tpu.memref_slice %arg2[%dma_wait3A_78, %dma_wait3A_79] : memref<10000x128xf32, #tpu.memory_space<hbm>> -> memref<128x128xf32, #tpu.memory_space<hbm>>
      %dma_wait3A_81 = arith.constant 0 : i32
      %dma_wait3A_82 = arith.constant 0 : i32
      %dma_wait3A_83 = tpu.memref_slice %arg2[%dma_wait3A_81, %dma_wait3A_82] : memref<10000x128xf32, #tpu.memory_space<hbm>> -> memref<128x128xf32, #tpu.memory_space<hbm>>
      tpu.wait_dma2 semaphore(%arg12 : memref<!tpu.dma_semaphore, #tpu.memory_space<semaphore_mem>>) src(%dma_wait3A_83 : memref<128x128xf32, #tpu.memory_space<hbm>>) dst(%arg9 : memref<128x128xf32, #tpu.memory_space<vmem>>)
      "tpu.region"() ({
        %run_scoped3A_91 = tpu.sem_alloc : memref<!tpu.dma_semaphore, #tpu.memory_space<semaphore_mem>>
        %dma_start3A_92 = arith.constant 0 : i32
        %dma_start3A_93 = tpu.memref_slice %arg7[%add3A_77, %dma_start3A_92] : memref<40x128xi32, #tpu.memory_space<vmem>> -> memref<1x128xi32, #tpu.memory_space<vmem>>
        %dma_start3A_94 = tpu.memref_squeeze %dma_start3A_93 : memref<1x128xi32, #tpu.memory_space<vmem>> -> memref<128xi32, #tpu.memory_space<vmem>>
        %dma_start3A_95 = arith.constant 0 : i32
        %dma_start3A_96 = arith.constant 0 : i32
        %dma_start3A_97 = tpu.memref_slice %arg13[%dma_start3A_95, %dma_start3A_96] : memref<10240x128xf32, #tpu.memory_space<vmem_shared>> -> memref<10240x128xf32, #tpu.memory_space<vmem_shared>>
        tpu.enqueue_indirect_dma source(%arg9 : memref<128x128xf32, #tpu.memory_space<vmem>>) target(%dma_start3A_97 : memref<10240x128xf32, #tpu.memory_space<vmem_shared>>) offsets(%dma_start3A_94 : memref<128xi32, #tpu.memory_space<vmem>>) semaphore(%run_scoped3A_91 : memref<!tpu.dma_semaphore, #tpu.memory_space<semaphore_mem>>) {add = true}
        %dma_wait3A_98 = arith.constant 0 : i32
        %dma_wait3A_99 = tpu.memref_slice %arg7[%add3A_77, %dma_wait3A_98] : memref<40x128xi32, #tpu.memory_space<vmem>> -> memref<1x128xi32, #tpu.memory_space<vmem>>
        %dma_wait3A_100 = tpu.memref_squeeze %dma_wait3A_99 : memref<1x128xi32, #tpu.memory_space<vmem>> -> memref<128xi32, #tpu.memory_space<vmem>>
        %dma_wait3A_101 = arith.constant 0 : i32
        %dma_wait3A_102 = arith.constant 0 : i32
        %dma_wait3A_103 = tpu.memref_slice %arg13[%dma_wait3A_101, %dma_wait3A_102] : memref<10240x128xf32, #tpu.memory_space<vmem_shared>> -> memref<10240x128xf32, #tpu.memory_space<vmem_shared>>
        tpu.wait_indirect_dma semaphore(%run_scoped3A_91 : memref<!tpu.dma_semaphore, #tpu.memory_space<semaphore_mem>>) src(%arg9 : memref<128x128xf32, #tpu.memory_space<vmem>>) dst(%dma_wait3A_103 : memref<10240x128xf32, #tpu.memory_space<vmem_shared>>)
        tpu.yield
      }) : () -> ()
      %add3A_84 = arith.constant 2 : i32
      %add3A_85 = arith.addi %add3A_77, %add3A_84 : i32
      %lt3A_86 = arith.constant 40 : i32
      %lt3A_87 = arith.cmpi slt, %add3A_85, %lt3A_86 : i32
      %convert_element_type3A_88 = arith.extui %lt3A_87 : i1 to i32
      %cond3A_89 = arith.constant 0 : i32
      %cond3A_90 = arith.cmpi ne, %convert_element_type3A_88, %cond3A_89 : i32
      scf.if %cond3A_90 {
        %add3A_91 = arith.constant 2 : i32
        %add3A_92 = arith.addi %add3A_77, %add3A_91 : i32
        %dma_start3A_93 = arith.constant 0 : i32
        %dma_start3A_94 = tpu.memref_slice %arg6[%add3A_92, %dma_start3A_93] : memref<40x128xi32, #tpu.memory_space<vmem>> -> memref<1x128xi32, #tpu.memory_space<vmem>>
        %dma_start3A_95 = tpu.memref_squeeze %dma_start3A_94 : memref<1x128xi32, #tpu.memory_space<vmem>> -> memref<128xi32, #tpu.memory_space<vmem>>
        %dma_start3A_96 = arith.constant 0 : i32
        %dma_start3A_97 = arith.constant 0 : i32
        %dma_start3A_98 = tpu.memref_slice %arg2[%dma_start3A_96, %dma_start3A_97] : memref<10000x128xf32, #tpu.memory_space<hbm>> -> memref<10000x128xf32, #tpu.memory_space<hbm>>
        tpu.enqueue_indirect_dma source(%dma_start3A_98 : memref<10000x128xf32, #tpu.memory_space<hbm>>) target(%arg9 : memref<128x128xf32, #tpu.memory_space<vmem>>) offsets(%dma_start3A_95 : memref<128xi32, #tpu.memory_space<vmem>>) semaphore(%arg12 : memref<!tpu.dma_semaphore, #tpu.memory_space<semaphore_mem>>)
      } else {
      }
    }
    %scan3A_54 = arith.constant 20 : i32
    %barrier3A_55 = arith.constant 0 : index
    tpu.barrier barrier_id(%barrier3A_55)
    "tpu.region"() ({
      %run_scoped3A_56 = tpu.sem_alloc : memref<!tpu.dma_semaphore, #tpu.memory_space<semaphore_mem>>
      %dma_start3A_57 = arith.constant 0 : i32
      %dma_start3A_58 = tpu.memref_slice %arg5[%arg0, %mul3A_2, %dma_start3A_57] : memref<2x10240x128xf32, #tpu.memory_space<hbm>> -> memref<1x640x128xf32, #tpu.memory_space<hbm>>
      %dma_start3A_59 = tpu.memref_squeeze %dma_start3A_58 : memref<1x640x128xf32, #tpu.memory_space<hbm>> -> memref<640x128xf32, #tpu.memory_space<hbm>>
      %dma_start3A_60 = arith.constant 0 : i32
      %dma_start3A_61 = tpu.memref_slice %arg13[%mul3A_2, %dma_start3A_60] : memref<10240x128xf32, #tpu.memory_space<vmem_shared>> -> memref<640x128xf32, #tpu.memory_space<vmem_shared>>
      tpu.enqueue_dma source(%dma_start3A_61 : memref<640x128xf32, #tpu.memory_space<vmem_shared>>) target(%dma_start3A_59 : memref<640x128xf32, #tpu.memory_space<hbm>>) target_semaphore(%run_scoped3A_56 : memref<!tpu.dma_semaphore, #tpu.memory_space<semaphore_mem>>)
      %dma_wait3A = arith.constant 0 : i32
      %dma_wait3A_62 = tpu.memref_slice %arg5[%arg0, %mul3A_2, %dma_wait3A] : memref<2x10240x128xf32, #tpu.memory_space<hbm>> -> memref<1x640x128xf32, #tpu.memory_space<hbm>>
      %dma_wait3A_63 = tpu.memref_squeeze %dma_wait3A_62 : memref<1x640x128xf32, #tpu.memory_space<hbm>> -> memref<640x128xf32, #tpu.memory_space<hbm>>
      %dma_wait3A_64 = arith.constant 0 : i32
      %dma_wait3A_65 = tpu.memref_slice %arg13[%mul3A_2, %dma_wait3A_64] : memref<10240x128xf32, #tpu.memory_space<vmem_shared>> -> memref<640x128xf32, #tpu.memory_space<vmem_shared>>
      tpu.wait_dma2 semaphore(%run_scoped3A_56 : memref<!tpu.dma_semaphore, #tpu.memory_space<semaphore_mem>>) src(%dma_wait3A_65 : memref<640x128xf32, #tpu.memory_space<vmem_shared>>) dst(%dma_wait3A_63 : memref<640x128xf32, #tpu.memory_space<hbm>>)
      tpu.yield
    }) : () -> ()
    return
  }
}

module attributes {stable_mosaic.version = 14 : i64} {
  func.func @_linear_body(%arg0: i32, %arg1: memref<2x1000x128xf32, #tpu.memory_space<vmem>>, %arg2: memref<2x1000x128xf32, #tpu.memory_space<vmem>>, %arg3: memref<1000x128xf32, #tpu.memory_space<vmem>>, %arg4: memref<128x128xf32, #tpu.memory_space<vmem>>, %arg5: memref<1x128xf32, #tpu.memory_space<vmem>>, %arg6: memref<128x128xf32, #tpu.memory_space<vmem>>, %arg7: memref<1000x128xf32, #tpu.memory_space<vmem>>, %arg8: memref<8x128xf32, #tpu.memory_space<vmem>>, %arg9: memref<8x128xf32, #tpu.memory_space<vmem>>) attributes {dimension_semantics = [#tpu.dimension_semantics<arbitrary>], iteration_bounds = array<i64: 10>, scalar_prefetch = 0 : i64, scratch_operands = 1 : i64, tpu.core_type = #tpu.core_type<tc>, window_params = [{transform_indices = @transform_0, window_bounds = array<i64: 2, 1000, 128>}, {transform_indices = @transform_1, window_bounds = array<i64: 2, 1000, 128>}, {transform_indices = @transform_2, window_bounds = array<i64: 1000, 128>}, {pipeline_mode = #tpu.pipeline_mode<synchronous>, transform_indices = @transform_3, window_bounds = array<i64: 128, 128>}, {pipeline_mode = #tpu.pipeline_mode<synchronous>, transform_indices = @transform_4, window_bounds = array<i64: 1, 128>}, {pipeline_mode = #tpu.pipeline_mode<synchronous>, transform_indices = @transform_5, window_bounds = array<i64: 128, 128>}, {transform_indices = @transform_6, window_bounds = array<i64: 1000, 128>}, {pipeline_mode = #tpu.pipeline_mode<synchronous>, transform_indices = @transform_7, window_bounds = array<i64: 8, 128>}]} {
    %get3A = arith.constant 0 : index
    %get3A_0 = arith.constant 0 : index
    %get3A_1 = arith.constant 0 : index
    %get3A_2 = vector.load %arg1[%get3A, %get3A_0, %get3A_1] : memref<2x1000x128xf32, #tpu.memory_space<vmem>>, vector<1x1000x128xf32>
    %get3A_3 = vector.shape_cast %get3A_2 : vector<1x1000x128xf32> to vector<1000x128xf32>
    %get3A_4 = arith.constant 1 : index
    %get3A_5 = arith.constant 0 : index
    %get3A_6 = arith.constant 0 : index
    %get3A_7 = vector.load %arg1[%get3A_4, %get3A_5, %get3A_6] : memref<2x1000x128xf32, #tpu.memory_space<vmem>>, vector<1x1000x128xf32>
    %get3A_8 = vector.shape_cast %get3A_7 : vector<1x1000x128xf32> to vector<1000x128xf32>
    %add3A = arith.addf %get3A_3, %get3A_8 : vector<1000x128xf32>
    %get3A_9 = arith.constant 0 : index
    %get3A_10 = arith.constant 0 : index
    %get3A_11 = arith.constant 0 : index
    %get3A_12 = vector.load %arg2[%get3A_9, %get3A_10, %get3A_11] : memref<2x1000x128xf32, #tpu.memory_space<vmem>>, vector<1x1000x1xf32>
    %get3A_13 = vector.shape_cast %get3A_12 : vector<1x1000x1xf32> to vector<1000x1xf32>
    %get3A_14 = arith.constant 1 : index
    %get3A_15 = arith.constant 0 : index
    %get3A_16 = arith.constant 0 : index
    %get3A_17 = vector.load %arg2[%get3A_14, %get3A_15, %get3A_16] : memref<2x1000x128xf32, #tpu.memory_space<vmem>>, vector<1x1000x1xf32>
    %get3A_18 = vector.shape_cast %get3A_17 : vector<1x1000x1xf32> to vector<1000x1xf32>
    %add3A_19 = arith.addf %get3A_13, %get3A_18 : vector<1000x1xf32>
    %max3A = arith.constant 1.000000e+00 : f32
    %max3A_20 = vector.broadcast %max3A : f32 to vector<1000x1xf32>
    %max3A_21 = arith.maximumf %add3A_19, %max3A_20 : vector<1000x1xf32>
    %div3A = vector.broadcast %max3A_21 : vector<1000x1xf32> to vector<1000x128xf32>
    %div3A_22 = arith.divf %add3A, %div3A : vector<1000x128xf32>
    %get3A_23 = arith.constant 0 : index
    %get3A_24 = arith.constant 0 : index
    %get3A_25 = vector.load %arg4[%get3A_23, %get3A_24] : memref<128x128xf32, #tpu.memory_space<vmem>>, vector<128x128xf32>
    %dot_general3A = arith.constant dense<0.000000e+00> : vector<1000x128xf32>
    %dot_general3A_26 = tpu.matmul %div3A_22, %get3A_25, %dot_general3A {dimension_numbers = #tpu.dot_dimension_numbers<[1], [0], [0], [1], [0, 0, 1, 1], [], []>, transpose_lhs_hint = false} : vector<1000x128xf32>, vector<128x128xf32>, vector<1000x128xf32> -> vector<1000x128xf32>
    %get3A_27 = arith.constant 0 : index
    %get3A_28 = arith.constant 0 : index
    %get3A_29 = vector.load %arg3[%get3A_27, %get3A_28] : memref<1000x128xf32, #tpu.memory_space<vmem>>, vector<1000x128xf32>
    %get3A_30 = arith.constant 0 : index
    %get3A_31 = arith.constant 0 : index
    %get3A_32 = vector.load %arg6[%get3A_30, %get3A_31] : memref<128x128xf32, #tpu.memory_space<vmem>>, vector<128x128xf32>
    %dot_general3A_33 = arith.constant dense<0.000000e+00> : vector<1000x128xf32>
    %dot_general3A_34 = tpu.matmul %get3A_29, %get3A_32, %dot_general3A_33 {dimension_numbers = #tpu.dot_dimension_numbers<[1], [0], [0], [1], [0, 0, 1, 1], [], []>, transpose_lhs_hint = false} : vector<1000x128xf32>, vector<128x128xf32>, vector<1000x128xf32> -> vector<1000x128xf32>
    %add3A_35 = arith.addf %dot_general3A_26, %dot_general3A_34 : vector<1000x128xf32>
    %get3A_36 = arith.constant 0 : index
    %get3A_37 = arith.constant 0 : index
    %get3A_38 = vector.load %arg5[%get3A_36, %get3A_37] : memref<1x128xf32, #tpu.memory_space<vmem>>, vector<1x128xf32>
    %add3A_39 = vector.broadcast %get3A_38 : vector<1x128xf32> to vector<1000x128xf32>
    %add3A_40 = arith.addf %add3A_35, %add3A_39 : vector<1000x128xf32>
    %swap3A = arith.constant 0 : index
    %swap3A_41 = arith.constant 0 : index
    %swap3A_42 = vector.load %arg7[%swap3A, %swap3A_41] : memref<1000x128xf32, #tpu.memory_space<vmem>>, vector<1000x128xf32>
    tpu.vector_store %arg7[%swap3A, %swap3A_41], %add3A_40 {strides = array<i32>} : memref<1000x128xf32, #tpu.memory_space<vmem>>, vector<1000x128xf32>,
    %eq3A = arith.constant 0 : i32
    %eq3A_43 = arith.cmpi eq, %arg0, %eq3A : i32
    %convert_element_type3A = arith.extui %eq3A_43 : i1 to i32
    %cond3A = arith.constant 0 : i32
    %cond3A_44 = arith.cmpi ne, %convert_element_type3A, %cond3A : i32
    scf.if %cond3A_44 {
      %broadcast_in_dim3A_69 = arith.constant 0.000000e+00 : f32
      %broadcast_in_dim3A_70 = vector.broadcast %broadcast_in_dim3A_69 : f32 to vector<8x128xf32>
      %swap3A_71 = arith.constant 0 : index
      %swap3A_72 = arith.constant 0 : index
      %swap3A_73 = vector.load %arg9[%swap3A_71, %swap3A_72] : memref<8x128xf32, #tpu.memory_space<vmem>>, vector<8x128xf32>
      tpu.vector_store %arg9[%swap3A_71, %swap3A_72], %broadcast_in_dim3A_70 {strides = array<i32>} : memref<8x128xf32, #tpu.memory_space<vmem>>, vector<8x128xf32>,
    } else {
    }
    %get3A_45 = arith.constant 0 : index
    %get3A_46 = arith.constant 0 : index
    %get3A_47 = vector.load %arg9[%get3A_45, %get3A_46] : memref<8x128xf32, #tpu.memory_space<vmem>>, vector<1x128xf32>
    %reduce_sum3A = arith.constant dense<0.000000e+00> : vector<128xf32>
    %reduce_sum3A_48 = vector.multi_reduction <add>, %add3A_40, %reduce_sum3A [0] : vector<1000x128xf32> to vector<128xf32>
    %broadcast_in_dim3A = vector.shape_cast %reduce_sum3A_48 : vector<128xf32> to vector<1x128xf32>
    %add3A_49 = arith.addf %get3A_47, %broadcast_in_dim3A : vector<1x128xf32>
    %swap3A_50 = arith.constant 0 : index
    %swap3A_51 = arith.constant 0 : index
    %swap3A_52 = vector.load %arg9[%swap3A_50, %swap3A_51] : memref<8x128xf32, #tpu.memory_space<vmem>>, vector<1x128xf32>
    tpu.vector_store %arg9[%swap3A_50, %swap3A_51], %add3A_49 {strides = array<i32>} : memref<8x128xf32, #tpu.memory_space<vmem>>, vector<1x128xf32>,
    %get3A_53 = arith.constant 1 : index
    %get3A_54 = arith.constant 0 : index
    %get3A_55 = vector.load %arg9[%get3A_53, %get3A_54] : memref<8x128xf32, #tpu.memory_space<vmem>>, vector<1x128xf32>
    %mul3A = arith.mulf %add3A_40, %add3A_40 : vector<1000x128xf32>
    %reduce_sum3A_56 = arith.constant dense<0.000000e+00> : vector<128xf32>
    %reduce_sum3A_57 = vector.multi_reduction <add>, %mul3A, %reduce_sum3A_56 [0] : vector<1000x128xf32> to vector<128xf32>
    %broadcast_in_dim3A_58 = vector.shape_cast %reduce_sum3A_57 : vector<128xf32> to vector<1x128xf32>
    %add3A_59 = arith.addf %get3A_55, %broadcast_in_dim3A_58 : vector<1x128xf32>
    %swap3A_60 = arith.constant 1 : index
    %swap3A_61 = arith.constant 0 : index
    %swap3A_62 = vector.load %arg9[%swap3A_60, %swap3A_61] : memref<8x128xf32, #tpu.memory_space<vmem>>, vector<1x128xf32>
    tpu.vector_store %arg9[%swap3A_60, %swap3A_61], %add3A_59 {strides = array<i32>} : memref<8x128xf32, #tpu.memory_space<vmem>>, vector<1x128xf32>,
    %get3A_63 = arith.constant 0 : index
    %get3A_64 = arith.constant 0 : index
    %get3A_65 = vector.load %arg9[%get3A_63, %get3A_64] : memref<8x128xf32, #tpu.memory_space<vmem>>, vector<8x128xf32>
    %swap3A_66 = arith.constant 0 : index
    %swap3A_67 = arith.constant 0 : index
    %swap3A_68 = vector.load %arg8[%swap3A_66, %swap3A_67] : memref<8x128xf32, #tpu.memory_space<vmem>>, vector<8x128xf32>
    tpu.vector_store %arg8[%swap3A_66, %swap3A_67], %get3A_65 {strides = array<i32>} : memref<8x128xf32, #tpu.memory_space<vmem>>, vector<8x128xf32>,
    return
  }
  func.func @transform_0(%arg0: i32) -> (i32, i32, i32) {
    %c0_i32 = arith.constant 0 : i32
    %c0_i32_0 = arith.constant 0 : i32
    %c0_i32_1 = arith.constant 0 : i32
    return %c0_i32, %arg0, %c0_i32_0 : i32, i32, i32
  }
  func.func @transform_1(%arg0: i32) -> (i32, i32, i32) {
    %c0_i32 = arith.constant 0 : i32
    %c0_i32_0 = arith.constant 0 : i32
    %c0_i32_1 = arith.constant 0 : i32
    return %c0_i32, %arg0, %c0_i32_0 : i32, i32, i32
  }
  func.func @transform_2(%arg0: i32) -> (i32, i32) {
    %c0_i32 = arith.constant 0 : i32
    %c0_i32_0 = arith.constant 0 : i32
    return %arg0, %c0_i32 : i32, i32
  }
  func.func @transform_3(%arg0: i32) -> (i32, i32) {
    %c0_i32 = arith.constant 0 : i32
    %c0_i32_0 = arith.constant 0 : i32
    %c0_i32_1 = arith.constant 0 : i32
    return %c0_i32, %c0_i32_0 : i32, i32
  }
  func.func @transform_4(%arg0: i32) -> (i32, i32) {
    %c0_i32 = arith.constant 0 : i32
    %c0_i32_0 = arith.constant 0 : i32
    %c0_i32_1 = arith.constant 0 : i32
    return %c0_i32, %c0_i32_0 : i32, i32
  }
  func.func @transform_5(%arg0: i32) -> (i32, i32) {
    %c0_i32 = arith.constant 0 : i32
    %c0_i32_0 = arith.constant 0 : i32
    %c0_i32_1 = arith.constant 0 : i32
    return %c0_i32, %c0_i32_0 : i32, i32
  }
  func.func @transform_6(%arg0: i32) -> (i32, i32) {
    %c0_i32 = arith.constant 0 : i32
    %c0_i32_0 = arith.constant 0 : i32
    return %arg0, %c0_i32 : i32, i32
  }
  func.func @transform_7(%arg0: i32) -> (i32, i32) {
    %c0_i32 = arith.constant 0 : i32
    %c0_i32_0 = arith.constant 0 : i32
    %c0_i32_1 = arith.constant 0 : i32
    return %c0_i32, %c0_i32_0 : i32, i32
  }
}

module attributes {stable_mosaic.version = 14 : i64} {
  func.func @_norm_body(%arg0: i32, %arg1: memref<1000x128xf32, #tpu.memory_space<vmem>>, %arg2: memref<8x128xf32, #tpu.memory_space<vmem>>, %arg3: memref<1x128xf32, #tpu.memory_space<vmem>>, %arg4: memref<1x128xf32, #tpu.memory_space<vmem>>, %arg5: memref<1000x128xf32, #tpu.memory_space<vmem>>) attributes {dimension_semantics = [#tpu.dimension_semantics<arbitrary>], iteration_bounds = array<i64: 10>, scalar_prefetch = 0 : i64, scratch_operands = 0 : i64, tpu.core_type = #tpu.core_type<tc>, window_params = [{transform_indices = @transform_0, window_bounds = array<i64: 1000, 128>}, {pipeline_mode = #tpu.pipeline_mode<synchronous>, transform_indices = @transform_1, window_bounds = array<i64: 8, 128>}, {pipeline_mode = #tpu.pipeline_mode<synchronous>, transform_indices = @transform_2, window_bounds = array<i64: 1, 128>}, {pipeline_mode = #tpu.pipeline_mode<synchronous>, transform_indices = @transform_3, window_bounds = array<i64: 1, 128>}, {transform_indices = @transform_4, window_bounds = array<i64: 1000, 128>}]} {
    %get3A = arith.constant 0 : index
    %get3A_0 = arith.constant 0 : index
    %get3A_1 = vector.load %arg2[%get3A, %get3A_0] : memref<8x128xf32, #tpu.memory_space<vmem>>, vector<1x128xf32>
    %mul3A = arith.constant 9.99999974E-5 : f32
    %mul3A_2 = vector.broadcast %mul3A : f32 to vector<1x128xf32>
    %mul3A_3 = arith.mulf %get3A_1, %mul3A_2 : vector<1x128xf32>
    %get3A_4 = arith.constant 1 : index
    %get3A_5 = arith.constant 0 : index
    %get3A_6 = vector.load %arg2[%get3A_4, %get3A_5] : memref<8x128xf32, #tpu.memory_space<vmem>>, vector<1x128xf32>
    %mul3A_7 = arith.constant 9.99999974E-5 : f32
    %mul3A_8 = vector.broadcast %mul3A_7 : f32 to vector<1x128xf32>
    %mul3A_9 = arith.mulf %get3A_6, %mul3A_8 : vector<1x128xf32>
    %mul3A_10 = arith.mulf %mul3A_3, %mul3A_3 : vector<1x128xf32>
    %sub3A = arith.subf %mul3A_9, %mul3A_10 : vector<1x128xf32>
    %add3A = arith.constant 9.99999974E-6 : f32
    %add3A_11 = vector.broadcast %add3A : f32 to vector<1x128xf32>
    %add3A_12 = arith.addf %sub3A, %add3A_11 : vector<1x128xf32>
    %rsqrt3A = math.rsqrt %add3A_12 : vector<1x128xf32>
    %get3A_13 = arith.constant 0 : index
    %get3A_14 = arith.constant 0 : index
    %get3A_15 = vector.load %arg1[%get3A_13, %get3A_14] : memref<1000x128xf32, #tpu.memory_space<vmem>>, vector<1000x128xf32>
    %sub3A_16 = vector.broadcast %mul3A_3 : vector<1x128xf32> to vector<1000x128xf32>
    %sub3A_17 = arith.subf %get3A_15, %sub3A_16 : vector<1000x128xf32>
    %get3A_18 = arith.constant 0 : index
    %get3A_19 = arith.constant 0 : index
    %get3A_20 = vector.load %arg3[%get3A_18, %get3A_19] : memref<1x128xf32, #tpu.memory_space<vmem>>, vector<1x128xf32>
    %mul3A_21 = arith.mulf %rsqrt3A, %get3A_20 : vector<1x128xf32>
    %mul3A_22 = vector.broadcast %mul3A_21 : vector<1x128xf32> to vector<1000x128xf32>
    %mul3A_23 = arith.mulf %sub3A_17, %mul3A_22 : vector<1000x128xf32>
    %get3A_24 = arith.constant 0 : index
    %get3A_25 = arith.constant 0 : index
    %get3A_26 = vector.load %arg4[%get3A_24, %get3A_25] : memref<1x128xf32, #tpu.memory_space<vmem>>, vector<1x128xf32>
    %add3A_27 = vector.broadcast %get3A_26 : vector<1x128xf32> to vector<1000x128xf32>
    %add3A_28 = arith.addf %mul3A_23, %add3A_27 : vector<1000x128xf32>
    %max3A = arith.constant 0.000000e+00 : f32
    %max3A_29 = vector.broadcast %max3A : f32 to vector<1000x128xf32>
    %max3A_30 = arith.maximumf %add3A_28, %max3A_29 : vector<1000x128xf32>
    %swap3A = arith.constant 0 : index
    %swap3A_31 = arith.constant 0 : index
    %swap3A_32 = vector.load %arg5[%swap3A, %swap3A_31] : memref<1000x128xf32, #tpu.memory_space<vmem>>, vector<1000x128xf32>
    tpu.vector_store %arg5[%swap3A, %swap3A_31], %max3A_30 {strides = array<i32>} : memref<1000x128xf32, #tpu.memory_space<vmem>>, vector<1000x128xf32>,
    return
  }
  func.func @transform_0(%arg0: i32) -> (i32, i32) {
    %c0_i32 = arith.constant 0 : i32
    %c0_i32_0 = arith.constant 0 : i32
    return %arg0, %c0_i32 : i32, i32
  }
  func.func @transform_1(%arg0: i32) -> (i32, i32) {
    %c0_i32 = arith.constant 0 : i32
    %c0_i32_0 = arith.constant 0 : i32
    %c0_i32_1 = arith.constant 0 : i32
    return %c0_i32, %c0_i32_0 : i32, i32
  }
  func.func @transform_2(%arg0: i32) -> (i32, i32) {
    %c0_i32 = arith.constant 0 : i32
    %c0_i32_0 = arith.constant 0 : i32
    %c0_i32_1 = arith.constant 0 : i32
    return %c0_i32, %c0_i32_0 : i32, i32
  }
  func.func @transform_3(%arg0: i32) -> (i32, i32) {
    %c0_i32 = arith.constant 0 : i32
    %c0_i32_0 = arith.constant 0 : i32
    %c0_i32_1 = arith.constant 0 : i32
    return %c0_i32, %c0_i32_0 : i32, i32
  }
  func.func @transform_4(%arg0: i32) -> (i32, i32) {
    %c0_i32 = arith.constant 0 : i32
    %c0_i32_0 = arith.constant 0 : i32
    return %arg0, %c0_i32 : i32, i32
  }
}

module attributes {stable_mosaic.version = 14 : i64} {
  func.func @_head_body(%arg0: i32, %arg1: memref<1000x128xf32, #tpu.memory_space<vmem>>, %arg2: memref<8x128xf32, #tpu.memory_space<vmem>>, %arg3: memref<1x128xf32, #tpu.memory_space<vmem>>, %arg4: memref<1x128xf32, #tpu.memory_space<vmem>>, %arg5: memref<128x64xf32, #tpu.memory_space<vmem>>, %arg6: memref<1x64xf32, #tpu.memory_space<vmem>>, %arg7: memref<1x64xf32, #tpu.memory_space<vmem>>, %arg8: memref<1x1xf32, #tpu.memory_space<vmem>>, %arg9: memref<1000x1xf32, #tpu.memory_space<vmem>>) attributes {dimension_semantics = [#tpu.dimension_semantics<arbitrary>], iteration_bounds = array<i64: 10>, scalar_prefetch = 0 : i64, scratch_operands = 0 : i64, tpu.core_type = #tpu.core_type<tc>, window_params = [{transform_indices = @transform_0, window_bounds = array<i64: 1000, 128>}, {pipeline_mode = #tpu.pipeline_mode<synchronous>, transform_indices = @transform_1, window_bounds = array<i64: 8, 128>}, {pipeline_mode = #tpu.pipeline_mode<synchronous>, transform_indices = @transform_2, window_bounds = array<i64: 1, 128>}, {pipeline_mode = #tpu.pipeline_mode<synchronous>, transform_indices = @transform_3, window_bounds = array<i64: 1, 128>}, {pipeline_mode = #tpu.pipeline_mode<synchronous>, transform_indices = @transform_4, window_bounds = array<i64: 128, 64>}, {pipeline_mode = #tpu.pipeline_mode<synchronous>, transform_indices = @transform_5, window_bounds = array<i64: 1, 64>}, {pipeline_mode = #tpu.pipeline_mode<synchronous>, transform_indices = @transform_6, window_bounds = array<i64: 1, 64>}, {pipeline_mode = #tpu.pipeline_mode<synchronous>, transform_indices = @transform_7, window_bounds = array<i64: 1, 1>}, {transform_indices = @transform_8, window_bounds = array<i64: 1000, 1>}]} {
    %get3A = arith.constant 0 : index
    %get3A_0 = arith.constant 0 : index
    %get3A_1 = vector.load %arg2[%get3A, %get3A_0] : memref<8x128xf32, #tpu.memory_space<vmem>>, vector<1x128xf32>
    %mul3A = arith.constant 9.99999974E-5 : f32
    %mul3A_2 = vector.broadcast %mul3A : f32 to vector<1x128xf32>
    %mul3A_3 = arith.mulf %get3A_1, %mul3A_2 : vector<1x128xf32>
    %get3A_4 = arith.constant 1 : index
    %get3A_5 = arith.constant 0 : index
    %get3A_6 = vector.load %arg2[%get3A_4, %get3A_5] : memref<8x128xf32, #tpu.memory_space<vmem>>, vector<1x128xf32>
    %mul3A_7 = arith.constant 9.99999974E-5 : f32
    %mul3A_8 = vector.broadcast %mul3A_7 : f32 to vector<1x128xf32>
    %mul3A_9 = arith.mulf %get3A_6, %mul3A_8 : vector<1x128xf32>
    %mul3A_10 = arith.mulf %mul3A_3, %mul3A_3 : vector<1x128xf32>
    %sub3A = arith.subf %mul3A_9, %mul3A_10 : vector<1x128xf32>
    %add3A = arith.constant 9.99999974E-6 : f32
    %add3A_11 = vector.broadcast %add3A : f32 to vector<1x128xf32>
    %add3A_12 = arith.addf %sub3A, %add3A_11 : vector<1x128xf32>
    %rsqrt3A = math.rsqrt %add3A_12 : vector<1x128xf32>
    %get3A_13 = arith.constant 0 : index
    %get3A_14 = arith.constant 0 : index
    %get3A_15 = vector.load %arg1[%get3A_13, %get3A_14] : memref<1000x128xf32, #tpu.memory_space<vmem>>, vector<1000x128xf32>
    %sub3A_16 = vector.broadcast %mul3A_3 : vector<1x128xf32> to vector<1000x128xf32>
    %sub3A_17 = arith.subf %get3A_15, %sub3A_16 : vector<1000x128xf32>
    %get3A_18 = arith.constant 0 : index
    %get3A_19 = arith.constant 0 : index
    %get3A_20 = vector.load %arg3[%get3A_18, %get3A_19] : memref<1x128xf32, #tpu.memory_space<vmem>>, vector<1x128xf32>
    %mul3A_21 = arith.mulf %rsqrt3A, %get3A_20 : vector<1x128xf32>
    %mul3A_22 = vector.broadcast %mul3A_21 : vector<1x128xf32> to vector<1000x128xf32>
    %mul3A_23 = arith.mulf %sub3A_17, %mul3A_22 : vector<1000x128xf32>
    %get3A_24 = arith.constant 0 : index
    %get3A_25 = arith.constant 0 : index
    %get3A_26 = vector.load %arg4[%get3A_24, %get3A_25] : memref<1x128xf32, #tpu.memory_space<vmem>>, vector<1x128xf32>
    %add3A_27 = vector.broadcast %get3A_26 : vector<1x128xf32> to vector<1000x128xf32>
    %add3A_28 = arith.addf %mul3A_23, %add3A_27 : vector<1000x128xf32>
    %get3A_29 = arith.constant 0 : index
    %get3A_30 = arith.constant 0 : index
    %get3A_31 = vector.load %arg5[%get3A_29, %get3A_30] : memref<128x64xf32, #tpu.memory_space<vmem>>, vector<128x64xf32>
    %dot_general3A = arith.constant dense<0.000000e+00> : vector<1000x64xf32>
    %dot_general3A_32 = tpu.matmul %add3A_28, %get3A_31, %dot_general3A {dimension_numbers = #tpu.dot_dimension_numbers<[1], [0], [0], [1], [0, 0, 1, 1], [], []>, transpose_lhs_hint = false} : vector<1000x128xf32>, vector<128x64xf32>, vector<1000x64xf32> -> vector<1000x64xf32>
    %get3A_33 = arith.constant 0 : index
    %get3A_34 = arith.constant 0 : index
    %get3A_35 = vector.load %arg6[%get3A_33, %get3A_34] : memref<1x64xf32, #tpu.memory_space<vmem>>, vector<1x64xf32>
    %add3A_36 = vector.broadcast %get3A_35 : vector<1x64xf32> to vector<1000x64xf32>
    %add3A_37 = arith.addf %dot_general3A_32, %add3A_36 : vector<1000x64xf32>
    %max3A = arith.constant 0.000000e+00 : f32
    %max3A_38 = vector.broadcast %max3A : f32 to vector<1000x64xf32>
    %max3A_39 = arith.maximumf %add3A_37, %max3A_38 : vector<1000x64xf32>
    %get3A_40 = arith.constant 0 : index
    %get3A_41 = arith.constant 0 : index
    %get3A_42 = vector.load %arg7[%get3A_40, %get3A_41] : memref<1x64xf32, #tpu.memory_space<vmem>>, vector<1x64xf32>
    %mul3A_43 = vector.broadcast %get3A_42 : vector<1x64xf32> to vector<1000x64xf32>
    %mul3A_44 = arith.mulf %max3A_39, %mul3A_43 : vector<1000x64xf32>
    %reduce_sum3A = arith.constant dense<0.000000e+00> : vector<1000xf32>
    %reduce_sum3A_45 = vector.multi_reduction <add>, %mul3A_44, %reduce_sum3A [1] : vector<1000x64xf32> to vector<1000xf32>
    %broadcast_in_dim3A = vector.shape_cast %reduce_sum3A_45 : vector<1000xf32> to vector<1000x1xf32>
    %get3A_46 = arith.constant 0 : index
    %get3A_47 = arith.constant 0 : index
    %get3A_48 = vector.load %arg8[%get3A_46, %get3A_47] : memref<1x1xf32, #tpu.memory_space<vmem>>, vector<1x1xf32>
    %add3A_49 = vector.broadcast %get3A_48 : vector<1x1xf32> to vector<1000x1xf32>
    %add3A_50 = arith.addf %broadcast_in_dim3A, %add3A_49 : vector<1000x1xf32>
    %swap3A = arith.constant 0 : index
    %swap3A_51 = arith.constant 0 : index
    %swap3A_52 = vector.load %arg9[%swap3A, %swap3A_51] : memref<1000x1xf32, #tpu.memory_space<vmem>>, vector<1000x1xf32>
    tpu.vector_store %arg9[%swap3A, %swap3A_51], %add3A_50 {strides = array<i32>} : memref<1000x1xf32, #tpu.memory_space<vmem>>, vector<1000x1xf32>,
    return
  }
  func.func @transform_0(%arg0: i32) -> (i32, i32) {
    %c0_i32 = arith.constant 0 : i32
    %c0_i32_0 = arith.constant 0 : i32
    return %arg0, %c0_i32 : i32, i32
  }
  func.func @transform_1(%arg0: i32) -> (i32, i32) {
    %c0_i32 = arith.constant 0 : i32
    %c0_i32_0 = arith.constant 0 : i32
    %c0_i32_1 = arith.constant 0 : i32
    return %c0_i32, %c0_i32_0 : i32, i32
  }
  func.func @transform_2(%arg0: i32) -> (i32, i32) {
    %c0_i32 = arith.constant 0 : i32
    %c0_i32_0 = arith.constant 0 : i32
    %c0_i32_1 = arith.constant 0 : i32
    return %c0_i32, %c0_i32_0 : i32, i32
  }
  func.func @transform_3(%arg0: i32) -> (i32, i32) {
    %c0_i32 = arith.constant 0 : i32
    %c0_i32_0 = arith.constant 0 : i32
    %c0_i32_1 = arith.constant 0 : i32
    return %c0_i32, %c0_i32_0 : i32, i32
  }
  func.func @transform_4(%arg0: i32) -> (i32, i32) {
    %c0_i32 = arith.constant 0 : i32
    %c0_i32_0 = arith.constant 0 : i32
    %c0_i32_1 = arith.constant 0 : i32
    return %c0_i32, %c0_i32_0 : i32, i32
  }
  func.func @transform_5(%arg0: i32) -> (i32, i32) {
    %c0_i32 = arith.constant 0 : i32
    %c0_i32_0 = arith.constant 0 : i32
    %c0_i32_1 = arith.constant 0 : i32
    return %c0_i32, %c0_i32_0 : i32, i32
  }
  func.func @transform_6(%arg0: i32) -> (i32, i32) {
    %c0_i32 = arith.constant 0 : i32
    %c0_i32_0 = arith.constant 0 : i32
    %c0_i32_1 = arith.constant 0 : i32
    return %c0_i32, %c0_i32_0 : i32, i32
  }
  func.func @transform_7(%arg0: i32) -> (i32, i32) {
    %c0_i32 = arith.constant 0 : i32
    %c0_i32_0 = arith.constant 0 : i32
    %c0_i32_1 = arith.constant 0 : i32
    return %c0_i32, %c0_i32_0 : i32, i32
  }
  func.func @transform_8(%arg0: i32) -> (i32, i32) {
    %c0_i32 = arith.constant 0 : i32
    %c0_i32_0 = arith.constant 0 : i32
    return %arg0, %c0_i32 : i32, i32
  }
}

</mosaic_0001>

<sc_bundles>
// kernel: kernel.12.cloned.1.call-start
scs
__scs_entry_jumppad:
0x0: {  	(pc) =	sbr.rel $0x88, $3  }
0x1: {  	(tag) =	ssettag $0x0;
	lr =	simm.s32 $0x1  }
0x2: {  	[smem:$0x3F8C] =	sst lr;
	_ =	strace $0xD0000000  }
0x3: {  	_ = 	snop  }
0x4: {  	_ = 	snop  }
0x5: {  	_ = 	snop  }
0x6: {  	_ = 	snop  }
0x7: {  	_ = 	snop  }
__scs_overlays_trampoline_lowered:
0x8: {  	[smem:$0x3F9B] =	sst s0  }
0x9: {  	[smem:$0x3F9C] =	sst s1  }
0xa: {  	[smem:$0x3F9D] =	sst s2  }
0xb: {  	[smem:$0x3F9E] =	sst s3  }
0xc: {  	[smem:$0x3F9F] =	sst s4  }
0xd: {  	[smem:$0x3FA0] =	sst s5  }
0xe: {  	[smem:$0x3FA1] =	sst s6  }
0xf: {  	[smem:$0x3FA2] =	sst s7  }
0x10: {  	[smem:$0x3FA3] =	sst s8  }
0x11: {  	[smem:$0x3FA4] =	sst s9;
	s0 =	simm.s32 @!p0 $0x0  }
0x12: {  	s1 =	sld [smem:$0x3F8A];
	s0 =	simm.s32 @p0 $0x1  }
0x13: {  	[smem:$0x3FA5] =	sst s0;
	s0 =	simm.s32 @!p1 $0x0  }
0x14: {  	s2 =	sld [smem:$0x3F89];
	s0 =	simm.s32 @p1 $0x1  }
0x15: {  	[smem:$0x3FA6] =	sst s0;
	s0 =	simm.s32 @!p2 $0x0  }
0x16: {  	s3 =	sld [smem:$0x3FDB];
	s0 =	simm.s32 @p2 $0x1  }
0x17: {  	s4 =	simm.s32 $0x1BF5;
	[smem:$0x3FA8] =	sst s0  }
0x18: {  	s0 =	sld [smem:$0x3F8B];
	_ =	swait.ge [sflag:s4], $0x0  }
0x19: {  	s7 =	sld [smem:$0x3F8C]  }
0x1a: {  	s8 =	sadd.s32 $0xFFFFE003, lr  }
0x1b: {  	s9 =	sadd.s32 $0xFFFFFEF7, lr;
	s5 =	simm.s32 $0xFFFFFFFF;
	p2 =	slt.u32 s8, $0xFFFFF086  }
0x1c: {  	p1 =	slt.u32 s9, $0xF7A;
	s5 =	simm.s32 @!p2 $0x0  }
0x1d: {  	s5 =	simm.s32 @p1 $0x1;
	p0 =	seq.s32 s7, s2  }
0x1e: {  	s7 =	smul.u32 @!p0 $0xF7A, s2;
	p2 =	seq.s32 @!p0 s5, $0x0  }
0x1f: {  	s9 =	smul.u32 $0xF7A, s1;
	s8 =	simm.s32 @!p0 $0x1BF5;
	p2 =	por !p2, p0  }
0x20: {  	[sflag:s8] =	ssyncset.s32 @!p0 $0xFFFFF086;
	s6 =	sadd.s32 @!p0 s3, s7;
	s7 =	simm.s32 @!p0 $0x108  }
0x21: {  	s3 =	sadd.s32 s3, s9;
	s6 =	sadd.s32 @!p0 $0x88, s6;
	s7 =	simm.s32 @p2 $0x1082  }
0x22: {  	[simem:s7], [sflag:s8] =	dma.local @!p0 [hbm:s6], $0xF7A  }
0x23: {  	s9 =	sor.u32 $0xD0000000, s2;
	s6 =	simm.s32 $0x108;
	_ =	swait.ge @!p0 [sflag:s8], $0x0  }
0x24: {  	s3 =	sadd.s32 $0x88, s3;
	s6 =	simm.s32 @!p1 $0x1082;
	[sflag:s4] =	ssyncset.s32 $0xFFFFF086  }
0x25: {  	[simem:s6], [sflag:s4] =	dma.local [hbm:s3], $0xF7A  }
0x26: {  	[smem:$0x3F8C] =	sst s1;
	(tag) =	ssettag s2;
	_ =	strace s9  }
0x27: {  	s1 =	sld [smem:$0x3F9C]  }
0x28: {  	s2 =	sld [smem:$0x3F9D]  }
0x29: {  	s4 =	sld [smem:$0x3F9F]  }
0x2a: {  	p0 =	seq.s32 s5, $0x0;
	s5 =	sld [smem:$0x3FA0]  }
0x2b: {  	s6 =	sld [smem:$0x3FA1]  }
0x2c: {  	s7 =	sld [smem:$0x3FA2]  }
0x2d: {  	s3 =	simm.s32 $0x108;
	s8 =	sld [smem:$0x3FA3]  }
0x2e: {  	s3 =	simm.s32 @!p0 $0x1082;
	s9 =	sld [smem:$0x3FA4]  }
0x2f: {  	lr =	sadd.s32 s0, s3;
	s0 =	sld [smem:$0x3F9B]  }
0x30: {  	s3 =	sld [smem:$0x3F9E]  }
0x31: {  	[smem:$0x3FA7] =	sst s10  }
0x32: {  	s10 =	sld [smem:$0x3FA5];
	_ =	sdelay $0x3  }
0x33: {  	p0 =	seq.s32 s10, $0x1;
	s10 =	sld [smem:$0x3FA7];
	_ =	sdelay $0x3  }
0x34: {  	[smem:$0x3FA7] =	sst s10  }
0x35: {  	s10 =	sld [smem:$0x3FA6];
	_ =	sdelay $0x3  }
0x36: {  	p1 =	seq.s32 s10, $0x1;
	s10 =	sld [smem:$0x3FA7];
	_ =	sdelay $0x3  }
0x37: {  	[smem:$0x3FA7] =	sst s10  }
0x38: {  	s10 =	sld [smem:$0x3FA8]  }
0x39: {  	_ = 	snop;
	(pc) =	sbr.ind lr, $3  }
0x3a: {  	_ = 	snop  }
0x3b: {  	_ = 	snop  }
0x3c: {  	p2 =	seq.s32 s10, $0x1;
	s10 =	sld [smem:$0x3FA7]  }
0x3d: {  	_ =	shalt  }
0x3e: {  	_ =	shalt  }
0x3f: {  	_ =	shalt  }
0x40: {  	_ =	shalt  }
0x41: {  	_ =	shalt  }
0x42: {  	_ =	shalt  }
0x43: {  	_ =	shalt  }
0x44: {  	_ =	shalt  }
0x45: {  	_ =	shalt  }
0x46: {  	_ =	shalt  }
0x47: {  	_ =	shalt  }
0x48: {  	_ =	shalt  }
0x49: {  	_ =	shalt  }
0x4a: {  	_ =	shalt  }
0x4b: {  	_ =	shalt  }
0x4c: {  	_ =	shalt  }
0x4d: {  	_ =	shalt  }
0x4e: {  	_ =	shalt  }
0x4f: {  	_ =	shalt  }
0x50: {  	_ =	shalt  }
0x51: {  	_ =	shalt  }
0x52: {  	_ =	shalt  }
0x53: {  	_ =	shalt  }
0x54: {  	_ =	shalt  }
0x55: {  	_ =	shalt  }
0x56: {  	_ =	shalt  }
0x57: {  	_ =	shalt  }
0x58: {  	_ =	shalt  }
0x59: {  	_ =	shalt  }
0x5a: {  	_ =	shalt  }
0x5b: {  	_ =	shalt  }
0x5c: {  	_ =	shalt  }
0x5d: {  	_ =	shalt  }
0x5e: {  	_ =	shalt  }
0x5f: {  	_ =	shalt  }
0x60: {  	_ =	shalt  }
0x61: {  	_ =	shalt  }
0x62: {  	_ =	shalt  }
0x63: {  	_ =	shalt  }
0x64: {  	_ =	shalt  }
0x65: {  	_ =	shalt  }
0x66: {  	_ =	shalt  }
0x67: {  	_ =	shalt  }
0x68: {  	_ =	shalt  }
0x69: {  	_ =	shalt  }
0x6a: {  	_ =	shalt  }
0x6b: {  	_ =	shalt  }
0x6c: {  	_ =	shalt  }
0x6d: {  	_ =	shalt  }
0x6e: {  	_ =	shalt  }
0x6f: {  	_ =	shalt  }
0x70: {  	_ =	shalt  }
0x71: {  	_ =	shalt  }
0x72: {  	_ =	shalt  }
0x73: {  	_ =	shalt  }
0x74: {  	_ =	shalt  }
0x75: {  	_ =	shalt  }
0x76: {  	_ =	shalt  }
0x77: {  	_ =	shalt  }
0x78: {  	_ =	shalt  }
0x79: {  	_ =	shalt  }
0x7a: {  	_ =	shalt  }
0x7b: {  	_ =	shalt  }
0x7c: {  	_ =	shalt  }
0x7d: {  	_ =	shalt  }
0x7e: {  	_ =	shalt  }
0x7f: {  	_ =	shalt  }
0x80: {  	_ =	shalt  }
0x81: {  	_ =	shalt  }
0x82: {  	_ =	shalt  }
0x83: {  	_ =	shalt  }
0x84: {  	_ =	shalt  }
0x85: {  	_ =	shalt  }
0x86: {  	_ =	shalt  }
0x87: {  	_ =	shalt  }
.Lfunc_end0:
.L_simem_size_0:
called_computation_lowered:
.L_overlay_start_0:
0x88: {  	s2 =	sld [smem:$0x3FD9]  }
0x89: {  	s3 =	sld [smem:$0x3FFE];
	_ =	sdelay $0x1  }
0x8a: {  	s1 =	srdreg.scid  }
0x8b: {  	s0 =	sand.u32 $0x1, s1  }
0x8c: {  	s17 =	sshll.u32 s0, $0xA;
	s2 =	sadd.s32 s3, s2  }
0x8d: {  	s2 =	sadd.s32 s2, s17  }
0x8e: {  	[smem:$0x3FB3] =	sst s2  }
0x8f: {  	_ = 	snop  }
0x90: {  	s2 =	sld [smem:$0x3FD0];
	(tm) =	ssettm $0x1  }
0x91: {  	s18 =	sld [smem:$0x3FFB];
	_ =	sdelay $0x3  }
0x92: {  	_ =	strace s18  }
0x93: {  	s3 =	sld [smem:$0x3FFC];
	_ =	sdelay $0x3  }
0x94: {  	_ =	strace s3  }
0x95: {  	s3 =	sld [smem:$0x3FFD];
	_ =	sdelay $0x3  }
0x96: {  	_ =	strace s3  }
0x97: {  	_ =	strace $0x8FFFFFFF  }
0x98: {  	s19 =	sld [smem:$0x3FDB];
	_ =	sdelay $0x1  }
0x99: {  	s4 =	simm.s32 $_scs_section_size  }
0x9a: {  	s5 =	simm.s32 $_size__tile_overlayer_lowered;
	s6 =	simm.s32 $_tile_overlayer_lowered  }
0x9b: {  	s22 =	simm.s32 $0x1BFF;
	s21 =	sshll.u32 s6, $0x1;
	s3 =	sadd.s32 s4, s19  }
0x9c: {  	s7 =	simm.s32 $0x0;
	s20 =	sshll.u32 s5, $0x1;
	s5 =	sadd.s32 s21, s3  }
0x9d: {  	[timem:s7], [sflag:s22] =	dma.local [hbm:s5], s20  }
0x9e: {  	_ =	swait.ge [sflag:s22], s20  }
0x9f: {  	s4 =	ssub.s32 $0x0, s20;
	[sflag:s22] =	ssyncset.done $0x0  }
0xa0: {  	[sflag:s22] =	ssyncadd.s32 s4;
	_ =	sdelay $0x1  }
0xa1: {  	s23 =	simm.s32 $0x1B8B  }
0xa2: {  	_ =	swait.ge [sflag:s23], $0x1  }
0xa3: {  	[sflag:s23] =	ssyncset.done $0x0  }
0xa4: {  	s25 =	simm.s32 $0x1B8E;
	s24 =	sld [smem:$0x3FFE];
	[sflag:s23] =	ssyncadd.s32 $0xFFFFFFFF  }
0xa5: {  	s26 =	simm.s32 $execute0_lowered;
	[smem:$0x3FD2] =	sst s25  }
0xa6: {  	s5 =	sshll.u32 s26, $0x1;
	_ =	strace $0x80000046;
	[dreg:$0x1] =	wrdreg $0xFFFFFFFF  }
0xa7: {  	s28 =	simm.s32 $_size_execute0_lowered;
	s3 =	sadd.s32 s3, s5;
	[dreg:$0x0] =	wrdreg $0x0  }
0xa8: {  	s5 =	sshll.u32 s28, $0x1;
	[dreg:$0x2] =	wrdreg s3  }
0xa9: {  	[dreg:$0x3] =	wrdreg s5  }
0xaa: {  	[dreg:$0x4] =	wrdreg $0xC0  }
0xab: {  	_ =	task [dreg:s7], $0x5FFFF  }
0xac: {  	[dreg:$0x1] =	wrdreg $0xFFFFFFFF  }
0xad: {  	[dreg:$0x0] =	wrdreg $0x60  }
0xae: {  	[dreg:$0x2] =	wrdreg s24  }
0xaf: {  	[dreg:$0x3] =	wrdreg s2  }
0xb0: {  	[dreg:$0x4] =	wrdreg $0x70000  }
0xb1: {  	[dreg:$0x5] =	wrdreg $0x9  }
0xb2: {  	_ =	task.clear_ibuf [dreg:s7], $0x6FFFF;
	_ =	strace $0x90000046  }
0xb3: {  	s29 =	simm.s32 $0x9;
	_ =	strace $0x80000048  }
0xb4: {  	_ =	swait.ge [sflag:s29], $0x1  }
0xb5: {  	[sflag:s29] =	ssyncadd.s32 $0xFFFFFFFF  }
0xb6: {  	_ =	strace $0x90000048  }
0xb7: {  	_ =	sfence  }
0xb8: {  	s30 =	sld [smem:$0x0];
	_ =	sdelay $0x2  }
0xb9: {  	s31 =	sshll.u32 s1, $0xD;
	s1 =	sshrl.u32 s1, $0x2  }
0xba: {  	s3 =	sand.u32 $0x4000, s31;
	s1 =	sadd.s32 s1, s30  }
0xbb: {  	s0 =	sor.u32 s3, s0;
	s1 =	sshll.u32 s1, $0x11  }
0xbc: {  	s0 =	sor.u32 s1, s0  }
0xbd: {  	s0 =	sadd.s32 $0x8F2B, s0  }
0xbe: {  	[sflag:s0] =	ssyncadd.remote.s32 $0x1  }
0xbf: {  	_ =	sfence.sel $0xFFFF  }
0xc0: {  	[dreg:$0x0] =	wrdreg $0xFFFFFFFF;
	(pc) =	sbr.abs _section_cstart, $3  }
0xc1: {  	[dreg:$0x1] =	wrdreg $0xFFFFFFFF  }
0xc2: {  	_ =	task.clear_ibuf [dreg:s7], $0x2FFFF;
	_ =	strace $0x9FFFFFFF  }
0xc3: {  	(tm) =	ssettm $0x7FFFFFFF  }
tec
execute0_lowered:
.L_overlay_start_1:
0x0: {  	(tag) =	ssettag $0x1  }
0x1: {  	s6 =	rddreg [dreg:$0x0]  }
0x2: {  	s1 =	rddreg [dreg:$0x1]  }
0x3: {  	s2 =	rddreg [dreg:$0x2]  }
0x4: {  	s3 =	srdreg.scid;
	s0 =	rddreg [dreg:$0x3]  }
0x5: {  	s4 =	simm.s32 $0x0;
	s12 =	simm.s32 $0x2800;
	s7 =	sand.u32 $0x1, s3  }
0x6: {  	s13 =	simm.s32 $0x80;
	s3 =	stileid.u32;
	s8 =	smul.u32 $0x140000, s7  }
0x7: {  	s16 =	simm.s32 $0x0;
	[smem:$0x7FF] =	sst s4;
	s9 =	smul.u32 $0x14000, s3  }
0x8: {  	s5 =	sshll.u32 s7, $0x4;
	_ =	strace $0x80000047;
	s7 =	ssub.s32 $0x2, s7  }
0x9: {  	s30 =	smul.u32 $0x50000, s3;
	s14 =	sshll.u32 s3, $0x6;
	s10 =	sor.u32 s3, s5  }
0xa: {  	s5 =	sadd.s32 $0x18C00, s6;
	s11 =	sshrl.u32 s7, $0x1;
	s29 =	smul.u32 $0x2800, s10  }
0xb: {  	s14 =	sor.u32 $0x1C01, s14;
	s8 =	sadd.s32 s9, s8;
	s11 =	ssub.s32 s7, s11  }
0xc: {  	s31 =	sshrl.u32 s30, $0x2;
	s8 =	sshrl.u32 s8, $0x3;
	s9 =	sshrl.u32 s29, $0x3  }
0xd: {  	s10 =	simm.s32 $0x6800;
	s8 =	sadd.s32 s8, s6;
	s9 =	sadd.s32 s6, s9  }
0xe: {  	s6 =	sadd.s32 s31, s2;
	s8 =	sadd.s32 $0x19400, s8;
	s7 =	sadd.s32 $0xEC00, s9  }
0xf: {  	s9 =	smax.u32 s11, $0x1;
	s11 =	simm.s32 $0x1;
	s15 =	sshrl.u32 s6, $0x3  }
.LBB2_1:
0x10: {  	[tilespmem:s10], [sflag:$0x1] =	stream.linear.gather [hbm4b:s1+s4], $0x800, $0x38;
	[tilespmem:$0x1B000] =	vst v63  }
0x11: {  	_ =	swait.ge [sflag:s11], $0x800  }
0x12: {  	[sflag:s11] =	ssyncset.done $0x0  }
0x13: {  	[sflag:s11] =	ssyncadd.s32 $0xFFFFF800  }
0x14: {  	[tilespmem:s12], [sflag:$0x1] =	stream.linear.gather [hbm4b:s5+s4], $0x4000, $0x38;
	[tilespmem:$0x1B000] =	vst v63  }
0x15: {  	_ =	swait.ge [sflag:s11], $0x4000  }
0x16: {  	[sflag:s11] =	ssyncset.done $0x0  }
0x17: {  	s17 =	sadd.s32 $0x0, s6;
	[sflag:s11] =	ssyncadd.s32 $0xFFFFC000  }
0x18: {  	[spmem:s17] =	stream.linear.scatter [tilespmem:s10], [sflag:$0x1], $0x800, $0x38;
	[tilespmem:$0x1B000] =	vst v63  }
0x19: {  	s17 =	simm.s32 $0x2000;
	_ =	swait.ge [sflag:s11], $0x800  }
.LBB2_2:
0x1a: {  	s18 =	sshra.s32 s17, $0x2;
	[sflag:s11] =	ssyncset.done $0x0;
	p0 =	sne.s32 s17, $0x4E000  }
.Ltmp0:
0x1b: {  	s18 =	sadd.s32 s18, s6;
	[sflag:s11] =	ssyncadd.s32 $0xFFFFF800;
	(pc) =	sbr.rel @p0 .LBB2_2-.Ltmp0, $3  }
0x1c: {  	[spmem:s18] =	stream.linear.scatter [tilespmem:s10], [sflag:$0x1], $0x800, $0x38;
	[tilespmem:$0x1B000] =	vst v63  }
0x1d: {  	s17 =	sadd.s32 $0x2000, s17;
	_ =	sdelay $0x1  }
0x1e: {  	_ =	swait.ge [sflag:s11], $0x800  }
0x1f: {  	[sflag:s11] =	ssyncset.done $0x0  }
0x20: {  	s17 =	simm.s32 $0x0;
	[sflag:s11] =	ssyncadd.s32 $0xFFFFF800  }
0x21: {  	[tilespmem:s17], [sflag:$0x1] =	stream.linear.gather [hbm4b:s7+s17], $0x2800, $0x38;
	[tilespmem:$0x1B000] =	vst v63  }
0x22: {  	_ =	swait.ge [sflag:s11], $0x2800  }
0x23: {  	[sflag:s11] =	ssyncset.done $0x0  }
0x24: {  	[sflag:s11] =	ssyncadd.s32 $0xFFFFD800  }
0x25: {  	s31 =	simm.s32 $0x0;
	[bflag:$0x0] =	sbarrier.arrive $0xFFFF  }
0x26: {  	[spmem:s2] =	stream.indirect.scatter.add.f32 [tilespmem:s12], [sflag:$0x1], $0x80, s31, s13, $0xb8;
	[tilespmem:$0x1B000] =	vst v63  }
0x27: {  	_ =	swait.ge [sflag:s11], $0x4000  }
0x28: {  	s17 =	simm.s32 $0x200;
	[sflag:s11] =	ssyncset.done $0x0  }
.LBB2_4:
0x29: {  	s18 =	sshra.s32 s17, $0x2;
	[sflag:s11] =	ssyncadd.s32 $0xFFFFC000;
	p0 =	sne.s32 s17, $0x9E00  }
0x2a: {  	[spmem:s2] =	stream.indirect.scatter.add.f32 [tilespmem:s12], [sflag:$0x1], $0x80, s18, s13, $0xb8;
	[tilespmem:$0x1B000] =	vst v63  }
.Ltmp1:
0x2b: {  	_ = 	snop;
	(pc) =	sbr.rel @p0 .LBB2_4-.Ltmp1, $4  }
0x2c: {  	_ = 	snop  }
0x2d: {  	s17 =	sadd.s32 $0x200, s17  }
0x2e: {  	_ =	swait.ge [sflag:s11], $0x4000  }
0x2f: {  	[sflag:s11] =	ssyncset.done $0x0  }
0x30: {  	s16 =	sadd.s32 $0x1, s16  }
0x31: {  	[sflag:s11] =	ssyncadd.s32 $0xFFFFC000;
	p0 =	sne.s32 s16, s9  }
.Ltmp2:
0x32: {  	[bflag:$0x0] =	sbarrier.arrive $0xFFFF;
	(pc) =	sbr.rel @p0 .LBB2_1-.Ltmp2, $4  }
0x33: {  	[hbm:s8], [sflag:s14] =	dma.local [spmem:s15], $0x2800  }
0x34: {  	_ =	swait.ge [sflag:s11], $0x2800  }
0x35: {  	[sflag:s11] =	ssyncset.done $0x0  }
0x36: {  	[sflag:s11] =	ssyncadd.s32 $0xFFFFD800  }
0x37: {  	_ =	sfence.sel $0x180000  }
0x38: {  	[bflag:$0x0] =	sbarrier.arrive $0xFFFF  }
0x39: {  	p0 =	sne.s32 s3, $0x0;
	_ =	strace $0x90000047  }
0x3a: {  	s0 =	sadd.s32 @!p0 $0x100000, s0;
	[bflag:$0x2] =	sbarrier.arrive $0xFFFF  }
0x3b: {  	[sflag:s0] =	ssyncadd.tile.s32 @!p0 $0x1;
	_ =	shalt  }
.Lfunc_end2:
_tile_overlayer_lowered:
.L_overlay_start_2:
0x3c: {  	(tag) =	ssettag $0x2  }
0x3d: {  	s0 =	rddreg [dreg:$0x0];
	s2 =	stileid.u32  }
0x3e: {  	s1 =	rddreg [dreg:$0x1];
	p0 =	sne.s32 s2, $0x0  }
0x3f: {  	s3 =	rddreg [dreg:$0x2];
	[bflag:$0x3] =	sbarrier.arrive $0xFFFF;
	s2 =	simm.s32 @!p0 $0x1C01  }
0x40: {  	[timem:s3], [sflag:s2] =	dma.local @!p0 [hbm:s0], s1  }
0x41: {  	s0 =	simm.s32 @!p0 $0x1  }
0x42: {  	_ =	swait.ge @!p0 [sflag:s0], s1  }
0x43: {  	s1 =	ssub.s32 @!p0 $0x0, s1;
	[sflag:s0] =	ssyncset.done @!p0 $0x0  }
0x44: {  	[sflag:s0] =	ssyncadd.s32 @!p0 s1  }
0x45: {  	[bflag:$0x3] =	sbarrier.arrive $0xFFFF  }
0x46: {  	_ =	shalt  }

// kernel: kernel.15.cloned.1.call-start
scs
__scs_entry_jumppad:
0x0: {  	(pc) =	sbr.rel $0x88, $3  }
0x1: {  	(tag) =	ssettag $0x0;
	lr =	simm.s32 $0x1  }
0x2: {  	[smem:$0x3F8C] =	sst lr;
	_ =	strace $0xD0000000  }
0x3: {  	_ = 	snop  }
0x4: {  	_ = 	snop  }
0x5: {  	_ = 	snop  }
0x6: {  	_ = 	snop  }
0x7: {  	_ = 	snop  }
__scs_overlays_trampoline_lowered:
0x8: {  	[smem:$0x3F9B] =	sst s0  }
0x9: {  	[smem:$0x3F9C] =	sst s1  }
0xa: {  	[smem:$0x3F9D] =	sst s2  }
0xb: {  	[smem:$0x3F9E] =	sst s3  }
0xc: {  	[smem:$0x3F9F] =	sst s4  }
0xd: {  	[smem:$0x3FA0] =	sst s5  }
0xe: {  	[smem:$0x3FA1] =	sst s6  }
0xf: {  	[smem:$0x3FA2] =	sst s7  }
0x10: {  	[smem:$0x3FA3] =	sst s8  }
0x11: {  	[smem:$0x3FA4] =	sst s9;
	s0 =	simm.s32 @!p0 $0x0  }
0x12: {  	s1 =	sld [smem:$0x3F8A];
	s0 =	simm.s32 @p0 $0x1  }
0x13: {  	[smem:$0x3FA5] =	sst s0;
	s0 =	simm.s32 @!p1 $0x0  }
0x14: {  	s2 =	sld [smem:$0x3F89];
	s0 =	simm.s32 @p1 $0x1  }
0x15: {  	[smem:$0x3FA6] =	sst s0;
	s0 =	simm.s32 @!p2 $0x0  }
0x16: {  	s3 =	sld [smem:$0x3FDB];
	s0 =	simm.s32 @p2 $0x1  }
0x17: {  	s4 =	simm.s32 $0x1BF5;
	[smem:$0x3FA8] =	sst s0  }
0x18: {  	s0 =	sld [smem:$0x3F8B];
	_ =	swait.ge [sflag:s4], $0x0  }
0x19: {  	s7 =	sld [smem:$0x3F8C]  }
0x1a: {  	s8 =	sadd.s32 $0xFFFFE003, lr  }
0x1b: {  	s9 =	sadd.s32 $0xFFFFFEF7, lr;
	s5 =	simm.s32 $0xFFFFFFFF;
	p2 =	slt.u32 s8, $0xFFFFF086  }
0x1c: {  	p1 =	slt.u32 s9, $0xF7A;
	s5 =	simm.s32 @!p2 $0x0  }
0x1d: {  	s5 =	simm.s32 @p1 $0x1;
	p0 =	seq.s32 s7, s2  }
0x1e: {  	s7 =	smul.u32 @!p0 $0xF7A, s2;
	p2 =	seq.s32 @!p0 s5, $0x0  }
0x1f: {  	s9 =	smul.u32 $0xF7A, s1;
	s8 =	simm.s32 @!p0 $0x1BF5;
	p2 =	por !p2, p0  }
0x20: {  	[sflag:s8] =	ssyncset.s32 @!p0 $0xFFFFF086;
	s6 =	sadd.s32 @!p0 s3, s7;
	s7 =	simm.s32 @!p0 $0x108  }
0x21: {  	s3 =	sadd.s32 s3, s9;
	s6 =	sadd.s32 @!p0 $0x88, s6;
	s7 =	simm.s32 @p2 $0x1082  }
0x22: {  	[simem:s7], [sflag:s8] =	dma.local @!p0 [hbm:s6], $0xF7A  }
0x23: {  	s9 =	sor.u32 $0xD0000000, s2;
	s6 =	simm.s32 $0x108;
	_ =	swait.ge @!p0 [sflag:s8], $0x0  }
0x24: {  	s3 =	sadd.s32 $0x88, s3;
	s6 =	simm.s32 @!p1 $0x1082;
	[sflag:s4] =	ssyncset.s32 $0xFFFFF086  }
0x25: {  	[simem:s6], [sflag:s4] =	dma.local [hbm:s3], $0xF7A  }
0x26: {  	[smem:$0x3F8C] =	sst s1;
	(tag) =	ssettag s2;
	_ =	strace s9  }
0x27: {  	s1 =	sld [smem:$0x3F9C]  }
0x28: {  	s2 =	sld [smem:$0x3F9D]  }
0x29: {  	s4 =	sld [smem:$0x3F9F]  }
0x2a: {  	p0 =	seq.s32 s5, $0x0;
	s5 =	sld [smem:$0x3FA0]  }
0x2b: {  	s6 =	sld [smem:$0x3FA1]  }
0x2c: {  	s7 =	sld [smem:$0x3FA2]  }
0x2d: {  	s3 =	simm.s32 $0x108;
	s8 =	sld [smem:$0x3FA3]  }
0x2e: {  	s3 =	simm.s32 @!p0 $0x1082;
	s9 =	sld [smem:$0x3FA4]  }
0x2f: {  	lr =	sadd.s32 s0, s3;
	s0 =	sld [smem:$0x3F9B]  }
0x30: {  	s3 =	sld [smem:$0x3F9E]  }
0x31: {  	[smem:$0x3FA7] =	sst s10  }
0x32: {  	s10 =	sld [smem:$0x3FA5];
	_ =	sdelay $0x3  }
0x33: {  	p0 =	seq.s32 s10, $0x1;
	s10 =	sld [smem:$0x3FA7];
	_ =	sdelay $0x3  }
0x34: {  	[smem:$0x3FA7] =	sst s10  }
0x35: {  	s10 =	sld [smem:$0x3FA6];
	_ =	sdelay $0x3  }
0x36: {  	p1 =	seq.s32 s10, $0x1;
	s10 =	sld [smem:$0x3FA7];
	_ =	sdelay $0x3  }
0x37: {  	[smem:$0x3FA7] =	sst s10  }
0x38: {  	s10 =	sld [smem:$0x3FA8]  }
0x39: {  	_ = 	snop;
	(pc) =	sbr.ind lr, $3  }
0x3a: {  	_ = 	snop  }
0x3b: {  	_ = 	snop  }
0x3c: {  	p2 =	seq.s32 s10, $0x1;
	s10 =	sld [smem:$0x3FA7]  }
0x3d: {  	_ =	shalt  }
0x3e: {  	_ =	shalt  }
0x3f: {  	_ =	shalt  }
0x40: {  	_ =	shalt  }
0x41: {  	_ =	shalt  }
0x42: {  	_ =	shalt  }
0x43: {  	_ =	shalt  }
0x44: {  	_ =	shalt  }
0x45: {  	_ =	shalt  }
0x46: {  	_ =	shalt  }
0x47: {  	_ =	shalt  }
0x48: {  	_ =	shalt  }
0x49: {  	_ =	shalt  }
0x4a: {  	_ =	shalt  }
0x4b: {  	_ =	shalt  }
0x4c: {  	_ =	shalt  }
0x4d: {  	_ =	shalt  }
0x4e: {  	_ =	shalt  }
0x4f: {  	_ =	shalt  }
0x50: {  	_ =	shalt  }
0x51: {  	_ =	shalt  }
0x52: {  	_ =	shalt  }
0x53: {  	_ =	shalt  }
0x54: {  	_ =	shalt  }
0x55: {  	_ =	shalt  }
0x56: {  	_ =	shalt  }
0x57: {  	_ =	shalt  }
0x58: {  	_ =	shalt  }
0x59: {  	_ =	shalt  }
0x5a: {  	_ =	shalt  }
0x5b: {  	_ =	shalt  }
0x5c: {  	_ =	shalt  }
0x5d: {  	_ =	shalt  }
0x5e: {  	_ =	shalt  }
0x5f: {  	_ =	shalt  }
0x60: {  	_ =	shalt  }
0x61: {  	_ =	shalt  }
0x62: {  	_ =	shalt  }
0x63: {  	_ =	shalt  }
0x64: {  	_ =	shalt  }
0x65: {  	_ =	shalt  }
0x66: {  	_ =	shalt  }
0x67: {  	_ =	shalt  }
0x68: {  	_ =	shalt  }
0x69: {  	_ =	shalt  }
0x6a: {  	_ =	shalt  }
0x6b: {  	_ =	shalt  }
0x6c: {  	_ =	shalt  }
0x6d: {  	_ =	shalt  }
0x6e: {  	_ =	shalt  }
0x6f: {  	_ =	shalt  }
0x70: {  	_ =	shalt  }
0x71: {  	_ =	shalt  }
0x72: {  	_ =	shalt  }
0x73: {  	_ =	shalt  }
0x74: {  	_ =	shalt  }
0x75: {  	_ =	shalt  }
0x76: {  	_ =	shalt  }
0x77: {  	_ =	shalt  }
0x78: {  	_ =	shalt  }
0x79: {  	_ =	shalt  }
0x7a: {  	_ =	shalt  }
0x7b: {  	_ =	shalt  }
0x7c: {  	_ =	shalt  }
0x7d: {  	_ =	shalt  }
0x7e: {  	_ =	shalt  }
0x7f: {  	_ =	shalt  }
0x80: {  	_ =	shalt  }
0x81: {  	_ =	shalt  }
0x82: {  	_ =	shalt  }
0x83: {  	_ =	shalt  }
0x84: {  	_ =	shalt  }
0x85: {  	_ =	shalt  }
0x86: {  	_ =	shalt  }
0x87: {  	_ =	shalt  }
.Lfunc_end0:
.L_simem_size_0:
called_computation.1_lowered:
.L_overlay_start_0:
0x88: {  	s2 =	sld [smem:$0x3FD9]  }
0x89: {  	s3 =	sld [smem:$0x3FFE];
	_ =	sdelay $0x1  }
0x8a: {  	s1 =	srdreg.scid  }
0x8b: {  	s0 =	sand.u32 $0x1, s1  }
0x8c: {  	s17 =	sshll.u32 s0, $0xA;
	s2 =	sadd.s32 s3, s2  }
0x8d: {  	s2 =	sadd.s32 s2, s17  }
0x8e: {  	[smem:$0x3FB3] =	sst s2  }
0x8f: {  	_ = 	snop  }
0x90: {  	s4 =	sld [smem:$0x3FC9]  }
0x91: {  	s18 =	sld [smem:$0x3FD0];
	(tm) =	ssettm $0x1  }
0x92: {  	s19 =	sld [smem:$0x3FFB];
	_ =	sdelay $0x3  }
0x93: {  	_ =	strace s19  }
0x94: {  	s2 =	sld [smem:$0x3FFC];
	_ =	sdelay $0x3  }
0x95: {  	_ =	strace s2  }
0x96: {  	s2 =	sld [smem:$0x3FFD];
	_ =	sdelay $0x3  }
0x97: {  	_ =	strace s2  }
0x98: {  	_ =	strace $0x8FFFFFFF  }
0x99: {  	s20 =	sld [smem:$0x3FDB];
	_ =	sdelay $0x1  }
0x9a: {  	s5 =	simm.s32 $_scs_section_size  }
0x9b: {  	s6 =	simm.s32 $_size__tile_overlayer_lowered;
	s7 =	simm.s32 $_tile_overlayer_lowered  }
0x9c: {  	s8 =	simm.s32 $0x1BFF;
	s21 =	sshll.u32 s7, $0x1;
	s5 =	sadd.s32 s5, s20  }
0x9d: {  	s22 =	simm.s32 $0x0;
	s6 =	sshll.u32 s6, $0x1;
	s7 =	sadd.s32 s21, s5  }
0x9e: {  	[timem:s22], [sflag:s8] =	dma.local [hbm:s7], s6  }
0x9f: {  	_ =	swait.ge [sflag:s8], s6  }
0xa0: {  	s6 =	ssub.s32 $0x0, s6;
	[sflag:s8] =	ssyncset.done $0x0  }
0xa1: {  	[sflag:s8] =	ssyncadd.s32 s6;
	_ =	sdelay $0x1  }
0xa2: {  	s23 =	simm.s32 $0x1B8B  }
0xa3: {  	_ =	swait.ge [sflag:s23], $0x1  }
0xa4: {  	[sflag:s23] =	ssyncset.done $0x0  }
0xa5: {  	[sflag:s23] =	ssyncadd.s32 $0xFFFFFFFF  }
0xa6: {  	s6 =	sld [smem:$0x0]  }
0xa7: {  	s7 =	sand.u32 $0xFFFFFFFE, s1  }
0xa8: {  	p0 =	sne.s32 s1, s7  }
0xa9: {  	s7 =	sshll.u32 @p0 s7, $0xE  }
0xaa: {  	s7 =	sadd.s32 @p0 $0x11B8D, s7;
	s8 =	sshll.u32 @p0 s6, $0x11  }
0xab: {  	s7 =	sor.u32 @p0 s8, s7  }
0xac: {  	[sflag:s7] =	ssyncadd.remote.s32 @p0 $0x1;
	_ =	sdelay $0x1  }
0xad: {  	s7 =	simm.s32 @p0 $0x1B8D  }
0xae: {  	_ =	swait.eq @p0 [sflag:s7], $0x1  }
0xaf: {  	[sflag:s7] =	ssyncadd.s32 @p0 $0xFFFFFFFF  }
0xb0: {  	s8 =	sshll.u32 @!p0 s1, $0xE  }
0xb1: {  	s8 =	sor.u32 @!p0 $0x4000, s8;
	s7 =	simm.s32 @!p0 $0x1B8D  }
0xb2: {  	s6 =	sshll.u32 @!p0 s6, $0x11;
	s8 =	sadd.s32 @!p0 $0x11B8D, s8;
	_ =	swait.eq @!p0 [sflag:s7], $0x1  }
0xb3: {  	s6 =	sor.u32 @!p0 s6, s8;
	[sflag:s7] =	ssyncadd.s32 @!p0 $0xFFFFFFFF  }
0xb4: {  	s25 =	simm.s32 $0x1B8E;
	s24 =	sld [smem:$0x3FFE];
	[sflag:s6] =	ssyncadd.remote.s32 @!p0 $0x1  }
0xb5: {  	s26 =	simm.s32 $execute0_lowered;
	[smem:$0x3FD2] =	sst s25  }
0xb6: {  	s7 =	sshll.u32 s26, $0x1;
	_ =	strace $0x80000049;
	[dreg:$0x1] =	wrdreg $0xFFFFFFFF  }
0xb7: {  	s28 =	simm.s32 $_size_execute0_lowered;
	s5 =	sadd.s32 s5, s7;
	[dreg:$0x0] =	wrdreg $0x0  }
0xb8: {  	s7 =	sshll.u32 s28, $0x1;
	[dreg:$0x2] =	wrdreg s5  }
0xb9: {  	[dreg:$0x3] =	wrdreg s7  }
0xba: {  	[dreg:$0x4] =	wrdreg $0xC0  }
0xbb: {  	_ =	task [dreg:s22], $0x5FFFF  }
0xbc: {  	[dreg:$0x1] =	wrdreg $0xFFFFFFFF  }
0xbd: {  	[dreg:$0x0] =	wrdreg $0x60  }
0xbe: {  	[dreg:$0x2] =	wrdreg s4  }
0xbf: {  	[dreg:$0x3] =	wrdreg s24  }
0xc0: {  	[dreg:$0x4] =	wrdreg s18  }
0xc1: {  	[dreg:$0x5] =	wrdreg $0xB0000  }
0xc2: {  	[dreg:$0x6] =	wrdreg $0xA  }
0xc3: {  	_ =	task.clear_ibuf [dreg:s22], $0x7FFFF;
	_ =	strace $0x90000049  }
0xc4: {  	s29 =	simm.s32 $0xA;
	_ =	strace $0x8000004B  }
0xc5: {  	_ =	swait.ge [sflag:s29], $0x1  }
0xc6: {  	[sflag:s29] =	ssyncadd.s32 $0xFFFFFFFF  }
0xc7: {  	_ =	strace $0x9000004B  }
0xc8: {  	_ =	sfence  }
0xc9: {  	s30 =	sld [smem:$0x0];
	_ =	sdelay $0x2  }
0xca: {  	s31 =	sshll.u32 s1, $0xD;
	s1 =	sshrl.u32 s1, $0x2  }
0xcb: {  	s4 =	sand.u32 $0x4000, s31;
	s1 =	sadd.s32 s1, s30  }
0xcc: {  	s0 =	sor.u32 s4, s0;
	s1 =	sshll.u32 s1, $0x11  }
0xcd: {  	s0 =	sor.u32 s1, s0  }
0xce: {  	s0 =	sadd.s32 $0x8F2B, s0  }
0xcf: {  	[sflag:s0] =	ssyncadd.remote.s32 $0x1  }
0xd0: {  	_ =	sfence.sel $0xFFFF  }
0xd1: {  	[dreg:$0x0] =	wrdreg $0xFFFFFFFF;
	(pc) =	sbr.abs _section_cstart, $3  }
0xd2: {  	[dreg:$0x1] =	wrdreg $0xFFFFFFFF  }
0xd3: {  	_ =	task.clear_ibuf [dreg:s22], $0x2FFFF;
	_ =	strace $0x9FFFFFFF  }
0xd4: {  	(tm) =	ssettm $0x7FFFFFFF  }
0xd5: {  	_ =	shalt  }
tec
execute0_lowered:
.L_overlay_start_1:
0x0: {  	(tag) =	ssettag $0x1  }
0x1: {  	s1 =	rddreg [dreg:$0x0]  }
0x2: {  	s7 =	rddreg [dreg:$0x1]  }
0x3: {  	s3 =	rddreg [dreg:$0x2]  }
0x4: {  	s0 =	srdreg.scid;
	s4 =	rddreg [dreg:$0x3]  }
0x5: {  	s5 =	simm.s32 $0x0;
	s14 =	simm.s32 $0x3;
	s15 =	simm.s32 $0x1400  }
0x6: {  	s16 =	simm.s32 $0x80;
	s17 =	simm.s32 $0x2800;
	s18 =	simm.s32 $0x6800  }
0x7: {  	s19 =	simm.s32 $0x1;
	s20 =	simm.s32 $0x2;
	s21 =	simm.s32 $0x2700  }
0x8: {  	s22 =	simm.s32 $0x2780;
	s6 =	sand.u32 $0x1, s0;
	s0 =	stileid.u32  }
0x9: {  	s25 =	simm.s32 $0x0;
	[smem:$0x7FF] =	sst s5;
	s9 =	smul.u32 $0x140000, s6  }
0xa: {  	s2 =	sshll.u32 s6, $0x4;
	s10 =	smul.u32 $0x14000, s0;
	s6 =	ssub.s32 $0x2, s6  }
0xb: {  	s28 =	smul.u32 $0x50000, s0;
	s23 =	sshll.u32 s0, $0x6;
	s2 =	sor.u32 s0, s2  }
0xc: {  	s30 =	sshrl.u32 s6, $0x1;
	s23 =	sor.u32 $0x1C03, s23;
	s8 =	smul.u32 $0x2800, s2  }
0xd: {  	s2 =	rddreg [dreg:$0x4];
	_ =	strace $0x8000004A;
	s9 =	sadd.s32 s10, s9  }
0xe: {  	s13 =	ssub.s32 s6, s30;
	s31 =	sshrl.u32 s28, $0x2;
	s8 =	sshrl.u32 s8, $0x3  }
0xf: {  	s29 =	sshrl.u32 s9, $0x3;
	s6 =	sadd.s32 s31, s4;
	s11 =	sadd.s32 s8, s7  }
0x10: {  	s12 =	sadd.s32 s29, s7;
	s24 =	sshrl.u32 s6, $0x3;
	s7 =	sadd.s32 $0x4C00, s11  }
0x11: {  	s8 =	sadd.s32 $0xEC00, s11;
	s9 =	sadd.s32 $0x4E80, s11;
	s10 =	sadd.s32 $0xEE80, s11  }
0x12: {  	s11 =	sadd.s32 $0x69400, s12;
	s12 =	smax.u32 s13, $0x1;
	s13 =	simm.s32 $0xA800  }
.LBB2_1:
0x13: {  	[tilespmem:s13], [sflag:$0x3] =	stream.linear.gather [hbm4b:s3+s5], $0x800, $0x38;
	[tilespmem:$0x1F000] =	vst v63  }
0x14: {  	_ =	swait.ge [sflag:s14], $0x800  }
0x15: {  	[sflag:s14] =	ssyncset.done $0x0  }
0x16: {  	s26 =	sadd.s32 $0x0, s6;
	[sflag:s14] =	ssyncadd.s32 $0xFFFFF800  }
0x17: {  	[spmem:s26] =	stream.linear.scatter [tilespmem:s13], [sflag:$0x3], $0x800, $0x38;
	[tilespmem:$0x1F000] =	vst v63  }
0x18: {  	s26 =	simm.s32 $0x2000;
	_ =	swait.ge [sflag:s14], $0x800  }
.LBB2_2:
0x19: {  	s28 =	sshra.s32 s26, $0x2;
	[sflag:s14] =	ssyncset.done $0x0;
	p0 =	sne.s32 s26, $0x4E000  }
.Ltmp0:
0x1a: {  	s28 =	sadd.s32 s28, s6;
	[sflag:s14] =	ssyncadd.s32 $0xFFFFF800;
	(pc) =	sbr.rel @p0 .LBB2_2-.Ltmp0, $3  }
0x1b: {  	[spmem:s28] =	stream.linear.scatter [tilespmem:s13], [sflag:$0x3], $0x800, $0x38;
	[tilespmem:$0x1F000] =	vst v63  }
0x1c: {  	s26 =	sadd.s32 $0x2000, s26;
	_ =	sdelay $0x1  }
0x1d: {  	_ =	swait.ge [sflag:s14], $0x800  }
0x1e: {  	[sflag:s14] =	ssyncset.done $0x0  }
0x1f: {  	[sflag:s14] =	ssyncadd.s32 $0xFFFFF800  }
0x20: {  	s26 =	simm.s32 $0x0;
	[bflag:$0x0] =	sbarrier.arrive $0xFFFF  }
0x21: {  	[tilespmem:s26], [sflag:$0x3] =	stream.linear.gather [hbm4b:s7+s26], $0x1400, $0x38;
	[tilespmem:$0x1F000] =	vst v63  }
0x22: {  	_ =	swait.ge [sflag:s14], $0x1400  }
0x23: {  	[sflag:s14] =	ssyncset.done $0x0  }
0x24: {  	[sflag:s14] =	ssyncadd.s32 $0xFFFFEC00  }
0x25: {  	[tilespmem:s15], [sflag:$0x3] =	stream.linear.gather [hbm4b:s8+s26], $0x1400, $0x38;
	[tilespmem:$0x1F000] =	vst v63  }
0x26: {  	_ =	swait.ge [sflag:s14], $0x1400  }
0x27: {  	[sflag:s14] =	ssyncset.done $0x0  }
0x28: {  	[sflag:s14] =	ssyncadd.s32 $0xFFFFEC00  }
0x29: {  	[tilespmem:s17], [sflag:$0x1] =	stream.indirect.gather [hbm4b:s1+s16], $0x80, s26, s16, $0xb8;
	[tilespmem:$0x1F000] =	vst v63  }
0x2a: {  	_ = 	snop  }
0x2b: {  	[tilespmem:s18], [sflag:$0x2] =	stream.indirect.gather [hbm4b:s1+s16], $0x80, s16, s16, $0xb8;
	[tilespmem:$0x1F000] =	vst v63  }
0x2c: {  	_ =	swait.ge [sflag:s19], $0x4000  }
0x2d: {  	[sflag:s19] =	ssyncset.done $0x0  }
0x2e: {  	s29 =	simm.s32 $0x1400;
	[sflag:s19] =	ssyncadd.s32 $0xFFFFC000  }
0x2f: {  	[spmem:s4] =	stream.indirect.scatter.add.f32 [tilespmem:s17], [sflag:$0x3], $0x80, s29, s16, $0xb8;
	[tilespmem:$0x1F000] =	vst v63  }
0x30: {  	_ =	swait.ge [sflag:s14], $0x4000  }
0x31: {  	[sflag:s14] =	ssyncset.done $0x0  }
0x32: {  	s30 =	simm.s32 $0x100;
	[sflag:s14] =	ssyncadd.s32 $0xFFFFC000  }
0x33: {  	[tilespmem:s17], [sflag:$0x1] =	stream.indirect.gather [hbm4b:s1+s16], $0x80, s30, s16, $0xb8;
	[tilespmem:$0x1F000] =	vst v63  }
0x34: {  	_ =	swait.ge [sflag:s20], $0x4000  }
0x35: {  	[sflag:s20] =	ssyncset.done $0x0  }
0x36: {  	s31 =	simm.s32 $0x1480;
	[sflag:s20] =	ssyncadd.s32 $0xFFFFC000  }
0x37: {  	[spmem:s4] =	stream.indirect.scatter.add.f32 [tilespmem:s18], [sflag:$0x3], $0x80, s31, s16, $0xb8;
	[tilespmem:$0x1F000] =	vst v63  }
0x38: {  	_ =	swait.ge [sflag:s14], $0x4000  }
0x39: {  	[sflag:s14] =	ssyncset.done $0x0  }
0x3a: {  	s28 =	simm.s32 $0x180;
	s26 =	simm.s32 $0x400;
	[sflag:s14] =	ssyncadd.s32 $0xFFFFC000  }
.LBB2_4:
0x3b: {  	[tilespmem:s18], [sflag:$0x2] =	stream.indirect.gather [hbm4b:s1+s16], $0x80, s28, s16, $0xb8;
	[tilespmem:$0x1F000] =	vst v63  }
0x3c: {  	s28 =	smov.u32 s26  }
0x3d: {  	p0 =	sne.s32 s26, $0x4800;
	s26 =	sadd.s32 $0x400, s26;
	_ =	swait.ge [sflag:s19], $0x4000  }
0x3e: {  	s28 =	sshra.s32 s28, $0x2;
	[sflag:s19] =	ssyncset.done $0x0  }
0x3f: {  	s29 =	sadd.s32 $0x1400, s28;
	[sflag:s19] =	ssyncadd.s32 $0xFFFFC000  }
0x40: {  	[spmem:s4] =	stream.indirect.scatter.add.f32 [tilespmem:s17], [sflag:$0x3], $0x80, s29, s16, $0xb8;
	[tilespmem:$0x1F000] =	vst v63  }
0x41: {  	_ =	swait.ge [sflag:s14], $0x4000  }
0x42: {  	[sflag:s14] =	ssyncset.done $0x0  }
0x43: {  	s29 =	sadd.s32 $0x100, s28;
	[sflag:s14] =	ssyncadd.s32 $0xFFFFC000  }
0x44: {  	[tilespmem:s17], [sflag:$0x1] =	stream.indirect.gather [hbm4b:s1+s16], $0x80, s29, s16, $0xb8;
	[tilespmem:$0x1F000] =	vst v63  }
0x45: {  	_ =	swait.ge [sflag:s20], $0x4000  }
0x46: {  	[sflag:s20] =	ssyncset.done $0x0  }
.Ltmp1:
0x47: {  	s29 =	sadd.s32 $0x1480, s28;
	[sflag:s20] =	ssyncadd.s32 $0xFFFFC000;
	(pc) =	sbr.rel @p0 .LBB2_4-.Ltmp1, $4  }
0x48: {  	[spmem:s4] =	stream.indirect.scatter.add.f32 [tilespmem:s18], [sflag:$0x3], $0x80, s29, s16, $0xb8;
	[tilespmem:$0x1F000] =	vst v63  }
0x49: {  	_ =	swait.ge [sflag:s14], $0x4000  }
0x4a: {  	[sflag:s14] =	ssyncset.done $0x0  }
0x4b: {  	s28 =	sadd.s32 $0x180, s28;
	[sflag:s14] =	ssyncadd.s32 $0xFFFFC000  }
0x4c: {  	[tilespmem:s18], [sflag:$0x2] =	stream.indirect.gather [hbm4b:s1+s16], $0x80, s28, s16, $0xb8;
	[tilespmem:$0x1F000] =	vst v63  }
0x4d: {  	_ =	swait.ge [sflag:s19], $0x4000  }
0x4e: {  	[sflag:s19] =	ssyncset.done $0x0  }
0x4f: {  	[sflag:s19] =	ssyncadd.s32 $0xFFFFC000  }
0x50: {  	[spmem:s4] =	stream.indirect.scatter.add.f32 [tilespmem:s17], [sflag:$0x3], $0x80, s21, s16, $0xb8;
	[tilespmem:$0x1F000] =	vst v63  }
0x51: {  	_ =	swait.ge [sflag:s14], $0x4000  }
0x52: {  	[sflag:s14] =	ssyncset.done $0x0  }
0x53: {  	[sflag:s14] =	ssyncadd.s32 $0xFFFFC000  }
0x54: {  	_ =	swait.ge [sflag:s20], $0x4000  }
0x55: {  	[sflag:s20] =	ssyncset.done $0x0  }
0x56: {  	[sflag:s20] =	ssyncadd.s32 $0xFFFFC000  }
0x57: {  	[spmem:s4] =	stream.indirect.scatter.add.f32 [tilespmem:s18], [sflag:$0x3], $0x80, s22, s16, $0xb8;
	[tilespmem:$0x1F000] =	vst v63  }
0x58: {  	_ =	swait.ge [sflag:s14], $0x4000  }
0x59: {  	[sflag:s14] =	ssyncset.done $0x0  }
0x5a: {  	s26 =	simm.s32 $0x0;
	[sflag:s14] =	ssyncadd.s32 $0xFFFFC000  }
0x5b: {  	[tilespmem:s26], [sflag:$0x3] =	stream.linear.gather [hbm4b:s9+s26], $0x1400, $0x38;
	[tilespmem:$0x1F000] =	vst v63  }
0x5c: {  	_ =	swait.ge [sflag:s14], $0x1400  }
0x5d: {  	[sflag:s14] =	ssyncset.done $0x0  }
0x5e: {  	[sflag:s14] =	ssyncadd.s32 $0xFFFFEC00  }
0x5f: {  	[tilespmem:s15], [sflag:$0x3] =	stream.linear.gather [hbm4b:s10+s26], $0x1400, $0x38;
	[tilespmem:$0x1F000] =	vst v63  }
0x60: {  	_ =	swait.ge [sflag:s14], $0x1400  }
0x61: {  	[sflag:s14] =	ssyncset.done $0x0  }
0x62: {  	[sflag:s14] =	ssyncadd.s32 $0xFFFFEC00  }
0x63: {  	[tilespmem:s17], [sflag:$0x1] =	stream.indirect.gather [hbm4b:s1+s16], $0x80, s26, s16, $0xb8;
	[tilespmem:$0x1F000] =	vst v63  }
0x64: {  	_ = 	snop  }
0x65: {  	[tilespmem:s18], [sflag:$0x2] =	stream.indirect.gather [hbm4b:s1+s16], $0x80, s16, s16, $0xb8;
	[tilespmem:$0x1F000] =	vst v63  }
0x66: {  	_ =	swait.ge [sflag:s19], $0x4000  }
0x67: {  	[sflag:s19] =	ssyncset.done $0x0  }
0x68: {  	s29 =	simm.s32 $0x1400;
	[sflag:s19] =	ssyncadd.s32 $0xFFFFC000  }
0x69: {  	[spmem:s4] =	stream.indirect.scatter.add.f32 [tilespmem:s17], [sflag:$0x3], $0x80, s29, s16, $0xb8;
	[tilespmem:$0x1F000] =	vst v63  }
0x6a: {  	_ =	swait.ge [sflag:s14], $0x4000  }
0x6b: {  	[sflag:s14] =	ssyncset.done $0x0  }
0x6c: {  	s30 =	simm.s32 $0x100;
	[sflag:s14] =	ssyncadd.s32 $0xFFFFC000  }
0x6d: {  	[tilespmem:s17], [sflag:$0x1] =	stream.indirect.gather [hbm4b:s1+s16], $0x80, s30, s16, $0xb8;
	[tilespmem:$0x1F000] =	vst v63  }
0x6e: {  	_ =	swait.ge [sflag:s20], $0x4000  }
0x6f: {  	[sflag:s20] =	ssyncset.done $0x0  }
0x70: {  	s31 =	simm.s32 $0x1480;
	[sflag:s20] =	ssyncadd.s32 $0xFFFFC000  }
0x71: {  	[spmem:s4] =	stream.indirect.scatter.add.f32 [tilespmem:s18], [sflag:$0x3], $0x80, s31, s16, $0xb8;
	[tilespmem:$0x1F000] =	vst v63  }
0x72: {  	_ =	swait.ge [sflag:s14], $0x4000  }
0x73: {  	[sflag:s14] =	ssyncset.done $0x0  }
0x74: {  	s28 =	simm.s32 $0x180;
	s26 =	simm.s32 $0x400;
	[sflag:s14] =	ssyncadd.s32 $0xFFFFC000  }
.LBB2_6:
0x75: {  	[tilespmem:s18], [sflag:$0x2] =	stream.indirect.gather [hbm4b:s1+s16], $0x80, s28, s16, $0xb8;
	[tilespmem:$0x1F000] =	vst v63  }
0x76: {  	s28 =	smov.u32 s26  }
0x77: {  	p0 =	sne.s32 s26, $0x4800;
	s26 =	sadd.s32 $0x400, s26;
	_ =	swait.ge [sflag:s19], $0x4000  }
0x78: {  	s28 =	sshra.s32 s28, $0x2;
	[sflag:s19] =	ssyncset.done $0x0  }
0x79: {  	s29 =	sadd.s32 $0x1400, s28;
	[sflag:s19] =	ssyncadd.s32 $0xFFFFC000  }
0x7a: {  	[spmem:s4] =	stream.indirect.scatter.add.f32 [tilespmem:s17], [sflag:$0x3], $0x80, s29, s16, $0xb8;
	[tilespmem:$0x1F000] =	vst v63  }
0x7b: {  	_ =	swait.ge [sflag:s14], $0x4000  }
0x7c: {  	[sflag:s14] =	ssyncset.done $0x0  }
0x7d: {  	s29 =	sadd.s32 $0x100, s28;
	[sflag:s14] =	ssyncadd.s32 $0xFFFFC000  }
0x7e: {  	[tilespmem:s17], [sflag:$0x1] =	stream.indirect.gather [hbm4b:s1+s16], $0x80, s29, s16, $0xb8;
	[tilespmem:$0x1F000] =	vst v63  }
0x7f: {  	_ =	swait.ge [sflag:s20], $0x4000  }
0x80: {  	[sflag:s20] =	ssyncset.done $0x0  }
.Ltmp2:
0x81: {  	s29 =	sadd.s32 $0x1480, s28;
	[sflag:s20] =	ssyncadd.s32 $0xFFFFC000;
	(pc) =	sbr.rel @p0 .LBB2_6-.Ltmp2, $4  }
0x82: {  	[spmem:s4] =	stream.indirect.scatter.add.f32 [tilespmem:s18], [sflag:$0x3], $0x80, s29, s16, $0xb8;
	[tilespmem:$0x1F000] =	vst v63  }
0x83: {  	_ =	swait.ge [sflag:s14], $0x4000  }
0x84: {  	[sflag:s14] =	ssyncset.done $0x0  }
0x85: {  	s28 =	sadd.s32 $0x180, s28;
	[sflag:s14] =	ssyncadd.s32 $0xFFFFC000  }
0x86: {  	[tilespmem:s18], [sflag:$0x2] =	stream.indirect.gather [hbm4b:s1+s16], $0x80, s28, s16, $0xb8;
	[tilespmem:$0x1F000] =	vst v63  }
0x87: {  	_ =	swait.ge [sflag:s19], $0x4000  }
0x88: {  	[sflag:s19] =	ssyncset.done $0x0  }
0x89: {  	[sflag:s19] =	ssyncadd.s32 $0xFFFFC000  }
0x8a: {  	[spmem:s4] =	stream.indirect.scatter.add.f32 [tilespmem:s17], [sflag:$0x3], $0x80, s21, s16, $0xb8;
	[tilespmem:$0x1F000] =	vst v63  }
0x8b: {  	_ =	swait.ge [sflag:s14], $0x4000  }
0x8c: {  	[sflag:s14] =	ssyncset.done $0x0  }
0x8d: {  	[sflag:s14] =	ssyncadd.s32 $0xFFFFC000  }
0x8e: {  	_ =	swait.ge [sflag:s20], $0x4000  }
0x8f: {  	[sflag:s20] =	ssyncset.done $0x0  }
0x90: {  	[sflag:s20] =	ssyncadd.s32 $0xFFFFC000  }
0x91: {  	[spmem:s4] =	stream.indirect.scatter.add.f32 [tilespmem:s18], [sflag:$0x3], $0x80, s22, s16, $0xb8;
	[tilespmem:$0x1F000] =	vst v63  }
0x92: {  	_ =	swait.ge [sflag:s14], $0x4000  }
0x93: {  	s25 =	sadd.s32 $0x1, s25;
	[sflag:s14] =	ssyncset.done $0x0  }
0x94: {  	p0 =	sne.s32 s25, s12;
	[sflag:s14] =	ssyncadd.s32 $0xFFFFC000  }
.Ltmp3:
0x95: {  	[bflag:$0x0] =	sbarrier.arrive $0xFFFF;
	(pc) =	sbr.rel @p0 .LBB2_1-.Ltmp3, $4  }
0x96: {  	[hbm:s11], [sflag:s23] =	dma.local [spmem:s24], $0x2800  }
0x97: {  	_ =	swait.ge [sflag:s14], $0x2800  }
0x98: {  	[sflag:s14] =	ssyncset.done $0x0  }
0x99: {  	[sflag:s14] =	ssyncadd.s32 $0xFFFFD800  }
0x9a: {  	_ =	sfence.sel $0x180000  }
0x9b: {  	[bflag:$0x0] =	sbarrier.arrive $0xFFFF  }
0x9c: {  	p0 =	sne.s32 s0, $0x0;
	_ =	strace $0x9000004A  }
0x9d: {  	s0 =	sadd.s32 @!p0 $0x100000, s2;
	[bflag:$0x2] =	sbarrier.arrive $0xFFFF  }
0x9e: {  	[sflag:s0] =	ssyncadd.tile.s32 @!p0 $0x1;
	_ =	shalt  }
.Lfunc_end2:
_tile_overlayer_lowered:
.L_overlay_start_2:
0x9f: {  	(tag) =	ssettag $0x2  }
0xa0: {  	s0 =	rddreg [dreg:$0x0];
	s2 =	stileid.u32  }
0xa1: {  	s1 =	rddreg [dreg:$0x1];
	p0 =	sne.s32 s2, $0x0  }
0xa2: {  	s3 =	rddreg [dreg:$0x2];
	[bflag:$0x3] =	sbarrier.arrive $0xFFFF;
	s2 =	simm.s32 @!p0 $0x1C03  }
0xa3: {  	[timem:s3], [sflag:s2] =	dma.local @!p0 [hbm:s0], s1  }
0xa4: {  	s0 =	simm.s32 @!p0 $0x3  }
0xa5: {  	_ =	swait.ge @!p0 [sflag:s0], s1  }
0xa6: {  	s1 =	ssub.s32 @!p0 $0x0, s1;
	[sflag:s0] =	ssyncset.done @!p0 $0x0  }
0xa7: {  	[sflag:s0] =	ssyncadd.s32 @!p0 s1  }
0xa8: {  	[bflag:$0x3] =	sbarrier.arrive $0xFFFF  }
0xa9: {  	_ =	shalt  }

// kernel: kernel.18.cloned.1.call-start
scs
__scs_entry_jumppad:
0x0: {  	(pc) =	sbr.rel $0x88, $3  }
0x1: {  	(tag) =	ssettag $0x0;
	lr =	simm.s32 $0x1  }
0x2: {  	[smem:$0x3F8C] =	sst lr;
	_ =	strace $0xD0000000  }
0x3: {  	_ = 	snop  }
0x4: {  	_ = 	snop  }
0x5: {  	_ = 	snop  }
0x6: {  	_ = 	snop  }
0x7: {  	_ = 	snop  }
__scs_overlays_trampoline_lowered:
0x8: {  	[smem:$0x3F9B] =	sst s0  }
0x9: {  	[smem:$0x3F9C] =	sst s1  }
0xa: {  	[smem:$0x3F9D] =	sst s2  }
0xb: {  	[smem:$0x3F9E] =	sst s3  }
0xc: {  	[smem:$0x3F9F] =	sst s4  }
0xd: {  	[smem:$0x3FA0] =	sst s5  }
0xe: {  	[smem:$0x3FA1] =	sst s6  }
0xf: {  	[smem:$0x3FA2] =	sst s7  }
0x10: {  	[smem:$0x3FA3] =	sst s8  }
0x11: {  	[smem:$0x3FA4] =	sst s9;
	s0 =	simm.s32 @!p0 $0x0  }
0x12: {  	s1 =	sld [smem:$0x3F8A];
	s0 =	simm.s32 @p0 $0x1  }
0x13: {  	[smem:$0x3FA5] =	sst s0;
	s0 =	simm.s32 @!p1 $0x0  }
0x14: {  	s2 =	sld [smem:$0x3F89];
	s0 =	simm.s32 @p1 $0x1  }
0x15: {  	[smem:$0x3FA6] =	sst s0;
	s0 =	simm.s32 @!p2 $0x0  }
0x16: {  	s3 =	sld [smem:$0x3FDB];
	s0 =	simm.s32 @p2 $0x1  }
0x17: {  	s4 =	simm.s32 $0x1BF5;
	[smem:$0x3FA8] =	sst s0  }
0x18: {  	s0 =	sld [smem:$0x3F8B];
	_ =	swait.ge [sflag:s4], $0x0  }
0x19: {  	s7 =	sld [smem:$0x3F8C]  }
0x1a: {  	s8 =	sadd.s32 $0xFFFFE003, lr  }
0x1b: {  	s9 =	sadd.s32 $0xFFFFFEF7, lr;
	s5 =	simm.s32 $0xFFFFFFFF;
	p2 =	slt.u32 s8, $0xFFFFF086  }
0x1c: {  	p1 =	slt.u32 s9, $0xF7A;
	s5 =	simm.s32 @!p2 $0x0  }
0x1d: {  	s5 =	simm.s32 @p1 $0x1;
	p0 =	seq.s32 s7, s2  }
0x1e: {  	s7 =	smul.u32 @!p0 $0xF7A, s2;
	p2 =	seq.s32 @!p0 s5, $0x0  }
0x1f: {  	s9 =	smul.u32 $0xF7A, s1;
	s8 =	simm.s32 @!p0 $0x1BF5;
	p2 =	por !p2, p0  }
0x20: {  	[sflag:s8] =	ssyncset.s32 @!p0 $0xFFFFF086;
	s6 =	sadd.s32 @!p0 s3, s7;
	s7 =	simm.s32 @!p0 $0x108  }
0x21: {  	s3 =	sadd.s32 s3, s9;
	s6 =	sadd.s32 @!p0 $0x88, s6;
	s7 =	simm.s32 @p2 $0x1082  }
0x22: {  	[simem:s7], [sflag:s8] =	dma.local @!p0 [hbm:s6], $0xF7A  }
0x23: {  	s9 =	sor.u32 $0xD0000000, s2;
	s6 =	simm.s32 $0x108;
	_ =	swait.ge @!p0 [sflag:s8], $0x0  }
0x24: {  	s3 =	sadd.s32 $0x88, s3;
	s6 =	simm.s32 @!p1 $0x1082;
	[sflag:s4] =	ssyncset.s32 $0xFFFFF086  }
0x25: {  	[simem:s6], [sflag:s4] =	dma.local [hbm:s3], $0xF7A  }
0x26: {  	[smem:$0x3F8C] =	sst s1;
	(tag) =	ssettag s2;
	_ =	strace s9  }
0x27: {  	s1 =	sld [smem:$0x3F9C]  }
0x28: {  	s2 =	sld [smem:$0x3F9D]  }
0x29: {  	s4 =	sld [smem:$0x3F9F]  }
0x2a: {  	p0 =	seq.s32 s5, $0x0;
	s5 =	sld [smem:$0x3FA0]  }
0x2b: {  	s6 =	sld [smem:$0x3FA1]  }
0x2c: {  	s7 =	sld [smem:$0x3FA2]  }
0x2d: {  	s3 =	simm.s32 $0x108;
	s8 =	sld [smem:$0x3FA3]  }
0x2e: {  	s3 =	simm.s32 @!p0 $0x1082;
	s9 =	sld [smem:$0x3FA4]  }
0x2f: {  	lr =	sadd.s32 s0, s3;
	s0 =	sld [smem:$0x3F9B]  }
0x30: {  	s3 =	sld [smem:$0x3F9E]  }
0x31: {  	[smem:$0x3FA7] =	sst s10  }
0x32: {  	s10 =	sld [smem:$0x3FA5];
	_ =	sdelay $0x3  }
0x33: {  	p0 =	seq.s32 s10, $0x1;
	s10 =	sld [smem:$0x3FA7];
	_ =	sdelay $0x3  }
0x34: {  	[smem:$0x3FA7] =	sst s10  }
0x35: {  	s10 =	sld [smem:$0x3FA6];
	_ =	sdelay $0x3  }
0x36: {  	p1 =	seq.s32 s10, $0x1;
	s10 =	sld [smem:$0x3FA7];
	_ =	sdelay $0x3  }
0x37: {  	[smem:$0x3FA7] =	sst s10  }
0x38: {  	s10 =	sld [smem:$0x3FA8]  }
0x39: {  	_ = 	snop;
	(pc) =	sbr.ind lr, $3  }
0x3a: {  	_ = 	snop  }
0x3b: {  	_ = 	snop  }
0x3c: {  	p2 =	seq.s32 s10, $0x1;
	s10 =	sld [smem:$0x3FA7]  }
0x3d: {  	_ =	shalt  }
0x3e: {  	_ =	shalt  }
0x3f: {  	_ =	shalt  }
0x40: {  	_ =	shalt  }
0x41: {  	_ =	shalt  }
0x42: {  	_ =	shalt  }
0x43: {  	_ =	shalt  }
0x44: {  	_ =	shalt  }
0x45: {  	_ =	shalt  }
0x46: {  	_ =	shalt  }
0x47: {  	_ =	shalt  }
0x48: {  	_ =	shalt  }
0x49: {  	_ =	shalt  }
0x4a: {  	_ =	shalt  }
0x4b: {  	_ =	shalt  }
0x4c: {  	_ =	shalt  }
0x4d: {  	_ =	shalt  }
0x4e: {  	_ =	shalt  }
0x4f: {  	_ =	shalt  }
0x50: {  	_ =	shalt  }
0x51: {  	_ =	shalt  }
0x52: {  	_ =	shalt  }
0x53: {  	_ =	shalt  }
0x54: {  	_ =	shalt  }
0x55: {  	_ =	shalt  }
0x56: {  	_ =	shalt  }
0x57: {  	_ =	shalt  }
0x58: {  	_ =	shalt  }
0x59: {  	_ =	shalt  }
0x5a: {  	_ =	shalt  }
0x5b: {  	_ =	shalt  }
0x5c: {  	_ =	shalt  }
0x5d: {  	_ =	shalt  }
0x5e: {  	_ =	shalt  }
0x5f: {  	_ =	shalt  }
0x60: {  	_ =	shalt  }
0x61: {  	_ =	shalt  }
0x62: {  	_ =	shalt  }
0x63: {  	_ =	shalt  }
0x64: {  	_ =	shalt  }
0x65: {  	_ =	shalt  }
0x66: {  	_ =	shalt  }
0x67: {  	_ =	shalt  }
0x68: {  	_ =	shalt  }
0x69: {  	_ =	shalt  }
0x6a: {  	_ =	shalt  }
0x6b: {  	_ =	shalt  }
0x6c: {  	_ =	shalt  }
0x6d: {  	_ =	shalt  }
0x6e: {  	_ =	shalt  }
0x6f: {  	_ =	shalt  }
0x70: {  	_ =	shalt  }
0x71: {  	_ =	shalt  }
0x72: {  	_ =	shalt  }
0x73: {  	_ =	shalt  }
0x74: {  	_ =	shalt  }
0x75: {  	_ =	shalt  }
0x76: {  	_ =	shalt  }
0x77: {  	_ =	shalt  }
0x78: {  	_ =	shalt  }
0x79: {  	_ =	shalt  }
0x7a: {  	_ =	shalt  }
0x7b: {  	_ =	shalt  }
0x7c: {  	_ =	shalt  }
0x7d: {  	_ =	shalt  }
0x7e: {  	_ =	shalt  }
0x7f: {  	_ =	shalt  }
0x80: {  	_ =	shalt  }
0x81: {  	_ =	shalt  }
0x82: {  	_ =	shalt  }
0x83: {  	_ =	shalt  }
0x84: {  	_ =	shalt  }
0x85: {  	_ =	shalt  }
0x86: {  	_ =	shalt  }
0x87: {  	_ =	shalt  }
.Lfunc_end0:
.L_simem_size_0:
called_computation.2_lowered:
.L_overlay_start_0:
0x88: {  	s2 =	sld [smem:$0x3FD9]  }
0x89: {  	s3 =	sld [smem:$0x3FFE];
	_ =	sdelay $0x1  }
0x8a: {  	s1 =	srdreg.scid  }
0x8b: {  	s0 =	sand.u32 $0x1, s1  }
0x8c: {  	s17 =	sshll.u32 s0, $0xA;
	s2 =	sadd.s32 s3, s2  }
0x8d: {  	s2 =	sadd.s32 s2, s17  }
0x8e: {  	[smem:$0x3FB3] =	sst s2  }
0x8f: {  	_ = 	snop  }
0x90: {  	s2 =	sld [smem:$0x3FD0];
	(tm) =	ssettm $0x1  }
0x91: {  	s18 =	sld [smem:$0x3FFB];
	_ =	sdelay $0x3  }
0x92: {  	_ =	strace s18  }
0x93: {  	s3 =	sld [smem:$0x3FFC];
	_ =	sdelay $0x3  }
0x94: {  	_ =	strace s3  }
0x95: {  	s3 =	sld [smem:$0x3FFD];
	_ =	sdelay $0x3  }
0x96: {  	_ =	strace s3  }
0x97: {  	_ =	strace $0x8FFFFFFF  }
0x98: {  	s19 =	sld [smem:$0x3FDB];
	_ =	sdelay $0x1  }
0x99: {  	s4 =	simm.s32 $_scs_section_size  }
0x9a: {  	s5 =	simm.s32 $_size__tile_overlayer_lowered;
	s6 =	simm.s32 $_tile_overlayer_lowered  }
0x9b: {  	s22 =	simm.s32 $0x1BFF;
	s21 =	sshll.u32 s6, $0x1;
	s3 =	sadd.s32 s4, s19  }
0x9c: {  	s7 =	simm.s32 $0x0;
	s20 =	sshll.u32 s5, $0x1;
	s5 =	sadd.s32 s21, s3  }
0x9d: {  	[timem:s7], [sflag:s22] =	dma.local [hbm:s5], s20  }
0x9e: {  	_ =	swait.ge [sflag:s22], s20  }
0x9f: {  	s4 =	ssub.s32 $0x0, s20;
	[sflag:s22] =	ssyncset.done $0x0  }
0xa0: {  	[sflag:s22] =	ssyncadd.s32 s4;
	_ =	sdelay $0x1  }
0xa1: {  	s23 =	simm.s32 $0x1B8B  }
0xa2: {  	_ =	swait.ge [sflag:s23], $0x1  }
0xa3: {  	[sflag:s23] =	ssyncset.done $0x0  }
0xa4: {  	s25 =	simm.s32 $0x1B8E;
	s24 =	sld [smem:$0x3FFE];
	[sflag:s23] =	ssyncadd.s32 $0xFFFFFFFF  }
0xa5: {  	s26 =	simm.s32 $execute0_lowered;
	[smem:$0x3FD2] =	sst s25  }
0xa6: {  	s5 =	sshll.u32 s26, $0x1;
	_ =	strace $0x8000004C;
	[dreg:$0x1] =	wrdreg $0xFFFFFFFF  }
0xa7: {  	s28 =	simm.s32 $_size_execute0_lowered;
	s3 =	sadd.s32 s3, s5;
	[dreg:$0x0] =	wrdreg $0x0  }
0xa8: {  	s5 =	sshll.u32 s28, $0x1;
	[dreg:$0x2] =	wrdreg s3  }
0xa9: {  	[dreg:$0x3] =	wrdreg s5  }
0xaa: {  	[dreg:$0x4] =	wrdreg $0xC0  }
0xab: {  	_ =	task [dreg:s7], $0x5FFFF  }
0xac: {  	[dreg:$0x1] =	wrdreg $0xFFFFFFFF  }
0xad: {  	[dreg:$0x0] =	wrdreg $0x60  }
0xae: {  	[dreg:$0x2] =	wrdreg s24  }
0xaf: {  	[dreg:$0x3] =	wrdreg s2  }
0xb0: {  	[dreg:$0x4] =	wrdreg $0xB0000  }
0xb1: {  	[dreg:$0x5] =	wrdreg $0x9  }
0xb2: {  	_ =	task.clear_ibuf [dreg:s7], $0x6FFFF;
	_ =	strace $0x9000004C  }
0xb3: {  	s29 =	simm.s32 $0x9;
	_ =	strace $0x8000004E  }
0xb4: {  	_ =	swait.ge [sflag:s29], $0x1  }
0xb5: {  	[sflag:s29] =	ssyncadd.s32 $0xFFFFFFFF  }
0xb6: {  	_ =	strace $0x9000004E  }
0xb7: {  	_ =	sfence  }
0xb8: {  	s30 =	sld [smem:$0x0];
	_ =	sdelay $0x2  }
0xb9: {  	s31 =	sshll.u32 s1, $0xD;
	s1 =	sshrl.u32 s1, $0x2  }
0xba: {  	s3 =	sand.u32 $0x4000, s31;
	s1 =	sadd.s32 s1, s30  }
0xbb: {  	s0 =	sor.u32 s3, s0;
	s1 =	sshll.u32 s1, $0x11  }
0xbc: {  	s0 =	sor.u32 s1, s0  }
0xbd: {  	s0 =	sadd.s32 $0x8F2B, s0  }
0xbe: {  	[sflag:s0] =	ssyncadd.remote.s32 $0x1  }
0xbf: {  	_ =	sfence.sel $0xFFFF  }
0xc0: {  	[dreg:$0x0] =	wrdreg $0xFFFFFFFF;
	(pc) =	sbr.abs _section_cstart, $3  }
0xc1: {  	[dreg:$0x1] =	wrdreg $0xFFFFFFFF  }
0xc2: {  	_ =	task.clear_ibuf [dreg:s7], $0x2FFFF;
	_ =	strace $0x9FFFFFFF  }
0xc3: {  	(tm) =	ssettm $0x7FFFFFFF  }
tec
execute0_lowered:
.L_overlay_start_1:
0x0: {  	(tag) =	ssettag $0x1  }
0x1: {  	s7 =	rddreg [dreg:$0x0]  }
0x2: {  	s2 =	rddreg [dreg:$0x1]  }
0x3: {  	s0 =	srdreg.scid;
	s3 =	rddreg [dreg:$0x2];
	s4 =	simm.s32 $0x0  }
0x4: {  	s14 =	simm.s32 $0x3;
	s15 =	simm.s32 $0x1400;
	s16 =	simm.s32 $0x80  }
0x5: {  	s17 =	simm.s32 $0x2800;
	s18 =	simm.s32 $0x6800;
	s19 =	simm.s32 $0x1  }
0x6: {  	s20 =	simm.s32 $0x2;
	s21 =	simm.s32 $0x2700;
	s22 =	simm.s32 $0x2780  }
0x7: {  	s25 =	simm.s32 $0x0;
	s6 =	sand.u32 $0x1, s0;
	s0 =	stileid.u32  }
0x8: {  	[smem:$0x7FF] =	sst s4;
	s5 =	sadd.s32 $0x69400, s7;
	s9 =	smul.u32 $0x140000, s6  }
0x9: {  	s1 =	sshll.u32 s6, $0x4;
	s10 =	smul.u32 $0x14000, s0;
	s6 =	ssub.s32 $0x2, s6  }
0xa: {  	s28 =	smul.u32 $0x50000, s0;
	s23 =	sshll.u32 s0, $0x6;
	s1 =	sor.u32 s0, s1  }
0xb: {  	s30 =	sshrl.u32 s6, $0x1;
	s23 =	sor.u32 $0x1C03, s23;
	s8 =	smul.u32 $0x2800, s1  }
0xc: {  	s1 =	rddreg [dreg:$0x3];
	_ =	strace $0x8000004D;
	s9 =	sadd.s32 s10, s9  }
0xd: {  	s13 =	ssub.s32 s6, s30;
	s31 =	sshrl.u32 s28, $0x2;
	s8 =	sshrl.u32 s8, $0x3  }
0xe: {  	s29 =	sshrl.u32 s9, $0x3;
	s6 =	sadd.s32 s31, s3;
	s11 =	sadd.s32 s8, s7  }
0xf: {  	s12 =	sadd.s32 s29, s7;
	s24 =	sshrl.u32 s6, $0x3;
	s7 =	sadd.s32 $0x4C00, s11  }
0x10: {  	s8 =	sadd.s32 $0xEC00, s11;
	s9 =	sadd.s32 $0x4E80, s11;
	s10 =	sadd.s32 $0xEE80, s11  }
0x11: {  	s11 =	sadd.s32 $0x90600, s12;
	s12 =	smax.u32 s13, $0x1;
	s13 =	simm.s32 $0xA800  }
.LBB2_1:
0x12: {  	[tilespmem:s13], [sflag:$0x3] =	stream.linear.gather [hbm4b:s2+s4], $0x800, $0x38;
	[tilespmem:$0x1F000] =	vst v63  }
0x13: {  	_ =	swait.ge [sflag:s14], $0x800  }
0x14: {  	[sflag:s14] =	ssyncset.done $0x0  }
0x15: {  	s26 =	sadd.s32 $0x0, s6;
	[sflag:s14] =	ssyncadd.s32 $0xFFFFF800  }
0x16: {  	[spmem:s26] =	stream.linear.scatter [tilespmem:s13], [sflag:$0x3], $0x800, $0x38;
	[tilespmem:$0x1F000] =	vst v63  }
0x17: {  	s26 =	simm.s32 $0x2000;
	_ =	swait.ge [sflag:s14], $0x800  }
.LBB2_2:
0x18: {  	s28 =	sshra.s32 s26, $0x2;
	[sflag:s14] =	ssyncset.done $0x0;
	p0 =	sne.s32 s26, $0x4E000  }
.Ltmp0:
0x19: {  	s28 =	sadd.s32 s28, s6;
	[sflag:s14] =	ssyncadd.s32 $0xFFFFF800;
	(pc) =	sbr.rel @p0 .LBB2_2-.Ltmp0, $3  }
0x1a: {  	[spmem:s28] =	stream.linear.scatter [tilespmem:s13], [sflag:$0x3], $0x800, $0x38;
	[tilespmem:$0x1F000] =	vst v63  }
0x1b: {  	s26 =	sadd.s32 $0x2000, s26;
	_ =	sdelay $0x1  }
0x1c: {  	_ =	swait.ge [sflag:s14], $0x800  }
0x1d: {  	[sflag:s14] =	ssyncset.done $0x0  }
0x1e: {  	[sflag:s14] =	ssyncadd.s32 $0xFFFFF800  }
0x1f: {  	s26 =	simm.s32 $0x0;
	[bflag:$0x0] =	sbarrier.arrive $0xFFFF  }
0x20: {  	[tilespmem:s26], [sflag:$0x3] =	stream.linear.gather [hbm4b:s7+s26], $0x1400, $0x38;
	[tilespmem:$0x1F000] =	vst v63  }
0x21: {  	_ =	swait.ge [sflag:s14], $0x1400  }
0x22: {  	[sflag:s14] =	ssyncset.done $0x0  }
0x23: {  	[sflag:s14] =	ssyncadd.s32 $0xFFFFEC00  }
0x24: {  	[tilespmem:s15], [sflag:$0x3] =	stream.linear.gather [hbm4b:s8+s26], $0x1400, $0x38;
	[tilespmem:$0x1F000] =	vst v63  }
0x25: {  	_ =	swait.ge [sflag:s14], $0x1400  }
0x26: {  	[sflag:s14] =	ssyncset.done $0x0  }
0x27: {  	[sflag:s14] =	ssyncadd.s32 $0xFFFFEC00  }
0x28: {  	[tilespmem:s17], [sflag:$0x1] =	stream.indirect.gather [hbm4b:s5+s16], $0x80, s26, s16, $0xb8;
	[tilespmem:$0x1F000] =	vst v63  }
0x29: {  	_ = 	snop  }
0x2a: {  	[tilespmem:s18], [sflag:$0x2] =	stream.indirect.gather [hbm4b:s5+s16], $0x80, s16, s16, $0xb8;
	[tilespmem:$0x1F000] =	vst v63  }
0x2b: {  	_ =	swait.ge [sflag:s19], $0x4000  }
0x2c: {  	[sflag:s19] =	ssyncset.done $0x0  }
0x2d: {  	s29 =	simm.s32 $0x1400;
	[sflag:s19] =	ssyncadd.s32 $0xFFFFC000  }
0x2e: {  	[spmem:s3] =	stream.indirect.scatter.add.f32 [tilespmem:s17], [sflag:$0x3], $0x80, s29, s16, $0xb8;
	[tilespmem:$0x1F000] =	vst v63  }
0x2f: {  	_ =	swait.ge [sflag:s14], $0x4000  }
0x30: {  	[sflag:s14] =	ssyncset.done $0x0  }
0x31: {  	s30 =	simm.s32 $0x100;
	[sflag:s14] =	ssyncadd.s32 $0xFFFFC000  }
0x32: {  	[tilespmem:s17], [sflag:$0x1] =	stream.indirect.gather [hbm4b:s5+s16], $0x80, s30, s16, $0xb8;
	[tilespmem:$0x1F000] =	vst v63  }
0x33: {  	_ =	swait.ge [sflag:s20], $0x4000  }
0x34: {  	[sflag:s20] =	ssyncset.done $0x0  }
0x35: {  	s31 =	simm.s32 $0x1480;
	[sflag:s20] =	ssyncadd.s32 $0xFFFFC000  }
0x36: {  	[spmem:s3] =	stream.indirect.scatter.add.f32 [tilespmem:s18], [sflag:$0x3], $0x80, s31, s16, $0xb8;
	[tilespmem:$0x1F000] =	vst v63  }
0x37: {  	_ =	swait.ge [sflag:s14], $0x4000  }
0x38: {  	[sflag:s14] =	ssyncset.done $0x0  }
0x39: {  	s28 =	simm.s32 $0x180;
	s26 =	simm.s32 $0x400;
	[sflag:s14] =	ssyncadd.s32 $0xFFFFC000  }
.LBB2_4:
0x3a: {  	[tilespmem:s18], [sflag:$0x2] =	stream.indirect.gather [hbm4b:s5+s16], $0x80, s28, s16, $0xb8;
	[tilespmem:$0x1F000] =	vst v63  }
0x3b: {  	s28 =	smov.u32 s26  }
0x3c: {  	p0 =	sne.s32 s26, $0x4800;
	s26 =	sadd.s32 $0x400, s26;
	_ =	swait.ge [sflag:s19], $0x4000  }
0x3d: {  	s28 =	sshra.s32 s28, $0x2;
	[sflag:s19] =	ssyncset.done $0x0  }
0x3e: {  	s29 =	sadd.s32 $0x1400, s28;
	[sflag:s19] =	ssyncadd.s32 $0xFFFFC000  }
0x3f: {  	[spmem:s3] =	stream.indirect.scatter.add.f32 [tilespmem:s17], [sflag:$0x3], $0x80, s29, s16, $0xb8;
	[tilespmem:$0x1F000] =	vst v63  }
0x40: {  	_ =	swait.ge [sflag:s14], $0x4000  }
0x41: {  	[sflag:s14] =	ssyncset.done $0x0  }
0x42: {  	s29 =	sadd.s32 $0x100, s28;
	[sflag:s14] =	ssyncadd.s32 $0xFFFFC000  }
0x43: {  	[tilespmem:s17], [sflag:$0x1] =	stream.indirect.gather [hbm4b:s5+s16], $0x80, s29, s16, $0xb8;
	[tilespmem:$0x1F000] =	vst v63  }
0x44: {  	_ =	swait.ge [sflag:s20], $0x4000  }
0x45: {  	[sflag:s20] =	ssyncset.done $0x0  }
.Ltmp1:
0x46: {  	s29 =	sadd.s32 $0x1480, s28;
	[sflag:s20] =	ssyncadd.s32 $0xFFFFC000;
	(pc) =	sbr.rel @p0 .LBB2_4-.Ltmp1, $4  }
0x47: {  	[spmem:s3] =	stream.indirect.scatter.add.f32 [tilespmem:s18], [sflag:$0x3], $0x80, s29, s16, $0xb8;
	[tilespmem:$0x1F000] =	vst v63  }
0x48: {  	_ =	swait.ge [sflag:s14], $0x4000  }
0x49: {  	[sflag:s14] =	ssyncset.done $0x0  }
0x4a: {  	s28 =	sadd.s32 $0x180, s28;
	[sflag:s14] =	ssyncadd.s32 $0xFFFFC000  }
0x4b: {  	[tilespmem:s18], [sflag:$0x2] =	stream.indirect.gather [hbm4b:s5+s16], $0x80, s28, s16, $0xb8;
	[tilespmem:$0x1F000] =	vst v63  }
0x4c: {  	_ =	swait.ge [sflag:s19], $0x4000  }
0x4d: {  	[sflag:s19] =	ssyncset.done $0x0  }
0x4e: {  	[sflag:s19] =	ssyncadd.s32 $0xFFFFC000  }
0x4f: {  	[spmem:s3] =	stream.indirect.scatter.add.f32 [tilespmem:s17], [sflag:$0x3], $0x80, s21, s16, $0xb8;
	[tilespmem:$0x1F000] =	vst v63  }
0x50: {  	_ =	swait.ge [sflag:s14], $0x4000  }
0x51: {  	[sflag:s14] =	ssyncset.done $0x0  }
0x52: {  	[sflag:s14] =	ssyncadd.s32 $0xFFFFC000  }
0x53: {  	_ =	swait.ge [sflag:s20], $0x4000  }
0x54: {  	[sflag:s20] =	ssyncset.done $0x0  }
0x55: {  	[sflag:s20] =	ssyncadd.s32 $0xFFFFC000  }
0x56: {  	[spmem:s3] =	stream.indirect.scatter.add.f32 [tilespmem:s18], [sflag:$0x3], $0x80, s22, s16, $0xb8;
	[tilespmem:$0x1F000] =	vst v63  }
0x57: {  	_ =	swait.ge [sflag:s14], $0x4000  }
0x58: {  	[sflag:s14] =	ssyncset.done $0x0  }
0x59: {  	s26 =	simm.s32 $0x0;
	[sflag:s14] =	ssyncadd.s32 $0xFFFFC000  }
0x5a: {  	[tilespmem:s26], [sflag:$0x3] =	stream.linear.gather [hbm4b:s9+s26], $0x1400, $0x38;
	[tilespmem:$0x1F000] =	vst v63  }
0x5b: {  	_ =	swait.ge [sflag:s14], $0x1400  }
0x5c: {  	[sflag:s14] =	ssyncset.done $0x0  }
0x5d: {  	[sflag:s14] =	ssyncadd.s32 $0xFFFFEC00  }
0x5e: {  	[tilespmem:s15], [sflag:$0x3] =	stream.linear.gather [hbm4b:s10+s26], $0x1400, $0x38;
	[tilespmem:$0x1F000] =	vst v63  }
0x5f: {  	_ =	swait.ge [sflag:s14], $0x1400  }
0x60: {  	[sflag:s14] =	ssyncset.done $0x0  }
0x61: {  	[sflag:s14] =	ssyncadd.s32 $0xFFFFEC00  }
0x62: {  	[tilespmem:s17], [sflag:$0x1] =	stream.indirect.gather [hbm4b:s5+s16], $0x80, s26, s16, $0xb8;
	[tilespmem:$0x1F000] =	vst v63  }
0x63: {  	_ = 	snop  }
0x64: {  	[tilespmem:s18], [sflag:$0x2] =	stream.indirect.gather [hbm4b:s5+s16], $0x80, s16, s16, $0xb8;
	[tilespmem:$0x1F000] =	vst v63  }
0x65: {  	_ =	swait.ge [sflag:s19], $0x4000  }
0x66: {  	[sflag:s19] =	ssyncset.done $0x0  }
0x67: {  	s29 =	simm.s32 $0x1400;
	[sflag:s19] =	ssyncadd.s32 $0xFFFFC000  }
0x68: {  	[spmem:s3] =	stream.indirect.scatter.add.f32 [tilespmem:s17], [sflag:$0x3], $0x80, s29, s16, $0xb8;
	[tilespmem:$0x1F000] =	vst v63  }
0x69: {  	_ =	swait.ge [sflag:s14], $0x4000  }
0x6a: {  	[sflag:s14] =	ssyncset.done $0x0  }
0x6b: {  	s30 =	simm.s32 $0x100;
	[sflag:s14] =	ssyncadd.s32 $0xFFFFC000  }
0x6c: {  	[tilespmem:s17], [sflag:$0x1] =	stream.indirect.gather [hbm4b:s5+s16], $0x80, s30, s16, $0xb8;
	[tilespmem:$0x1F000] =	vst v63  }
0x6d: {  	_ =	swait.ge [sflag:s20], $0x4000  }
0x6e: {  	[sflag:s20] =	ssyncset.done $0x0  }
0x6f: {  	s31 =	simm.s32 $0x1480;
	[sflag:s20] =	ssyncadd.s32 $0xFFFFC000  }
0x70: {  	[spmem:s3] =	stream.indirect.scatter.add.f32 [tilespmem:s18], [sflag:$0x3], $0x80, s31, s16, $0xb8;
	[tilespmem:$0x1F000] =	vst v63  }
0x71: {  	_ =	swait.ge [sflag:s14], $0x4000  }
0x72: {  	[sflag:s14] =	ssyncset.done $0x0  }
0x73: {  	s28 =	simm.s32 $0x180;
	s26 =	simm.s32 $0x400;
	[sflag:s14] =	ssyncadd.s32 $0xFFFFC000  }
.LBB2_6:
0x74: {  	[tilespmem:s18], [sflag:$0x2] =	stream.indirect.gather [hbm4b:s5+s16], $0x80, s28, s16, $0xb8;
	[tilespmem:$0x1F000] =	vst v63  }
0x75: {  	s28 =	smov.u32 s26  }
0x76: {  	p0 =	sne.s32 s26, $0x4800;
	s26 =	sadd.s32 $0x400, s26;
	_ =	swait.ge [sflag:s19], $0x4000  }
0x77: {  	s28 =	sshra.s32 s28, $0x2;
	[sflag:s19] =	ssyncset.done $0x0  }
0x78: {  	s29 =	sadd.s32 $0x1400, s28;
	[sflag:s19] =	ssyncadd.s32 $0xFFFFC000  }
0x79: {  	[spmem:s3] =	stream.indirect.scatter.add.f32 [tilespmem:s17], [sflag:$0x3], $0x80, s29, s16, $0xb8;
	[tilespmem:$0x1F000] =	vst v63  }
0x7a: {  	_ =	swait.ge [sflag:s14], $0x4000  }
0x7b: {  	[sflag:s14] =	ssyncset.done $0x0  }
0x7c: {  	s29 =	sadd.s32 $0x100, s28;
	[sflag:s14] =	ssyncadd.s32 $0xFFFFC000  }
0x7d: {  	[tilespmem:s17], [sflag:$0x1] =	stream.indirect.gather [hbm4b:s5+s16], $0x80, s29, s16, $0xb8;
	[tilespmem:$0x1F000] =	vst v63  }
0x7e: {  	_ =	swait.ge [sflag:s20], $0x4000  }
0x7f: {  	[sflag:s20] =	ssyncset.done $0x0  }
.Ltmp2:
0x80: {  	s29 =	sadd.s32 $0x1480, s28;
	[sflag:s20] =	ssyncadd.s32 $0xFFFFC000;
	(pc) =	sbr.rel @p0 .LBB2_6-.Ltmp2, $4  }
0x81: {  	[spmem:s3] =	stream.indirect.scatter.add.f32 [tilespmem:s18], [sflag:$0x3], $0x80, s29, s16, $0xb8;
	[tilespmem:$0x1F000] =	vst v63  }
0x82: {  	_ =	swait.ge [sflag:s14], $0x4000  }
0x83: {  	[sflag:s14] =	ssyncset.done $0x0  }
0x84: {  	s28 =	sadd.s32 $0x180, s28;
	[sflag:s14] =	ssyncadd.s32 $0xFFFFC000  }
0x85: {  	[tilespmem:s18], [sflag:$0x2] =	stream.indirect.gather [hbm4b:s5+s16], $0x80, s28, s16, $0xb8;
	[tilespmem:$0x1F000] =	vst v63  }
0x86: {  	_ =	swait.ge [sflag:s19], $0x4000  }
0x87: {  	[sflag:s19] =	ssyncset.done $0x0  }
0x88: {  	[sflag:s19] =	ssyncadd.s32 $0xFFFFC000  }
0x89: {  	[spmem:s3] =	stream.indirect.scatter.add.f32 [tilespmem:s17], [sflag:$0x3], $0x80, s21, s16, $0xb8;
	[tilespmem:$0x1F000] =	vst v63  }
0x8a: {  	_ =	swait.ge [sflag:s14], $0x4000  }
0x8b: {  	[sflag:s14] =	ssyncset.done $0x0  }
0x8c: {  	[sflag:s14] =	ssyncadd.s32 $0xFFFFC000  }
0x8d: {  	_ =	swait.ge [sflag:s20], $0x4000  }
0x8e: {  	[sflag:s20] =	ssyncset.done $0x0  }
0x8f: {  	[sflag:s20] =	ssyncadd.s32 $0xFFFFC000  }
0x90: {  	[spmem:s3] =	stream.indirect.scatter.add.f32 [tilespmem:s18], [sflag:$0x3], $0x80, s22, s16, $0xb8;
	[tilespmem:$0x1F000] =	vst v63  }
0x91: {  	_ =	swait.ge [sflag:s14], $0x4000  }
0x92: {  	s25 =	sadd.s32 $0x1, s25;
	[sflag:s14] =	ssyncset.done $0x0  }
0x93: {  	p0 =	sne.s32 s25, s12;
	[sflag:s14] =	ssyncadd.s32 $0xFFFFC000  }
.Ltmp3:
0x94: {  	[bflag:$0x0] =	sbarrier.arrive $0xFFFF;
	(pc) =	sbr.rel @p0 .LBB2_1-.Ltmp3, $4  }
0x95: {  	[hbm:s11], [sflag:s23] =	dma.local [spmem:s24], $0x2800  }
0x96: {  	_ =	swait.ge [sflag:s14], $0x2800  }
0x97: {  	[sflag:s14] =	ssyncset.done $0x0  }
0x98: {  	[sflag:s14] =	ssyncadd.s32 $0xFFFFD800  }
0x99: {  	_ =	sfence.sel $0x180000  }
0x9a: {  	[bflag:$0x0] =	sbarrier.arrive $0xFFFF  }
0x9b: {  	p0 =	sne.s32 s0, $0x0;
	_ =	strace $0x9000004D  }
0x9c: {  	s0 =	sadd.s32 @!p0 $0x100000, s1;
	[bflag:$0x2] =	sbarrier.arrive $0xFFFF  }
0x9d: {  	[sflag:s0] =	ssyncadd.tile.s32 @!p0 $0x1;
	_ =	shalt  }
.Lfunc_end2:
_tile_overlayer_lowered:
.L_overlay_start_2:
0x9e: {  	(tag) =	ssettag $0x2  }
0x9f: {  	s0 =	rddreg [dreg:$0x0];
	s2 =	stileid.u32  }
0xa0: {  	s1 =	rddreg [dreg:$0x1];
	p0 =	sne.s32 s2, $0x0  }
0xa1: {  	s3 =	rddreg [dreg:$0x2];
	[bflag:$0x3] =	sbarrier.arrive $0xFFFF;
	s2 =	simm.s32 @!p0 $0x1C03  }
0xa2: {  	[timem:s3], [sflag:s2] =	dma.local @!p0 [hbm:s0], s1  }
0xa3: {  	s0 =	simm.s32 @!p0 $0x3  }
0xa4: {  	_ =	swait.ge @!p0 [sflag:s0], s1  }
0xa5: {  	s1 =	ssub.s32 @!p0 $0x0, s1;
	[sflag:s0] =	ssyncset.done @!p0 $0x0  }
0xa6: {  	[sflag:s0] =	ssyncadd.s32 @!p0 s1  }
0xa7: {  	[bflag:$0x3] =	sbarrier.arrive $0xFFFF  }
0xa8: {  	_ =	shalt  }

// kernel: kernel.21.cloned.1.call-start
scs
__scs_entry_jumppad:
0x0: {  	(pc) =	sbr.rel $0x88, $3  }
0x1: {  	(tag) =	ssettag $0x0;
	lr =	simm.s32 $0x1  }
0x2: {  	[smem:$0x3F8C] =	sst lr;
	_ =	strace $0xD0000000  }
0x3: {  	_ = 	snop  }
0x4: {  	_ = 	snop  }
0x5: {  	_ = 	snop  }
0x6: {  	_ = 	snop  }
0x7: {  	_ = 	snop  }
__scs_overlays_trampoline_lowered:
0x8: {  	[smem:$0x3F9B] =	sst s0  }
0x9: {  	[smem:$0x3F9C] =	sst s1  }
0xa: {  	[smem:$0x3F9D] =	sst s2  }
0xb: {  	[smem:$0x3F9E] =	sst s3  }
0xc: {  	[smem:$0x3F9F] =	sst s4  }
0xd: {  	[smem:$0x3FA0] =	sst s5  }
0xe: {  	[smem:$0x3FA1] =	sst s6  }
0xf: {  	[smem:$0x3FA2] =	sst s7  }
0x10: {  	[smem:$0x3FA3] =	sst s8  }
0x11: {  	[smem:$0x3FA4] =	sst s9;
	s0 =	simm.s32 @!p0 $0x0  }
0x12: {  	s1 =	sld [smem:$0x3F8A];
	s0 =	simm.s32 @p0 $0x1  }
0x13: {  	[smem:$0x3FA5] =	sst s0;
	s0 =	simm.s32 @!p1 $0x0  }
0x14: {  	s2 =	sld [smem:$0x3F89];
	s0 =	simm.s32 @p1 $0x1  }
0x15: {  	[smem:$0x3FA6] =	sst s0;
	s0 =	simm.s32 @!p2 $0x0  }
0x16: {  	s3 =	sld [smem:$0x3FDB];
	s0 =	simm.s32 @p2 $0x1  }
0x17: {  	s4 =	simm.s32 $0x1BF5;
	[smem:$0x3FA8] =	sst s0  }
0x18: {  	s0 =	sld [smem:$0x3F8B];
	_ =	swait.ge [sflag:s4], $0x0  }
0x19: {  	s7 =	sld [smem:$0x3F8C]  }
0x1a: {  	s8 =	sadd.s32 $0xFFFFE003, lr  }
0x1b: {  	s9 =	sadd.s32 $0xFFFFFEF7, lr;
	s5 =	simm.s32 $0xFFFFFFFF;
	p2 =	slt.u32 s8, $0xFFFFF086  }
0x1c: {  	p1 =	slt.u32 s9, $0xF7A;
	s5 =	simm.s32 @!p2 $0x0  }
0x1d: {  	s5 =	simm.s32 @p1 $0x1;
	p0 =	seq.s32 s7, s2  }
0x1e: {  	s7 =	smul.u32 @!p0 $0xF7A, s2;
	p2 =	seq.s32 @!p0 s5, $0x0  }
0x1f: {  	s9 =	smul.u32 $0xF7A, s1;
	s8 =	simm.s32 @!p0 $0x1BF5;
	p2 =	por !p2, p0  }
0x20: {  	[sflag:s8] =	ssyncset.s32 @!p0 $0xFFFFF086;
	s6 =	sadd.s32 @!p0 s3, s7;
	s7 =	simm.s32 @!p0 $0x108  }
0x21: {  	s3 =	sadd.s32 s3, s9;
	s6 =	sadd.s32 @!p0 $0x88, s6;
	s7 =	simm.s32 @p2 $0x1082  }
0x22: {  	[simem:s7], [sflag:s8] =	dma.local @!p0 [hbm:s6], $0xF7A  }
0x23: {  	s9 =	sor.u32 $0xD0000000, s2;
	s6 =	simm.s32 $0x108;
	_ =	swait.ge @!p0 [sflag:s8], $0x0  }
0x24: {  	s3 =	sadd.s32 $0x88, s3;
	s6 =	simm.s32 @!p1 $0x1082;
	[sflag:s4] =	ssyncset.s32 $0xFFFFF086  }
0x25: {  	[simem:s6], [sflag:s4] =	dma.local [hbm:s3], $0xF7A  }
0x26: {  	[smem:$0x3F8C] =	sst s1;
	(tag) =	ssettag s2;
	_ =	strace s9  }
0x27: {  	s1 =	sld [smem:$0x3F9C]  }
0x28: {  	s2 =	sld [smem:$0x3F9D]  }
0x29: {  	s4 =	sld [smem:$0x3F9F]  }
0x2a: {  	p0 =	seq.s32 s5, $0x0;
	s5 =	sld [smem:$0x3FA0]  }
0x2b: {  	s6 =	sld [smem:$0x3FA1]  }
0x2c: {  	s7 =	sld [smem:$0x3FA2]  }
0x2d: {  	s3 =	simm.s32 $0x108;
	s8 =	sld [smem:$0x3FA3]  }
0x2e: {  	s3 =	simm.s32 @!p0 $0x1082;
	s9 =	sld [smem:$0x3FA4]  }
0x2f: {  	lr =	sadd.s32 s0, s3;
	s0 =	sld [smem:$0x3F9B]  }
0x30: {  	s3 =	sld [smem:$0x3F9E]  }
0x31: {  	[smem:$0x3FA7] =	sst s10  }
0x32: {  	s10 =	sld [smem:$0x3FA5];
	_ =	sdelay $0x3  }
0x33: {  	p0 =	seq.s32 s10, $0x1;
	s10 =	sld [smem:$0x3FA7];
	_ =	sdelay $0x3  }
0x34: {  	[smem:$0x3FA7] =	sst s10  }
0x35: {  	s10 =	sld [smem:$0x3FA6];
	_ =	sdelay $0x3  }
0x36: {  	p1 =	seq.s32 s10, $0x1;
	s10 =	sld [smem:$0x3FA7];
	_ =	sdelay $0x3  }
0x37: {  	[smem:$0x3FA7] =	sst s10  }
0x38: {  	s10 =	sld [smem:$0x3FA8]  }
0x39: {  	_ = 	snop;
	(pc) =	sbr.ind lr, $3  }
0x3a: {  	_ = 	snop  }
0x3b: {  	_ = 	snop  }
0x3c: {  	p2 =	seq.s32 s10, $0x1;
	s10 =	sld [smem:$0x3FA7]  }
0x3d: {  	_ =	shalt  }
0x3e: {  	_ =	shalt  }
0x3f: {  	_ =	shalt  }
0x40: {  	_ =	shalt  }
0x41: {  	_ =	shalt  }
0x42: {  	_ =	shalt  }
0x43: {  	_ =	shalt  }
0x44: {  	_ =	shalt  }
0x45: {  	_ =	shalt  }
0x46: {  	_ =	shalt  }
0x47: {  	_ =	shalt  }
0x48: {  	_ =	shalt  }
0x49: {  	_ =	shalt  }
0x4a: {  	_ =	shalt  }
0x4b: {  	_ =	shalt  }
0x4c: {  	_ =	shalt  }
0x4d: {  	_ =	shalt  }
0x4e: {  	_ =	shalt  }
0x4f: {  	_ =	shalt  }
0x50: {  	_ =	shalt  }
0x51: {  	_ =	shalt  }
0x52: {  	_ =	shalt  }
0x53: {  	_ =	shalt  }
0x54: {  	_ =	shalt  }
0x55: {  	_ =	shalt  }
0x56: {  	_ =	shalt  }
0x57: {  	_ =	shalt  }
0x58: {  	_ =	shalt  }
0x59: {  	_ =	shalt  }
0x5a: {  	_ =	shalt  }
0x5b: {  	_ =	shalt  }
0x5c: {  	_ =	shalt  }
0x5d: {  	_ =	shalt  }
0x5e: {  	_ =	shalt  }
0x5f: {  	_ =	shalt  }
0x60: {  	_ =	shalt  }
0x61: {  	_ =	shalt  }
0x62: {  	_ =	shalt  }
0x63: {  	_ =	shalt  }
0x64: {  	_ =	shalt  }
0x65: {  	_ =	shalt  }
0x66: {  	_ =	shalt  }
0x67: {  	_ =	shalt  }
0x68: {  	_ =	shalt  }
0x69: {  	_ =	shalt  }
0x6a: {  	_ =	shalt  }
0x6b: {  	_ =	shalt  }
0x6c: {  	_ =	shalt  }
0x6d: {  	_ =	shalt  }
0x6e: {  	_ =	shalt  }
0x6f: {  	_ =	shalt  }
0x70: {  	_ =	shalt  }
0x71: {  	_ =	shalt  }
0x72: {  	_ =	shalt  }
0x73: {  	_ =	shalt  }
0x74: {  	_ =	shalt  }
0x75: {  	_ =	shalt  }
0x76: {  	_ =	shalt  }
0x77: {  	_ =	shalt  }
0x78: {  	_ =	shalt  }
0x79: {  	_ =	shalt  }
0x7a: {  	_ =	shalt  }
0x7b: {  	_ =	shalt  }
0x7c: {  	_ =	shalt  }
0x7d: {  	_ =	shalt  }
0x7e: {  	_ =	shalt  }
0x7f: {  	_ =	shalt  }
0x80: {  	_ =	shalt  }
0x81: {  	_ =	shalt  }
0x82: {  	_ =	shalt  }
0x83: {  	_ =	shalt  }
0x84: {  	_ =	shalt  }
0x85: {  	_ =	shalt  }
0x86: {  	_ =	shalt  }
0x87: {  	_ =	shalt  }
.Lfunc_end0:
.L_simem_size_0:
called_computation.3_lowered:
.L_overlay_start_0:
0x88: {  	s2 =	sld [smem:$0x3FD9]  }
0x89: {  	s3 =	sld [smem:$0x3FFE];
	_ =	sdelay $0x1  }
0x8a: {  	s1 =	srdreg.scid  }
0x8b: {  	s0 =	sand.u32 $0x1, s1  }
0x8c: {  	s17 =	sshll.u32 s0, $0xA;
	s2 =	sadd.s32 s3, s2  }
0x8d: {  	s2 =	sadd.s32 s2, s17  }
0x8e: {  	[smem:$0x3FB3] =	sst s2  }
0x8f: {  	_ = 	snop  }
0x90: {  	s2 =	sld [smem:$0x3FD0];
	(tm) =	ssettm $0x1  }
0x91: {  	s18 =	sld [smem:$0x3FFB];
	_ =	sdelay $0x3  }
0x92: {  	_ =	strace s18  }
0x93: {  	s3 =	sld [smem:$0x3FFC];
	_ =	sdelay $0x3  }
0x94: {  	_ =	strace s3  }
0x95: {  	s3 =	sld [smem:$0x3FFD];
	_ =	sdelay $0x3  }
0x96: {  	_ =	strace s3  }
0x97: {  	_ =	strace $0x8FFFFFFF  }
0x98: {  	s19 =	sld [smem:$0x3FDB];
	_ =	sdelay $0x1  }
0x99: {  	s4 =	simm.s32 $_scs_section_size  }
0x9a: {  	s5 =	simm.s32 $_size__tile_overlayer_lowered;
	s6 =	simm.s32 $_tile_overlayer_lowered  }
0x9b: {  	s22 =	simm.s32 $0x1BFF;
	s21 =	sshll.u32 s6, $0x1;
	s3 =	sadd.s32 s4, s19  }
0x9c: {  	s7 =	simm.s32 $0x0;
	s20 =	sshll.u32 s5, $0x1;
	s5 =	sadd.s32 s21, s3  }
0x9d: {  	[timem:s7], [sflag:s22] =	dma.local [hbm:s5], s20  }
0x9e: {  	_ =	swait.ge [sflag:s22], s20  }
0x9f: {  	s4 =	ssub.s32 $0x0, s20;
	[sflag:s22] =	ssyncset.done $0x0  }
0xa0: {  	[sflag:s22] =	ssyncadd.s32 s4;
	_ =	sdelay $0x1  }
0xa1: {  	s23 =	simm.s32 $0x1B8B  }
0xa2: {  	_ =	swait.ge [sflag:s23], $0x1  }
0xa3: {  	[sflag:s23] =	ssyncset.done $0x0  }
0xa4: {  	s25 =	simm.s32 $0x1B8E;
	s24 =	sld [smem:$0x3FFE];
	[sflag:s23] =	ssyncadd.s32 $0xFFFFFFFF  }
0xa5: {  	s26 =	simm.s32 $execute0_lowered;
	[smem:$0x3FD2] =	sst s25  }
0xa6: {  	s5 =	sshll.u32 s26, $0x1;
	_ =	strace $0x8000004F;
	[dreg:$0x1] =	wrdreg $0xFFFFFFFF  }
0xa7: {  	s28 =	simm.s32 $_size_execute0_lowered;
	s3 =	sadd.s32 s3, s5;
	[dreg:$0x0] =	wrdreg $0x0  }
0xa8: {  	s5 =	sshll.u32 s28, $0x1;
	[dreg:$0x2] =	wrdreg s3  }
0xa9: {  	[dreg:$0x3] =	wrdreg s5  }
0xaa: {  	[dreg:$0x4] =	wrdreg $0xC0  }
0xab: {  	_ =	task [dreg:s7], $0x5FFFF  }
0xac: {  	[dreg:$0x1] =	wrdreg $0xFFFFFFFF  }
0xad: {  	[dreg:$0x0] =	wrdreg $0x60  }
0xae: {  	[dreg:$0x2] =	wrdreg s24  }
0xaf: {  	[dreg:$0x3] =	wrdreg s2  }
0xb0: {  	[dreg:$0x4] =	wrdreg $0xB0000  }
0xb1: {  	[dreg:$0x5] =	wrdreg $0x9  }
0xb2: {  	_ =	task.clear_ibuf [dreg:s7], $0x6FFFF;
	_ =	strace $0x9000004F  }
0xb3: {  	s29 =	simm.s32 $0x9;
	_ =	strace $0x80000051  }
0xb4: {  	_ =	swait.ge [sflag:s29], $0x1  }
0xb5: {  	[sflag:s29] =	ssyncadd.s32 $0xFFFFFFFF  }
0xb6: {  	_ =	strace $0x90000051  }
0xb7: {  	_ =	sfence  }
0xb8: {  	s30 =	sld [smem:$0x0];
	_ =	sdelay $0x2  }
0xb9: {  	s31 =	sshll.u32 s1, $0xD;
	s1 =	sshrl.u32 s1, $0x2  }
0xba: {  	s3 =	sand.u32 $0x4000, s31;
	s1 =	sadd.s32 s1, s30  }
0xbb: {  	s0 =	sor.u32 s3, s0;
	s1 =	sshll.u32 s1, $0x11  }
0xbc: {  	s0 =	sor.u32 s1, s0  }
0xbd: {  	s0 =	sadd.s32 $0x8F2B, s0  }
0xbe: {  	[sflag:s0] =	ssyncadd.remote.s32 $0x1  }
0xbf: {  	_ =	sfence.sel $0xFFFF  }
0xc0: {  	[dreg:$0x0] =	wrdreg $0xFFFFFFFF;
	(pc) =	sbr.abs _section_cstart, $3  }
0xc1: {  	[dreg:$0x1] =	wrdreg $0xFFFFFFFF  }
0xc2: {  	_ =	task.clear_ibuf [dreg:s7], $0x2FFFF;
	_ =	strace $0x9FFFFFFF  }
0xc3: {  	(tm) =	ssettm $0x7FFFFFFF  }
tec
execute0_lowered:
.L_overlay_start_1:
0x0: {  	(tag) =	ssettag $0x1  }
0x1: {  	s7 =	rddreg [dreg:$0x0]  }
0x2: {  	s2 =	rddreg [dreg:$0x1]  }
0x3: {  	s0 =	srdreg.scid;
	s3 =	rddreg [dreg:$0x2];
	s4 =	simm.s32 $0x0  }
0x4: {  	s14 =	simm.s32 $0x3;
	s15 =	simm.s32 $0x1400;
	s16 =	simm.s32 $0x80  }
0x5: {  	s17 =	simm.s32 $0x2800;
	s18 =	simm.s32 $0x6800;
	s19 =	simm.s32 $0x1  }
0x6: {  	s20 =	simm.s32 $0x2;
	s21 =	simm.s32 $0x2700;
	s22 =	simm.s32 $0x2780  }
0x7: {  	s25 =	simm.s32 $0x0;
	s6 =	sand.u32 $0x1, s0;
	s0 =	stileid.u32  }
0x8: {  	[smem:$0x7FF] =	sst s4;
	s5 =	sadd.s32 $0x69400, s7;
	s9 =	smul.u32 $0x140000, s6  }
0x9: {  	s1 =	sshll.u32 s6, $0x4;
	s10 =	smul.u32 $0x14000, s0;
	s6 =	ssub.s32 $0x2, s6  }
0xa: {  	s28 =	smul.u32 $0x50000, s0;
	s23 =	sshll.u32 s0, $0x6;
	s1 =	sor.u32 s0, s1  }
0xb: {  	s30 =	sshrl.u32 s6, $0x1;
	s23 =	sor.u32 $0x1C03, s23;
	s8 =	smul.u32 $0x2800, s1  }
0xc: {  	s1 =	rddreg [dreg:$0x3];
	_ =	strace $0x80000050;
	s9 =	sadd.s32 s10, s9  }
0xd: {  	s13 =	ssub.s32 s6, s30;
	s31 =	sshrl.u32 s28, $0x2;
	s8 =	sshrl.u32 s8, $0x3  }
0xe: {  	s29 =	sshrl.u32 s9, $0x3;
	s6 =	sadd.s32 s31, s3;
	s11 =	sadd.s32 s8, s7  }
0xf: {  	s12 =	sadd.s32 s29, s7;
	s24 =	sshrl.u32 s6, $0x3;
	s7 =	sadd.s32 $0x4C00, s11  }
0x10: {  	s8 =	sadd.s32 $0xEC00, s11;
	s9 =	sadd.s32 $0x4E80, s11;
	s10 =	sadd.s32 $0xEE80, s11  }
0x11: {  	s11 =	sadd.s32 $0x90600, s12;
	s12 =	smax.u32 s13, $0x1;
	s13 =	simm.s32 $0xA800  }
.LBB2_1:
0x12: {  	[tilespmem:s13], [sflag:$0x3] =	stream.linear.gather [hbm4b:s2+s4], $0x800, $0x38;
	[tilespmem:$0x1F000] =	vst v63  }
0x13: {  	_ =	swait.ge [sflag:s14], $0x800  }
0x14: {  	[sflag:s14] =	ssyncset.done $0x0  }
0x15: {  	s26 =	sadd.s32 $0x0, s6;
	[sflag:s14] =	ssyncadd.s32 $0xFFFFF800  }
0x16: {  	[spmem:s26] =	stream.linear.scatter [tilespmem:s13], [sflag:$0x3], $0x800, $0x38;
	[tilespmem:$0x1F000] =	vst v63  }
0x17: {  	s26 =	simm.s32 $0x2000;
	_ =	swait.ge [sflag:s14], $0x800  }
.LBB2_2:
0x18: {  	s28 =	sshra.s32 s26, $0x2;
	[sflag:s14] =	ssyncset.done $0x0;
	p0 =	sne.s32 s26, $0x4E000  }
.Ltmp0:
0x19: {  	s28 =	sadd.s32 s28, s6;
	[sflag:s14] =	ssyncadd.s32 $0xFFFFF800;
	(pc) =	sbr.rel @p0 .LBB2_2-.Ltmp0, $3  }
0x1a: {  	[spmem:s28] =	stream.linear.scatter [tilespmem:s13], [sflag:$0x3], $0x800, $0x38;
	[tilespmem:$0x1F000] =	vst v63  }
0x1b: {  	s26 =	sadd.s32 $0x2000, s26;
	_ =	sdelay $0x1  }
0x1c: {  	_ =	swait.ge [sflag:s14], $0x800  }
0x1d: {  	[sflag:s14] =	ssyncset.done $0x0  }
0x1e: {  	[sflag:s14] =	ssyncadd.s32 $0xFFFFF800  }
0x1f: {  	s26 =	simm.s32 $0x0;
	[bflag:$0x0] =	sbarrier.arrive $0xFFFF  }
0x20: {  	[tilespmem:s26], [sflag:$0x3] =	stream.linear.gather [hbm4b:s7+s26], $0x1400, $0x38;
	[tilespmem:$0x1F000] =	vst v63  }
0x21: {  	_ =	swait.ge [sflag:s14], $0x1400  }
0x22: {  	[sflag:s14] =	ssyncset.done $0x0  }
0x23: {  	[sflag:s14] =	ssyncadd.s32 $0xFFFFEC00  }
0x24: {  	[tilespmem:s15], [sflag:$0x3] =	stream.linear.gather [hbm4b:s8+s26], $0x1400, $0x38;
	[tilespmem:$0x1F000] =	vst v63  }
0x25: {  	_ =	swait.ge [sflag:s14], $0x1400  }
0x26: {  	[sflag:s14] =	ssyncset.done $0x0  }
0x27: {  	[sflag:s14] =	ssyncadd.s32 $0xFFFFEC00  }
0x28: {  	[tilespmem:s17], [sflag:$0x1] =	stream.indirect.gather [hbm4b:s5+s16], $0x80, s26, s16, $0xb8;
	[tilespmem:$0x1F000] =	vst v63  }
0x29: {  	_ = 	snop  }
0x2a: {  	[tilespmem:s18], [sflag:$0x2] =	stream.indirect.gather [hbm4b:s5+s16], $0x80, s16, s16, $0xb8;
	[tilespmem:$0x1F000] =	vst v63  }
0x2b: {  	_ =	swait.ge [sflag:s19], $0x4000  }
0x2c: {  	[sflag:s19] =	ssyncset.done $0x0  }
0x2d: {  	s29 =	simm.s32 $0x1400;
	[sflag:s19] =	ssyncadd.s32 $0xFFFFC000  }
0x2e: {  	[spmem:s3] =	stream.indirect.scatter.add.f32 [tilespmem:s17], [sflag:$0x3], $0x80, s29, s16, $0xb8;
	[tilespmem:$0x1F000] =	vst v63  }
0x2f: {  	_ =	swait.ge [sflag:s14], $0x4000  }
0x30: {  	[sflag:s14] =	ssyncset.done $0x0  }
0x31: {  	s30 =	simm.s32 $0x100;
	[sflag:s14] =	ssyncadd.s32 $0xFFFFC000  }
0x32: {  	[tilespmem:s17], [sflag:$0x1] =	stream.indirect.gather [hbm4b:s5+s16], $0x80, s30, s16, $0xb8;
	[tilespmem:$0x1F000] =	vst v63  }
0x33: {  	_ =	swait.ge [sflag:s20], $0x4000  }
0x34: {  	[sflag:s20] =	ssyncset.done $0x0  }
0x35: {  	s31 =	simm.s32 $0x1480;
	[sflag:s20] =	ssyncadd.s32 $0xFFFFC000  }
0x36: {  	[spmem:s3] =	stream.indirect.scatter.add.f32 [tilespmem:s18], [sflag:$0x3], $0x80, s31, s16, $0xb8;
	[tilespmem:$0x1F000] =	vst v63  }
0x37: {  	_ =	swait.ge [sflag:s14], $0x4000  }
0x38: {  	[sflag:s14] =	ssyncset.done $0x0  }
0x39: {  	s28 =	simm.s32 $0x180;
	s26 =	simm.s32 $0x400;
	[sflag:s14] =	ssyncadd.s32 $0xFFFFC000  }
.LBB2_4:
0x3a: {  	[tilespmem:s18], [sflag:$0x2] =	stream.indirect.gather [hbm4b:s5+s16], $0x80, s28, s16, $0xb8;
	[tilespmem:$0x1F000] =	vst v63  }
0x3b: {  	s28 =	smov.u32 s26  }
0x3c: {  	p0 =	sne.s32 s26, $0x4800;
	s26 =	sadd.s32 $0x400, s26;
	_ =	swait.ge [sflag:s19], $0x4000  }
0x3d: {  	s28 =	sshra.s32 s28, $0x2;
	[sflag:s19] =	ssyncset.done $0x0  }
0x3e: {  	s29 =	sadd.s32 $0x1400, s28;
	[sflag:s19] =	ssyncadd.s32 $0xFFFFC000  }
0x3f: {  	[spmem:s3] =	stream.indirect.scatter.add.f32 [tilespmem:s17], [sflag:$0x3], $0x80, s29, s16, $0xb8;
	[tilespmem:$0x1F000] =	vst v63  }
0x40: {  	_ =	swait.ge [sflag:s14], $0x4000  }
0x41: {  	[sflag:s14] =	ssyncset.done $0x0  }
0x42: {  	s29 =	sadd.s32 $0x100, s28;
	[sflag:s14] =	ssyncadd.s32 $0xFFFFC000  }
0x43: {  	[tilespmem:s17], [sflag:$0x1] =	stream.indirect.gather [hbm4b:s5+s16], $0x80, s29, s16, $0xb8;
	[tilespmem:$0x1F000] =	vst v63  }
0x44: {  	_ =	swait.ge [sflag:s20], $0x4000  }
0x45: {  	[sflag:s20] =	ssyncset.done $0x0  }
.Ltmp1:
0x46: {  	s29 =	sadd.s32 $0x1480, s28;
	[sflag:s20] =	ssyncadd.s32 $0xFFFFC000;
	(pc) =	sbr.rel @p0 .LBB2_4-.Ltmp1, $4  }
0x47: {  	[spmem:s3] =	stream.indirect.scatter.add.f32 [tilespmem:s18], [sflag:$0x3], $0x80, s29, s16, $0xb8;
	[tilespmem:$0x1F000] =	vst v63  }
0x48: {  	_ =	swait.ge [sflag:s14], $0x4000  }
0x49: {  	[sflag:s14] =	ssyncset.done $0x0  }
0x4a: {  	s28 =	sadd.s32 $0x180, s28;
	[sflag:s14] =	ssyncadd.s32 $0xFFFFC000  }
0x4b: {  	[tilespmem:s18], [sflag:$0x2] =	stream.indirect.gather [hbm4b:s5+s16], $0x80, s28, s16, $0xb8;
	[tilespmem:$0x1F000] =	vst v63  }
0x4c: {  	_ =	swait.ge [sflag:s19], $0x4000  }
0x4d: {  	[sflag:s19] =	ssyncset.done $0x0  }
0x4e: {  	[sflag:s19] =	ssyncadd.s32 $0xFFFFC000  }
0x4f: {  	[spmem:s3] =	stream.indirect.scatter.add.f32 [tilespmem:s17], [sflag:$0x3], $0x80, s21, s16, $0xb8;
	[tilespmem:$0x1F000] =	vst v63  }
0x50: {  	_ =	swait.ge [sflag:s14], $0x4000  }
0x51: {  	[sflag:s14] =	ssyncset.done $0x0  }
0x52: {  	[sflag:s14] =	ssyncadd.s32 $0xFFFFC000  }
0x53: {  	_ =	swait.ge [sflag:s20], $0x4000  }
0x54: {  	[sflag:s20] =	ssyncset.done $0x0  }
0x55: {  	[sflag:s20] =	ssyncadd.s32 $0xFFFFC000  }
0x56: {  	[spmem:s3] =	stream.indirect.scatter.add.f32 [tilespmem:s18], [sflag:$0x3], $0x80, s22, s16, $0xb8;
	[tilespmem:$0x1F000] =	vst v63  }
0x57: {  	_ =	swait.ge [sflag:s14], $0x4000  }
0x58: {  	[sflag:s14] =	ssyncset.done $0x0  }
0x59: {  	s26 =	simm.s32 $0x0;
	[sflag:s14] =	ssyncadd.s32 $0xFFFFC000  }
0x5a: {  	[tilespmem:s26], [sflag:$0x3] =	stream.linear.gather [hbm4b:s9+s26], $0x1400, $0x38;
	[tilespmem:$0x1F000] =	vst v63  }
0x5b: {  	_ =	swait.ge [sflag:s14], $0x1400  }
0x5c: {  	[sflag:s14] =	ssyncset.done $0x0  }
0x5d: {  	[sflag:s14] =	ssyncadd.s32 $0xFFFFEC00  }
0x5e: {  	[tilespmem:s15], [sflag:$0x3] =	stream.linear.gather [hbm4b:s10+s26], $0x1400, $0x38;
	[tilespmem:$0x1F000] =	vst v63  }
0x5f: {  	_ =	swait.ge [sflag:s14], $0x1400  }
0x60: {  	[sflag:s14] =	ssyncset.done $0x0  }
0x61: {  	[sflag:s14] =	ssyncadd.s32 $0xFFFFEC00  }
0x62: {  	[tilespmem:s17], [sflag:$0x1] =	stream.indirect.gather [hbm4b:s5+s16], $0x80, s26, s16, $0xb8;
	[tilespmem:$0x1F000] =	vst v63  }
0x63: {  	_ = 	snop  }
0x64: {  	[tilespmem:s18], [sflag:$0x2] =	stream.indirect.gather [hbm4b:s5+s16], $0x80, s16, s16, $0xb8;
	[tilespmem:$0x1F000] =	vst v63  }
0x65: {  	_ =	swait.ge [sflag:s19], $0x4000  }
0x66: {  	[sflag:s19] =	ssyncset.done $0x0  }
0x67: {  	s29 =	simm.s32 $0x1400;
	[sflag:s19] =	ssyncadd.s32 $0xFFFFC000  }
0x68: {  	[spmem:s3] =	stream.indirect.scatter.add.f32 [tilespmem:s17], [sflag:$0x3], $0x80, s29, s16, $0xb8;
	[tilespmem:$0x1F000] =	vst v63  }
0x69: {  	_ =	swait.ge [sflag:s14], $0x4000  }
0x6a: {  	[sflag:s14] =	ssyncset.done $0x0  }
0x6b: {  	s30 =	simm.s32 $0x100;
	[sflag:s14] =	ssyncadd.s32 $0xFFFFC000  }
0x6c: {  	[tilespmem:s17], [sflag:$0x1] =	stream.indirect.gather [hbm4b:s5+s16], $0x80, s30, s16, $0xb8;
	[tilespmem:$0x1F000] =	vst v63  }
0x6d: {  	_ =	swait.ge [sflag:s20], $0x4000  }
0x6e: {  	[sflag:s20] =	ssyncset.done $0x0  }
0x6f: {  	s31 =	simm.s32 $0x1480;
	[sflag:s20] =	ssyncadd.s32 $0xFFFFC000  }
0x70: {  	[spmem:s3] =	stream.indirect.scatter.add.f32 [tilespmem:s18], [sflag:$0x3], $0x80, s31, s16, $0xb8;
	[tilespmem:$0x1F000] =	vst v63  }
0x71: {  	_ =	swait.ge [sflag:s14], $0x4000  }
0x72: {  	[sflag:s14] =	ssyncset.done $0x0  }
0x73: {  	s28 =	simm.s32 $0x180;
	s26 =	simm.s32 $0x400;
	[sflag:s14] =	ssyncadd.s32 $0xFFFFC000  }
.LBB2_6:
0x74: {  	[tilespmem:s18], [sflag:$0x2] =	stream.indirect.gather [hbm4b:s5+s16], $0x80, s28, s16, $0xb8;
	[tilespmem:$0x1F000] =	vst v63  }
0x75: {  	s28 =	smov.u32 s26  }
0x76: {  	p0 =	sne.s32 s26, $0x4800;
	s26 =	sadd.s32 $0x400, s26;
	_ =	swait.ge [sflag:s19], $0x4000  }
0x77: {  	s28 =	sshra.s32 s28, $0x2;
	[sflag:s19] =	ssyncset.done $0x0  }
0x78: {  	s29 =	sadd.s32 $0x1400, s28;
	[sflag:s19] =	ssyncadd.s32 $0xFFFFC000  }
0x79: {  	[spmem:s3] =	stream.indirect.scatter.add.f32 [tilespmem:s17], [sflag:$0x3], $0x80, s29, s16, $0xb8;
	[tilespmem:$0x1F000] =	vst v63  }
0x7a: {  	_ =	swait.ge [sflag:s14], $0x4000  }
0x7b: {  	[sflag:s14] =	ssyncset.done $0x0  }
0x7c: {  	s29 =	sadd.s32 $0x100, s28;
	[sflag:s14] =	ssyncadd.s32 $0xFFFFC000  }
0x7d: {  	[tilespmem:s17], [sflag:$0x1] =	stream.indirect.gather [hbm4b:s5+s16], $0x80, s29, s16, $0xb8;
	[tilespmem:$0x1F000] =	vst v63  }
0x7e: {  	_ =	swait.ge [sflag:s20], $0x4000  }
0x7f: {  	[sflag:s20] =	ssyncset.done $0x0  }
.Ltmp2:
0x80: {  	s29 =	sadd.s32 $0x1480, s28;
	[sflag:s20] =	ssyncadd.s32 $0xFFFFC000;
	(pc) =	sbr.rel @p0 .LBB2_6-.Ltmp2, $4  }
0x81: {  	[spmem:s3] =	stream.indirect.scatter.add.f32 [tilespmem:s18], [sflag:$0x3], $0x80, s29, s16, $0xb8;
	[tilespmem:$0x1F000] =	vst v63  }
0x82: {  	_ =	swait.ge [sflag:s14], $0x4000  }
0x83: {  	[sflag:s14] =	ssyncset.done $0x0  }
0x84: {  	s28 =	sadd.s32 $0x180, s28;
	[sflag:s14] =	ssyncadd.s32 $0xFFFFC000  }
0x85: {  	[tilespmem:s18], [sflag:$0x2] =	stream.indirect.gather [hbm4b:s5+s16], $0x80, s28, s16, $0xb8;
	[tilespmem:$0x1F000] =	vst v63  }
0x86: {  	_ =	swait.ge [sflag:s19], $0x4000  }
0x87: {  	[sflag:s19] =	ssyncset.done $0x0  }
0x88: {  	[sflag:s19] =	ssyncadd.s32 $0xFFFFC000  }
0x89: {  	[spmem:s3] =	stream.indirect.scatter.add.f32 [tilespmem:s17], [sflag:$0x3], $0x80, s21, s16, $0xb8;
	[tilespmem:$0x1F000] =	vst v63  }
0x8a: {  	_ =	swait.ge [sflag:s14], $0x4000  }
0x8b: {  	[sflag:s14] =	ssyncset.done $0x0  }
0x8c: {  	[sflag:s14] =	ssyncadd.s32 $0xFFFFC000  }
0x8d: {  	_ =	swait.ge [sflag:s20], $0x4000  }
0x8e: {  	[sflag:s20] =	ssyncset.done $0x0  }
0x8f: {  	[sflag:s20] =	ssyncadd.s32 $0xFFFFC000  }
0x90: {  	[spmem:s3] =	stream.indirect.scatter.add.f32 [tilespmem:s18], [sflag:$0x3], $0x80, s22, s16, $0xb8;
	[tilespmem:$0x1F000] =	vst v63  }
0x91: {  	_ =	swait.ge [sflag:s14], $0x4000  }
0x92: {  	s25 =	sadd.s32 $0x1, s25;
	[sflag:s14] =	ssyncset.done $0x0  }
0x93: {  	p0 =	sne.s32 s25, s12;
	[sflag:s14] =	ssyncadd.s32 $0xFFFFC000  }
.Ltmp3:
0x94: {  	[bflag:$0x0] =	sbarrier.arrive $0xFFFF;
	(pc) =	sbr.rel @p0 .LBB2_1-.Ltmp3, $4  }
0x95: {  	[hbm:s11], [sflag:s23] =	dma.local [spmem:s24], $0x2800  }
0x96: {  	_ =	swait.ge [sflag:s14], $0x2800  }
0x97: {  	[sflag:s14] =	ssyncset.done $0x0  }
0x98: {  	[sflag:s14] =	ssyncadd.s32 $0xFFFFD800  }
0x99: {  	_ =	sfence.sel $0x180000  }
0x9a: {  	[bflag:$0x0] =	sbarrier.arrive $0xFFFF  }
0x9b: {  	p0 =	sne.s32 s0, $0x0;
	_ =	strace $0x90000050  }
0x9c: {  	s0 =	sadd.s32 @!p0 $0x100000, s1;
	[bflag:$0x2] =	sbarrier.arrive $0xFFFF  }
0x9d: {  	[sflag:s0] =	ssyncadd.tile.s32 @!p0 $0x1;
	_ =	shalt  }
.Lfunc_end2:
_tile_overlayer_lowered:
.L_overlay_start_2:
0x9e: {  	(tag) =	ssettag $0x2  }
0x9f: {  	s0 =	rddreg [dreg:$0x0];
	s2 =	stileid.u32  }
0xa0: {  	s1 =	rddreg [dreg:$0x1];
	p0 =	sne.s32 s2, $0x0  }
0xa1: {  	s3 =	rddreg [dreg:$0x2];
	[bflag:$0x3] =	sbarrier.arrive $0xFFFF;
	s2 =	simm.s32 @!p0 $0x1C03  }
0xa2: {  	[timem:s3], [sflag:s2] =	dma.local @!p0 [hbm:s0], s1  }
0xa3: {  	s0 =	simm.s32 @!p0 $0x3  }
0xa4: {  	_ =	swait.ge @!p0 [sflag:s0], s1  }
0xa5: {  	s1 =	ssub.s32 @!p0 $0x0, s1;
	[sflag:s0] =	ssyncset.done @!p0 $0x0  }
0xa6: {  	[sflag:s0] =	ssyncadd.s32 @!p0 s1  }
0xa7: {  	[bflag:$0x3] =	sbarrier.arrive $0xFFFF  }
0xa8: {  	_ =	shalt  }

</sc_bundles>
